<compile_context>
chip_gen: v7x
topology: tpu7x:2x2x1
jax: 0.10.2.dev20260603
libtpu: 0.0.44.dev20260713+nightly
codegen_flags: <defaults>
</compile_context>

<pallas_src>
import functools

import jax
import jax.numpy as jnp
from jax import lax
from jax.experimental import pallas as pl
from jax.experimental.pallas import tpu as pltpu
from jax.experimental.pallas import tpu_sc as plsc

N = 10000
E = 320000
F_IN = 128
H = 32
MH = 64
C_OUT = 10
G = 16

NC = 2
NS = 16
NW = NC * NS
CHUNK = 128
CPW = 80
NCHUNK = NW * CPW
E_PAD = NCHUNK * CHUNK
N_PAD = 10240
RPT = N_PAD // NS

_mesh = plsc.VectorSubcoreMesh(core_axis_name="c", subcore_axis_name="s",
                               num_cores=NC, num_subcores=NS)
_sc_params = pltpu.CompilerParams(use_tc_tiling_on_sc=False)



def _deg_body(colm, wm, out_hbm, deg_sh, col_v, w_v, zbuf):
    c = lax.axis_index("c")
    s = lax.axis_index("s")
    wid = s * NC + c
    lo = pl.multiple_of(wid * CPW, 8)
    pltpu.sync_copy(colm.at[pl.ds(lo, CPW)], col_v)
    pltpu.sync_copy(wm.at[pl.ds(lo, CPW)], w_v)

    zeros16 = jnp.zeros((16,), jnp.float32)

    def zbody(i, carry):
        zbuf[pl.ds(i * 16, 16)] = zeros16
        return carry

    lax.fori_loop(0, RPT // 16, zbody, 0)
    pltpu.sync_copy(zbuf, deg_sh.at[pl.ds(s * RPT, RPT)])
    plsc.subcore_barrier()

    def chunk_body(j, carry):
        pltpu.sync_copy(w_v.at[j], deg_sh.at[col_v.at[j]], add=True)
        return carry

    lax.fori_loop(0, CPW, chunk_body, 0)
    plsc.subcore_barrier()
    pltpu.sync_copy(deg_sh.at[pl.ds(s * RPT, RPT)],
                    out_hbm.at[c, pl.ds(s * RPT, RPT)])


_deg_call = functools.partial(
    pl.kernel,
    _deg_body,
    out_type=jax.ShapeDtypeStruct((NC, N_PAD), jnp.float32),
    mesh=_mesh,
    compiler_params=_sc_params,
    scratch_types=[
        pltpu.VMEM_SHARED((N_PAD,), jnp.float32),
        pltpu.VMEM((CPW, CHUNK), jnp.int32),
        pltpu.VMEM((CPW, CHUNK), jnp.float32),
        pltpu.VMEM((RPT,), jnp.float32),
    ],
)()


def _layer_body(y_hbm, rowm, colm, wm, out_hbm,
                acc_sh, row_v, col_v, w_v, buf, zbuf):
    c = lax.axis_index("c")
    s = lax.axis_index("s")
    wid = s * NC + c
    lo = pl.multiple_of(wid * CPW, 8)
    pltpu.sync_copy(rowm.at[pl.ds(lo, CPW)], row_v)
    pltpu.sync_copy(colm.at[pl.ds(lo, CPW)], col_v)
    pltpu.sync_copy(wm.at[pl.ds(lo, CPW)], w_v)

    zeros16 = jnp.zeros((16,), jnp.float32)

    def zbody(i, carry):
        zbuf[i, pl.ds(0, 16)] = zeros16
        zbuf[i, pl.ds(16, 16)] = zeros16
        return carry

    lax.fori_loop(0, RPT, zbody, 0)
    pltpu.sync_copy(zbuf, acc_sh.at[pl.ds(s * RPT, RPT)])
    plsc.subcore_barrier()

    def chunk_body(j, carry):
        pltpu.sync_copy(y_hbm.at[row_v.at[j]], buf)

        def scale(g, icarry):
            wv = w_v[j, pl.ds(g * 16, 16)]
            for l in range(16):
                e = g * 16 + l
                sw = wv[l]
                buf[e, pl.ds(0, 16)] = buf[e, pl.ds(0, 16)] * sw
                buf[e, pl.ds(16, 16)] = buf[e, pl.ds(16, 16)] * sw
            return icarry

        lax.fori_loop(0, CHUNK // 16, scale, 0)
        pltpu.sync_copy(buf, acc_sh.at[col_v.at[j]], add=True)
        return carry

    lax.fori_loop(0, CPW, chunk_body, 0)
    plsc.subcore_barrier()
    pltpu.sync_copy(acc_sh.at[pl.ds(s * RPT, RPT)],
                    out_hbm.at[c, pl.ds(s * RPT, RPT)])


_layer_call = functools.partial(
    pl.kernel,
    _layer_body,
    out_type=jax.ShapeDtypeStruct((NC, N_PAD, H), jnp.float32),
    mesh=_mesh,
    compiler_params=_sc_params,
    scratch_types=[
        pltpu.VMEM_SHARED((N_PAD, H), jnp.float32),
        pltpu.VMEM((CPW, CHUNK), jnp.int32),
        pltpu.VMEM((CPW, CHUNK), jnp.int32),
        pltpu.VMEM((CPW, CHUNK), jnp.float32),
        pltpu.VMEM((CHUNK, H), jnp.float32),
        pltpu.VMEM((RPT, H), jnp.float32),
    ],
)()



def _tc_first(x_ref, w1_ref, degp_ref, y_ref):
    deg = jnp.sum(degp_ref[:, :N], axis=0) + 1.0
    dinv = lax.rsqrt(deg)
    xw = jnp.dot(x_ref[...], w1_ref[...], preferred_element_type=jnp.float32)
    y_ref[...] = xw * dinv[:, None]


def _tc_mid(a_ref, y_ref, degp_ref, b_ref, w_ref, out_ref):
    deg = jnp.sum(degp_ref[:, :N], axis=0) + 1.0
    dinv = lax.rsqrt(deg)
    asum = a_ref[0, :N] + a_ref[1, :N] + y_ref[...]
    h = jnp.maximum(asum * dinv[:, None] + b_ref[...], 0.0)
    out_ref[...] = jnp.dot(
        h, w_ref[...], preferred_element_type=jnp.float32) * dinv[:, None]


def _tc_final(a_ref, y_ref, degp_ref, b3_ref, batch_ref,
              l1w, l1b, l2w, l2b, l3w, l3b, l4w, l4b, out_ref):
    deg = jnp.sum(degp_ref[:, :N], axis=0) + 1.0
    dinv = lax.rsqrt(deg)
    h = (a_ref[0, :N] + a_ref[1, :N] + y_ref[...]) * dinv[:, None] + b3_ref[...]
    onehot = (batch_ref[...] == lax.broadcasted_iota(jnp.int32, (1, G), 1))
    onehot = onehot.astype(jnp.float32)
    sums = lax.dot_general(onehot, h, (((0,), (0,)), ((), ())),
                           preferred_element_type=jnp.float32)
    counts = jnp.sum(onehot, axis=0)
    pooled = sums / jnp.maximum(counts, 1.0)[:, None]
    o = jnp.maximum(jnp.dot(pooled, l1w[...],
                            preferred_element_type=jnp.float32) + l1b[...], 0.0)
    o = jnp.maximum(jnp.dot(o, l2w[...],
                            preferred_element_type=jnp.float32) + l2b[...], 0.0)
    o = jnp.maximum(jnp.dot(o, l3w[...],
                            preferred_element_type=jnp.float32) + l3b[...], 0.0)
    out_ref[...] = jnp.dot(o, l4w[...],
                           preferred_element_type=jnp.float32) + l4b[...]


_first_call = pl.pallas_call(
    _tc_first, out_shape=jax.ShapeDtypeStruct((N, H), jnp.float32))
_mid_call = pl.pallas_call(
    _tc_mid, out_shape=jax.ShapeDtypeStruct((N, H), jnp.float32))
_final_call = pl.pallas_call(
    _tc_final, out_shape=jax.ShapeDtypeStruct((G, C_OUT), jnp.float32))


def kernel(x, edge_index, edge_weight, batch,
           W1, b1, W2, b2, W3, b3,
           L1w, L1b, L2w, L2b, L3w, L3b, L4w, L4b):
    pad_i = jnp.zeros((E_PAD - E,), jnp.int32)
    pad_f = jnp.zeros((E_PAD - E,), jnp.float32)
    rowm = jnp.concatenate([edge_index[0], pad_i]).reshape(NCHUNK, CHUNK)
    colm = jnp.concatenate([edge_index[1], pad_i]).reshape(NCHUNK, CHUNK)
    wm = jnp.concatenate([edge_weight, pad_f]).reshape(NCHUNK, CHUNK)

    degp = _deg_call(colm, wm)
    y1 = _first_call(x, W1, degp)
    a1 = _layer_call(y1, rowm, colm, wm)
    y2 = _mid_call(a1, y1, degp, b1, W2)
    a2 = _layer_call(y2, rowm, colm, wm)
    y3 = _mid_call(a2, y2, degp, b2, W3)
    a3 = _layer_call(y3, rowm, colm, wm)
    return _final_call(a3, y3, degp, b3, batch.reshape(N, 1),
                       L1w, L1b, L2w, L2b, L3w, L3b, L4w, L4b)

# --- scband reference (transcript-rebuilt; emitter-appended) ---
"""Pipeline reference for scband-gcn-mlp-7997229105506 (READ-ONLY COPY).

The authoritative reference and input builder live on the scoring server;
editing this copy changes nothing except your own understanding.
"""

import jax, jax.numpy as jnp
import numpy as np

N = 10000
E = 320000
F_IN = 128
H = 32
MH = 64
C = 10
G = 16


def setup_inputs(seed: int = 0) -> dict:
    key = jax.random.key(seed)
    ks = jax.random.split(key, 20)
    x = jax.random.normal(ks[0], (N, F_IN), dtype=jnp.float32)
    edge_index = jax.random.randint(ks[1], (2, E), 0, N, dtype=jnp.int32)
    edge_weight = jax.random.uniform(ks[2], (E,), dtype=jnp.float32)
    batch = jnp.sort(jax.random.randint(ks[3], (N,), 0, G, dtype=jnp.int32))
    def lin(k, fan_in, fan_out):
        bound = 1.0 / np.sqrt(fan_in)
        kw, kb = jax.random.split(k)
        W = jax.random.uniform(kw, (fan_in, fan_out), minval=-bound, maxval=bound, dtype=jnp.float32)
        b = jax.random.uniform(kb, (fan_out,), minval=-bound, maxval=bound, dtype=jnp.float32)
        return W, b
    W1, b1 = lin(ks[4], F_IN, H)
    W2, b2 = lin(ks[5], H, H)
    W3, b3 = lin(ks[6], H, H)
    L1w, L1b = lin(ks[7], H, MH)
    L2w, L2b = lin(ks[8], MH, MH)
    L3w, L3b = lin(ks[9], MH, MH)
    L4w, L4b = lin(ks[10], MH, C)
    return {"x": x, "edge_index": edge_index, "edge_weight": edge_weight, "batch": batch,
            "W1": W1, "b1": b1, "W2": W2, "b2": b2, "W3": W3, "b3": b3,
            "L1w": L1w, "L1b": L1b, "L2w": L2w, "L2b": L2b,
            "L3w": L3w, "L3b": L3b, "L4w": L4w, "L4b": L4b}


def _gcn_conv(x, edge_index, edge_weight, W, b):
    # GCNConv with add_self_loops=True, normalize=True (symmetric gcn_norm)
    xw = x @ W
    loop = jnp.arange(N, dtype=edge_index.dtype)
    row = jnp.concatenate([edge_index[0], loop])
    col = jnp.concatenate([edge_index[1], loop])
    w = jnp.concatenate([edge_weight, jnp.ones((N,), dtype=edge_weight.dtype)])
    deg = jax.ops.segment_sum(w, col, num_segments=N)
    deg_inv_sqrt = jnp.where(deg > 0, deg ** -0.5, 0.0)
    norm = deg_inv_sqrt[row] * w * deg_inv_sqrt[col]
    msg = jnp.take(xw, row, axis=0) * norm[:, None]
    out = jax.ops.segment_sum(msg, col, num_segments=N)
    return out + b


def reference(x, edge_index, edge_weight, batch,
              W1, b1, W2, b2, W3, b3,
              L1w, L1b, L2w, L2b, L3w, L3b, L4w, L4b):
    h = jax.nn.relu(_gcn_conv(x, edge_index, edge_weight, W1, b1))
    h = jax.nn.relu(_gcn_conv(h, edge_index, edge_weight, W2, b2))
    h = _gcn_conv(h, edge_index, edge_weight, W3, b3)
    # global_mean_pool
    sums = jax.ops.segment_sum(h, batch, num_segments=G)
    counts = jax.ops.segment_sum(jnp.ones((N,), dtype=h.dtype), batch, num_segments=G)
    pooled = sums / jnp.maximum(counts, 1.0)[:, None]
    # dropout is identity in eval mode
    o = jax.nn.relu(pooled @ L1w + L1b)
    o = jax.nn.relu(o @ L2w + L2b)
    o = jax.nn.relu(o @ L3w + L3b)
    o = o @ L4w + L4b
    return o

if __name__ == "__main__":
    import jax
    _d = setup_inputs()
    print(jax.jit(kernel)(*tuple(_d.values())))

</pallas_src>

<mosaic_0001>
#map = affine_map<(d0, d1) -> (0, 0)>
#map1 = affine_map<(d0, d1) -> (0, 0, 0)>
module attributes {stable_mosaic.version = 14 : i64} {
  func.func @_layer_body(%arg0: i32, %arg1: i32, %arg2: memref<10000x32xf32, #tpu.memory_space<hbm>>, %arg3: memref<2560x128xi32, #tpu.memory_space<hbm>>, %arg4: memref<2560x128xi32, #tpu.memory_space<hbm>>, %arg5: memref<2560x128xf32, #tpu.memory_space<hbm>>, %arg6: memref<2x10240x32xf32, #tpu.memory_space<hbm>>, %arg7: memref<10240x32xf32, #tpu.memory_space<vmem_shared>>, %arg8: memref<80x128xi32, #tpu.memory_space<vmem>>, %arg9: memref<80x128xi32, #tpu.memory_space<vmem>>, %arg10: memref<80x128xf32, #tpu.memory_space<vmem>>, %arg11: memref<128x32xf32, #tpu.memory_space<vmem>>, %arg12: memref<640x32xf32, #tpu.memory_space<vmem>>) attributes {dimension_semantics = [#tpu.dimension_semantics<core_parallel>, #tpu.dimension_semantics<subcore_parallel>], iteration_bounds = array<i64: 2, 16>, scalar_prefetch = 0 : i64, scratch_operands = 6 : i64, tpu.core_type = #tpu.core_type<sc_vector_subcore>, window_params = [{transform_indices = #map}, {transform_indices = #map}, {transform_indices = #map}, {transform_indices = #map}, {transform_indices = #map1}]} {
    %mul3A = arith.constant 2 : i32
    %mul3A_0 = arith.muli %arg1, %mul3A : i32
    %add3A = arith.addi %mul3A_0, %arg0 : i32
    %mul3A_1 = arith.constant 80 : i32
    %mul3A_2 = arith.muli %add3A, %mul3A_1 : i32
    %multiple_of3A = tpu.assume_multiple %mul3A_2, 8 : i32
    "tpu.region"() ({
      %run_scoped3A = tpu.sem_alloc : memref<!tpu.dma_semaphore, #tpu.memory_space<semaphore_mem>>
      %dma_start3A = arith.constant 0 : i32
      %dma_start3A_22 = tpu.memref_slice %arg3[%multiple_of3A, %dma_start3A] : memref<2560x128xi32, #tpu.memory_space<hbm>> -> memref<80x128xi32, #tpu.memory_space<hbm>>
      %dma_start3A_23 = arith.constant 0 : i32
      %dma_start3A_24 = tpu.memref_slice %arg3[%multiple_of3A, %dma_start3A_23] : memref<2560x128xi32, #tpu.memory_space<hbm>> -> memref<80x128xi32, #tpu.memory_space<hbm>>
      tpu.enqueue_dma source(%dma_start3A_24 : memref<80x128xi32, #tpu.memory_space<hbm>>) target(%arg8 : memref<80x128xi32, #tpu.memory_space<vmem>>) target_semaphore(%run_scoped3A : memref<!tpu.dma_semaphore, #tpu.memory_space<semaphore_mem>>)
      %dma_wait3A = arith.constant 0 : i32
      %dma_wait3A_25 = tpu.memref_slice %arg3[%multiple_of3A, %dma_wait3A] : memref<2560x128xi32, #tpu.memory_space<hbm>> -> memref<80x128xi32, #tpu.memory_space<hbm>>
      %dma_wait3A_26 = arith.constant 0 : i32
      %dma_wait3A_27 = tpu.memref_slice %arg3[%multiple_of3A, %dma_wait3A_26] : memref<2560x128xi32, #tpu.memory_space<hbm>> -> memref<80x128xi32, #tpu.memory_space<hbm>>
      tpu.wait_dma2 semaphore(%run_scoped3A : memref<!tpu.dma_semaphore, #tpu.memory_space<semaphore_mem>>) src(%dma_wait3A_27 : memref<80x128xi32, #tpu.memory_space<hbm>>) dst(%arg8 : memref<80x128xi32, #tpu.memory_space<vmem>>)
      tpu.yield
    }) : () -> ()
    "tpu.region"() ({
      %run_scoped3A = tpu.sem_alloc : memref<!tpu.dma_semaphore, #tpu.memory_space<semaphore_mem>>
      %dma_start3A = arith.constant 0 : i32
      %dma_start3A_22 = tpu.memref_slice %arg4[%multiple_of3A, %dma_start3A] : memref<2560x128xi32, #tpu.memory_space<hbm>> -> memref<80x128xi32, #tpu.memory_space<hbm>>
      %dma_start3A_23 = arith.constant 0 : i32
      %dma_start3A_24 = tpu.memref_slice %arg4[%multiple_of3A, %dma_start3A_23] : memref<2560x128xi32, #tpu.memory_space<hbm>> -> memref<80x128xi32, #tpu.memory_space<hbm>>
      tpu.enqueue_dma source(%dma_start3A_24 : memref<80x128xi32, #tpu.memory_space<hbm>>) target(%arg9 : memref<80x128xi32, #tpu.memory_space<vmem>>) target_semaphore(%run_scoped3A : memref<!tpu.dma_semaphore, #tpu.memory_space<semaphore_mem>>)
      %dma_wait3A = arith.constant 0 : i32
      %dma_wait3A_25 = tpu.memref_slice %arg4[%multiple_of3A, %dma_wait3A] : memref<2560x128xi32, #tpu.memory_space<hbm>> -> memref<80x128xi32, #tpu.memory_space<hbm>>
      %dma_wait3A_26 = arith.constant 0 : i32
      %dma_wait3A_27 = tpu.memref_slice %arg4[%multiple_of3A, %dma_wait3A_26] : memref<2560x128xi32, #tpu.memory_space<hbm>> -> memref<80x128xi32, #tpu.memory_space<hbm>>
      tpu.wait_dma2 semaphore(%run_scoped3A : memref<!tpu.dma_semaphore, #tpu.memory_space<semaphore_mem>>) src(%dma_wait3A_27 : memref<80x128xi32, #tpu.memory_space<hbm>>) dst(%arg9 : memref<80x128xi32, #tpu.memory_space<vmem>>)
      tpu.yield
    }) : () -> ()
    "tpu.region"() ({
      %run_scoped3A = tpu.sem_alloc : memref<!tpu.dma_semaphore, #tpu.memory_space<semaphore_mem>>
      %dma_start3A = arith.constant 0 : i32
      %dma_start3A_22 = tpu.memref_slice %arg5[%multiple_of3A, %dma_start3A] : memref<2560x128xf32, #tpu.memory_space<hbm>> -> memref<80x128xf32, #tpu.memory_space<hbm>>
      %dma_start3A_23 = arith.constant 0 : i32
      %dma_start3A_24 = tpu.memref_slice %arg5[%multiple_of3A, %dma_start3A_23] : memref<2560x128xf32, #tpu.memory_space<hbm>> -> memref<80x128xf32, #tpu.memory_space<hbm>>
      tpu.enqueue_dma source(%dma_start3A_24 : memref<80x128xf32, #tpu.memory_space<hbm>>) target(%arg10 : memref<80x128xf32, #tpu.memory_space<vmem>>) target_semaphore(%run_scoped3A : memref<!tpu.dma_semaphore, #tpu.memory_space<semaphore_mem>>)
      %dma_wait3A = arith.constant 0 : i32
      %dma_wait3A_25 = tpu.memref_slice %arg5[%multiple_of3A, %dma_wait3A] : memref<2560x128xf32, #tpu.memory_space<hbm>> -> memref<80x128xf32, #tpu.memory_space<hbm>>
      %dma_wait3A_26 = arith.constant 0 : i32
      %dma_wait3A_27 = tpu.memref_slice %arg5[%multiple_of3A, %dma_wait3A_26] : memref<2560x128xf32, #tpu.memory_space<hbm>> -> memref<80x128xf32, #tpu.memory_space<hbm>>
      tpu.wait_dma2 semaphore(%run_scoped3A : memref<!tpu.dma_semaphore, #tpu.memory_space<semaphore_mem>>) src(%dma_wait3A_27 : memref<80x128xf32, #tpu.memory_space<hbm>>) dst(%arg10 : memref<80x128xf32, #tpu.memory_space<vmem>>)
      tpu.yield
    }) : () -> ()
    %broadcast_in_dim3A = arith.constant 0.000000e+00 : f32
    %broadcast_in_dim3A_3 = vector.broadcast %broadcast_in_dim3A : f32 to vector<16xf32>
    %scan3A = arith.constant 0 : i32
    %scan3A_4 = arith.constant 0 : i32
    %scan3A_5 = arith.constant 640 : i32
    %scan3A_6 = arith.addi %scan3A_4, %scan3A_5 : i32
    %scan3A_7 = arith.constant 1 : i32
    scf.for %scan3A_22 = %scan3A_4 to %scan3A_6 step %scan3A_7  : i32 {
      %swap3A = arith.index_cast %scan3A_22 : i32 to index
      %swap3A_23 = arith.constant 0 : index
      %swap3A_24 = tpu.vector_load %arg12[%swap3A, %swap3A_23] {strides = array<i32>} : memref<640x32xf32, #tpu.memory_space<vmem>>, vector<1x16xf32>,
      %swap3A_25 = vector.shape_cast %swap3A_24 : vector<1x16xf32> to vector<16xf32>
      %swap3A_26 = vector.shape_cast %broadcast_in_dim3A_3 : vector<16xf32> to vector<1x16xf32>
      tpu.vector_store %arg12[%swap3A, %swap3A_23], %swap3A_26 {strides = array<i32>} : memref<640x32xf32, #tpu.memory_space<vmem>>, vector<1x16xf32>,
      %swap3A_27 = arith.index_cast %scan3A_22 : i32 to index
      %swap3A_28 = arith.constant 16 : index
      %swap3A_29 = tpu.vector_load %arg12[%swap3A_27, %swap3A_28] {strides = array<i32>} : memref<640x32xf32, #tpu.memory_space<vmem>>, vector<1x16xf32>,
      %swap3A_30 = vector.shape_cast %swap3A_29 : vector<1x16xf32> to vector<16xf32>
      %swap3A_31 = vector.shape_cast %broadcast_in_dim3A_3 : vector<16xf32> to vector<1x16xf32>
      tpu.vector_store %arg12[%swap3A_27, %swap3A_28], %swap3A_31 {strides = array<i32>} : memref<640x32xf32, #tpu.memory_space<vmem>>, vector<1x16xf32>,
    }
    %scan3A_8 = arith.constant 640 : i32
    %mul3A_9 = arith.constant 640 : i32
    %mul3A_10 = arith.muli %arg1, %mul3A_9 : i32
    "tpu.region"() ({
      %run_scoped3A = tpu.sem_alloc : memref<!tpu.dma_semaphore, #tpu.memory_space<semaphore_mem>>
      %dma_start3A = arith.constant 0 : i32
      %dma_start3A_22 = tpu.memref_slice %arg7[%mul3A_10, %dma_start3A] : memref<10240x32xf32, #tpu.memory_space<vmem_shared>> -> memref<640x32xf32, #tpu.memory_space<vmem_shared>>
      %dma_start3A_23 = arith.constant 0 : i32
      %dma_start3A_24 = tpu.memref_slice %arg7[%mul3A_10, %dma_start3A_23] : memref<10240x32xf32, #tpu.memory_space<vmem_shared>> -> memref<640x32xf32, #tpu.memory_space<vmem_shared>>
      tpu.enqueue_dma source(%arg12 : memref<640x32xf32, #tpu.memory_space<vmem>>) target(%dma_start3A_24 : memref<640x32xf32, #tpu.memory_space<vmem_shared>>) target_semaphore(%run_scoped3A : memref<!tpu.dma_semaphore, #tpu.memory_space<semaphore_mem>>)
      %dma_wait3A = arith.constant 0 : i32
      %dma_wait3A_25 = tpu.memref_slice %arg7[%mul3A_10, %dma_wait3A] : memref<10240x32xf32, #tpu.memory_space<vmem_shared>> -> memref<640x32xf32, #tpu.memory_space<vmem_shared>>
      %dma_wait3A_26 = arith.constant 0 : i32
      %dma_wait3A_27 = tpu.memref_slice %arg7[%mul3A_10, %dma_wait3A_26] : memref<10240x32xf32, #tpu.memory_space<vmem_shared>> -> memref<640x32xf32, #tpu.memory_space<vmem_shared>>
      tpu.wait_dma2 semaphore(%run_scoped3A : memref<!tpu.dma_semaphore, #tpu.memory_space<semaphore_mem>>) src(%arg12 : memref<640x32xf32, #tpu.memory_space<vmem>>) dst(%dma_wait3A_27 : memref<640x32xf32, #tpu.memory_space<vmem_shared>>)
      tpu.yield
    }) : () -> ()
    %barrier3A = arith.constant 0 : index
    tpu.barrier barrier_id(%barrier3A)
    %scan3A_11 = arith.constant 0 : i32
    %scan3A_12 = arith.constant 0 : i32
    %scan3A_13 = arith.constant 80 : i32
    %scan3A_14 = arith.addi %scan3A_12, %scan3A_13 : i32
    %scan3A_15 = arith.constant 1 : i32
    scf.for %scan3A_22 = %scan3A_12 to %scan3A_14 step %scan3A_15  : i32 {
      "tpu.region"() ({
        %run_scoped3A = tpu.sem_alloc : memref<!tpu.dma_semaphore, #tpu.memory_space<semaphore_mem>>
        %dma_start3A = arith.constant 0 : i32
        %dma_start3A_29 = tpu.memref_slice %arg8[%scan3A_22, %dma_start3A] : memref<80x128xi32, #tpu.memory_space<vmem>> -> memref<1x128xi32, #tpu.memory_space<vmem>>
        %dma_start3A_30 = tpu.memref_squeeze %dma_start3A_29 : memref<1x128xi32, #tpu.memory_space<vmem>> -> memref<128xi32, #tpu.memory_space<vmem>>
        %dma_start3A_31 = arith.constant 0 : i32
        %dma_start3A_32 = arith.constant 0 : i32
        %dma_start3A_33 = tpu.memref_slice %arg2[%dma_start3A_31, %dma_start3A_32] : memref<10000x32xf32, #tpu.memory_space<hbm>> -> memref<10000x32xf32, #tpu.memory_space<hbm>>
        tpu.enqueue_indirect_dma source(%dma_start3A_33 : memref<10000x32xf32, #tpu.memory_space<hbm>>) target(%arg11 : memref<128x32xf32, #tpu.memory_space<vmem>>) offsets(%dma_start3A_30 : memref<128xi32, #tpu.memory_space<vmem>>) semaphore(%run_scoped3A : memref<!tpu.dma_semaphore, #tpu.memory_space<semaphore_mem>>)
        %dma_wait3A = arith.constant 0 : i32
        %dma_wait3A_34 = tpu.memref_slice %arg8[%scan3A_22, %dma_wait3A] : memref<80x128xi32, #tpu.memory_space<vmem>> -> memref<1x128xi32, #tpu.memory_space<vmem>>
        %dma_wait3A_35 = tpu.memref_squeeze %dma_wait3A_34 : memref<1x128xi32, #tpu.memory_space<vmem>> -> memref<128xi32, #tpu.memory_space<vmem>>
        %dma_wait3A_36 = arith.constant 0 : i32
        %dma_wait3A_37 = arith.constant 0 : i32
        %dma_wait3A_38 = tpu.memref_slice %arg2[%dma_wait3A_36, %dma_wait3A_37] : memref<10000x32xf32, #tpu.memory_space<hbm>> -> memref<10000x32xf32, #tpu.memory_space<hbm>>
        tpu.wait_indirect_dma semaphore(%run_scoped3A : memref<!tpu.dma_semaphore, #tpu.memory_space<semaphore_mem>>) src(%dma_wait3A_38 : memref<10000x32xf32, #tpu.memory_space<hbm>>) dst(%arg11 : memref<128x32xf32, #tpu.memory_space<vmem>>)
        tpu.yield
      }) : () -> ()
      %scan3A_23 = arith.constant 0 : i32
      %scan3A_24 = arith.constant 0 : i32
      %scan3A_25 = arith.constant 8 : i32
      %scan3A_26 = arith.addi %scan3A_24, %scan3A_25 : i32
      %scan3A_27 = arith.constant 1 : i32
      scf.for %scan3A_29 = %scan3A_24 to %scan3A_26 step %scan3A_27  : i32 {
        %mul3A_30 = arith.constant 16 : i32
        %mul3A_31 = arith.muli %scan3A_29, %mul3A_30 : i32
        %get3A = arith.index_cast %scan3A_22 : i32 to index
        %get3A_32 = arith.index_cast %mul3A_31 : i32 to index
        %get3A_33 = tpu.vector_load %arg10[%get3A, %get3A_32] {strides = array<i32>} : memref<80x128xf32, #tpu.memory_space<vmem>>, vector<1x16xf32>,
        %get3A_34 = vector.shape_cast %get3A_33 : vector<1x16xf32> to vector<16xf32>
        %mul3A_35 = arith.constant 16 : i32
        %mul3A_36 = arith.muli %scan3A_29, %mul3A_35 : i32
        %add3A_37 = arith.constant 0 : i32
        %add3A_38 = arith.addi %mul3A_36, %add3A_37 : i32
        %slice3A = vector.extract_strided_slice %get3A_34 {offsets = [0], sizes = [1], strides = [1]} : vector<16xf32> to vector<1xf32>
        %squeeze3A = vector.extract %slice3A[0] : f32 from vector<1xf32>
        %get3A_39 = arith.index_cast %add3A_38 : i32 to index
        %get3A_40 = arith.constant 0 : index
        %get3A_41 = tpu.vector_load %arg11[%get3A_39, %get3A_40] {strides = array<i32>} : memref<128x32xf32, #tpu.memory_space<vmem>>, vector<1x16xf32>,
        %get3A_42 = vector.shape_cast %get3A_41 : vector<1x16xf32> to vector<16xf32>
        %mul3A_43 = vector.broadcast %squeeze3A : f32 to vector<16xf32>
        %mul3A_44 = arith.mulf %get3A_42, %mul3A_43 : vector<16xf32>
        %swap3A = arith.index_cast %add3A_38 : i32 to index
        %swap3A_45 = arith.constant 0 : index
        %swap3A_46 = tpu.vector_load %arg11[%swap3A, %swap3A_45] {strides = array<i32>} : memref<128x32xf32, #tpu.memory_space<vmem>>, vector<1x16xf32>,
        %swap3A_47 = vector.shape_cast %swap3A_46 : vector<1x16xf32> to vector<16xf32>
        %swap3A_48 = vector.shape_cast %mul3A_44 : vector<16xf32> to vector<1x16xf32>
        tpu.vector_store %arg11[%swap3A, %swap3A_45], %swap3A_48 {strides = array<i32>} : memref<128x32xf32, #tpu.memory_space<vmem>>, vector<1x16xf32>,
        %get3A_49 = arith.index_cast %add3A_38 : i32 to index
        %get3A_50 = arith.constant 16 : index
        %get3A_51 = tpu.vector_load %arg11[%get3A_49, %get3A_50] {strides = array<i32>} : memref<128x32xf32, #tpu.memory_space<vmem>>, vector<1x16xf32>,
        %get3A_52 = vector.shape_cast %get3A_51 : vector<1x16xf32> to vector<16xf32>
        %mul3A_53 = vector.broadcast %squeeze3A : f32 to vector<16xf32>
        %mul3A_54 = arith.mulf %get3A_52, %mul3A_53 : vector<16xf32>
        %swap3A_55 = arith.index_cast %add3A_38 : i32 to index
        %swap3A_56 = arith.constant 16 : index
        %swap3A_57 = tpu.vector_load %arg11[%swap3A_55, %swap3A_56] {strides = array<i32>} : memref<128x32xf32, #tpu.memory_space<vmem>>, vector<1x16xf32>,
        %swap3A_58 = vector.shape_cast %swap3A_57 : vector<1x16xf32> to vector<16xf32>
        %swap3A_59 = vector.shape_cast %mul3A_54 : vector<16xf32> to vector<1x16xf32>
        tpu.vector_store %arg11[%swap3A_55, %swap3A_56], %swap3A_59 {strides = array<i32>} : memref<128x32xf32, #tpu.memory_space<vmem>>, vector<1x16xf32>,
        %mul3A_60 = arith.constant 16 : i32
        %mul3A_61 = arith.muli %scan3A_29, %mul3A_60 : i32
        %add3A_62 = arith.constant 1 : i32
        %add3A_63 = arith.addi %mul3A_61, %add3A_62 : i32
        %slice3A_64 = vector.extract_strided_slice %get3A_34 {offsets = [1], sizes = [1], strides = [1]} : vector<16xf32> to vector<1xf32>
        %squeeze3A_65 = vector.extract %slice3A_64[0] : f32 from vector<1xf32>
        %get3A_66 = arith.index_cast %add3A_63 : i32 to index
        %get3A_67 = arith.constant 0 : index
        %get3A_68 = tpu.vector_load %arg11[%get3A_66, %get3A_67] {strides = array<i32>} : memref<128x32xf32, #tpu.memory_space<vmem>>, vector<1x16xf32>,
        %get3A_69 = vector.shape_cast %get3A_68 : vector<1x16xf32> to vector<16xf32>
        %mul3A_70 = vector.broadcast %squeeze3A_65 : f32 to vector<16xf32>
        %mul3A_71 = arith.mulf %get3A_69, %mul3A_70 : vector<16xf32>
        %swap3A_72 = arith.index_cast %add3A_63 : i32 to index
        %swap3A_73 = arith.constant 0 : index
        %swap3A_74 = tpu.vector_load %arg11[%swap3A_72, %swap3A_73] {strides = array<i32>} : memref<128x32xf32, #tpu.memory_space<vmem>>, vector<1x16xf32>,
        %swap3A_75 = vector.shape_cast %swap3A_74 : vector<1x16xf32> to vector<16xf32>
        %swap3A_76 = vector.shape_cast %mul3A_71 : vector<16xf32> to vector<1x16xf32>
        tpu.vector_store %arg11[%swap3A_72, %swap3A_73], %swap3A_76 {strides = array<i32>} : memref<128x32xf32, #tpu.memory_space<vmem>>, vector<1x16xf32>,
        %get3A_77 = arith.index_cast %add3A_63 : i32 to index
        %get3A_78 = arith.constant 16 : index
        %get3A_79 = tpu.vector_load %arg11[%get3A_77, %get3A_78] {strides = array<i32>} : memref<128x32xf32, #tpu.memory_space<vmem>>, vector<1x16xf32>,
        %get3A_80 = vector.shape_cast %get3A_79 : vector<1x16xf32> to vector<16xf32>
        %mul3A_81 = vector.broadcast %squeeze3A_65 : f32 to vector<16xf32>
        %mul3A_82 = arith.mulf %get3A_80, %mul3A_81 : vector<16xf32>
        %swap3A_83 = arith.index_cast %add3A_63 : i32 to index
        %swap3A_84 = arith.constant 16 : index
        %swap3A_85 = tpu.vector_load %arg11[%swap3A_83, %swap3A_84] {strides = array<i32>} : memref<128x32xf32, #tpu.memory_space<vmem>>, vector<1x16xf32>,
        %swap3A_86 = vector.shape_cast %swap3A_85 : vector<1x16xf32> to vector<16xf32>
        %swap3A_87 = vector.shape_cast %mul3A_82 : vector<16xf32> to vector<1x16xf32>
        tpu.vector_store %arg11[%swap3A_83, %swap3A_84], %swap3A_87 {strides = array<i32>} : memref<128x32xf32, #tpu.memory_space<vmem>>, vector<1x16xf32>,
        %mul3A_88 = arith.constant 16 : i32
        %mul3A_89 = arith.muli %scan3A_29, %mul3A_88 : i32
        %add3A_90 = arith.constant 2 : i32
        %add3A_91 = arith.addi %mul3A_89, %add3A_90 : i32
        %slice3A_92 = vector.extract_strided_slice %get3A_34 {offsets = [2], sizes = [1], strides = [1]} : vector<16xf32> to vector<1xf32>
        %squeeze3A_93 = vector.extract %slice3A_92[0] : f32 from vector<1xf32>
        %get3A_94 = arith.index_cast %add3A_91 : i32 to index
        %get3A_95 = arith.constant 0 : index
        %get3A_96 = tpu.vector_load %arg11[%get3A_94, %get3A_95] {strides = array<i32>} : memref<128x32xf32, #tpu.memory_space<vmem>>, vector<1x16xf32>,
        %get3A_97 = vector.shape_cast %get3A_96 : vector<1x16xf32> to vector<16xf32>
        %mul3A_98 = vector.broadcast %squeeze3A_93 : f32 to vector<16xf32>
        %mul3A_99 = arith.mulf %get3A_97, %mul3A_98 : vector<16xf32>
        %swap3A_100 = arith.index_cast %add3A_91 : i32 to index
        %swap3A_101 = arith.constant 0 : index
        %swap3A_102 = tpu.vector_load %arg11[%swap3A_100, %swap3A_101] {strides = array<i32>} : memref<128x32xf32, #tpu.memory_space<vmem>>, vector<1x16xf32>,
        %swap3A_103 = vector.shape_cast %swap3A_102 : vector<1x16xf32> to vector<16xf32>
        %swap3A_104 = vector.shape_cast %mul3A_99 : vector<16xf32> to vector<1x16xf32>
        tpu.vector_store %arg11[%swap3A_100, %swap3A_101], %swap3A_104 {strides = array<i32>} : memref<128x32xf32, #tpu.memory_space<vmem>>, vector<1x16xf32>,
        %get3A_105 = arith.index_cast %add3A_91 : i32 to index
        %get3A_106 = arith.constant 16 : index
        %get3A_107 = tpu.vector_load %arg11[%get3A_105, %get3A_106] {strides = array<i32>} : memref<128x32xf32, #tpu.memory_space<vmem>>, vector<1x16xf32>,
        %get3A_108 = vector.shape_cast %get3A_107 : vector<1x16xf32> to vector<16xf32>
        %mul3A_109 = vector.broadcast %squeeze3A_93 : f32 to vector<16xf32>
        %mul3A_110 = arith.mulf %get3A_108, %mul3A_109 : vector<16xf32>
        %swap3A_111 = arith.index_cast %add3A_91 : i32 to index
        %swap3A_112 = arith.constant 16 : index
        %swap3A_113 = tpu.vector_load %arg11[%swap3A_111, %swap3A_112] {strides = array<i32>} : memref<128x32xf32, #tpu.memory_space<vmem>>, vector<1x16xf32>,
        %swap3A_114 = vector.shape_cast %swap3A_113 : vector<1x16xf32> to vector<16xf32>
        %swap3A_115 = vector.shape_cast %mul3A_110 : vector<16xf32> to vector<1x16xf32>
        tpu.vector_store %arg11[%swap3A_111, %swap3A_112], %swap3A_115 {strides = array<i32>} : memref<128x32xf32, #tpu.memory_space<vmem>>, vector<1x16xf32>,
        %mul3A_116 = arith.constant 16 : i32
        %mul3A_117 = arith.muli %scan3A_29, %mul3A_116 : i32
        %add3A_118 = arith.constant 3 : i32
        %add3A_119 = arith.addi %mul3A_117, %add3A_118 : i32
        %slice3A_120 = vector.extract_strided_slice %get3A_34 {offsets = [3], sizes = [1], strides = [1]} : vector<16xf32> to vector<1xf32>
        %squeeze3A_121 = vector.extract %slice3A_120[0] : f32 from vector<1xf32>
        %get3A_122 = arith.index_cast %add3A_119 : i32 to index
        %get3A_123 = arith.constant 0 : index
        %get3A_124 = tpu.vector_load %arg11[%get3A_122, %get3A_123] {strides = array<i32>} : memref<128x32xf32, #tpu.memory_space<vmem>>, vector<1x16xf32>,
        %get3A_125 = vector.shape_cast %get3A_124 : vector<1x16xf32> to vector<16xf32>
        %mul3A_126 = vector.broadcast %squeeze3A_121 : f32 to vector<16xf32>
        %mul3A_127 = arith.mulf %get3A_125, %mul3A_126 : vector<16xf32>
        %swap3A_128 = arith.index_cast %add3A_119 : i32 to index
        %swap3A_129 = arith.constant 0 : index
        %swap3A_130 = tpu.vector_load %arg11[%swap3A_128, %swap3A_129] {strides = array<i32>} : memref<128x32xf32, #tpu.memory_space<vmem>>, vector<1x16xf32>,
        %swap3A_131 = vector.shape_cast %swap3A_130 : vector<1x16xf32> to vector<16xf32>
        %swap3A_132 = vector.shape_cast %mul3A_127 : vector<16xf32> to vector<1x16xf32>
        tpu.vector_store %arg11[%swap3A_128, %swap3A_129], %swap3A_132 {strides = array<i32>} : memref<128x32xf32, #tpu.memory_space<vmem>>, vector<1x16xf32>,
        %get3A_133 = arith.index_cast %add3A_119 : i32 to index
        %get3A_134 = arith.constant 16 : index
        %get3A_135 = tpu.vector_load %arg11[%get3A_133, %get3A_134] {strides = array<i32>} : memref<128x32xf32, #tpu.memory_space<vmem>>, vector<1x16xf32>,
        %get3A_136 = vector.shape_cast %get3A_135 : vector<1x16xf32> to vector<16xf32>
        %mul3A_137 = vector.broadcast %squeeze3A_121 : f32 to vector<16xf32>
        %mul3A_138 = arith.mulf %get3A_136, %mul3A_137 : vector<16xf32>
        %swap3A_139 = arith.index_cast %add3A_119 : i32 to index
        %swap3A_140 = arith.constant 16 : index
        %swap3A_141 = tpu.vector_load %arg11[%swap3A_139, %swap3A_140] {strides = array<i32>} : memref<128x32xf32, #tpu.memory_space<vmem>>, vector<1x16xf32>,
        %swap3A_142 = vector.shape_cast %swap3A_141 : vector<1x16xf32> to vector<16xf32>
        %swap3A_143 = vector.shape_cast %mul3A_138 : vector<16xf32> to vector<1x16xf32>
        tpu.vector_store %arg11[%swap3A_139, %swap3A_140], %swap3A_143 {strides = array<i32>} : memref<128x32xf32, #tpu.memory_space<vmem>>, vector<1x16xf32>,
        %mul3A_144 = arith.constant 16 : i32
        %mul3A_145 = arith.muli %scan3A_29, %mul3A_144 : i32
        %add3A_146 = arith.constant 4 : i32
        %add3A_147 = arith.addi %mul3A_145, %add3A_146 : i32
        %slice3A_148 = vector.extract_strided_slice %get3A_34 {offsets = [4], sizes = [1], strides = [1]} : vector<16xf32> to vector<1xf32>
        %squeeze3A_149 = vector.extract %slice3A_148[0] : f32 from vector<1xf32>
        %get3A_150 = arith.index_cast %add3A_147 : i32 to index
        %get3A_151 = arith.constant 0 : index
        %get3A_152 = tpu.vector_load %arg11[%get3A_150, %get3A_151] {strides = array<i32>} : memref<128x32xf32, #tpu.memory_space<vmem>>, vector<1x16xf32>,
        %get3A_153 = vector.shape_cast %get3A_152 : vector<1x16xf32> to vector<16xf32>
        %mul3A_154 = vector.broadcast %squeeze3A_149 : f32 to vector<16xf32>
        %mul3A_155 = arith.mulf %get3A_153, %mul3A_154 : vector<16xf32>
        %swap3A_156 = arith.index_cast %add3A_147 : i32 to index
        %swap3A_157 = arith.constant 0 : index
        %swap3A_158 = tpu.vector_load %arg11[%swap3A_156, %swap3A_157] {strides = array<i32>} : memref<128x32xf32, #tpu.memory_space<vmem>>, vector<1x16xf32>,
        %swap3A_159 = vector.shape_cast %swap3A_158 : vector<1x16xf32> to vector<16xf32>
        %swap3A_160 = vector.shape_cast %mul3A_155 : vector<16xf32> to vector<1x16xf32>
        tpu.vector_store %arg11[%swap3A_156, %swap3A_157], %swap3A_160 {strides = array<i32>} : memref<128x32xf32, #tpu.memory_space<vmem>>, vector<1x16xf32>,
        %get3A_161 = arith.index_cast %add3A_147 : i32 to index
        %get3A_162 = arith.constant 16 : index
        %get3A_163 = tpu.vector_load %arg11[%get3A_161, %get3A_162] {strides = array<i32>} : memref<128x32xf32, #tpu.memory_space<vmem>>, vector<1x16xf32>,
        %get3A_164 = vector.shape_cast %get3A_163 : vector<1x16xf32> to vector<16xf32>
        %mul3A_165 = vector.broadcast %squeeze3A_149 : f32 to vector<16xf32>
        %mul3A_166 = arith.mulf %get3A_164, %mul3A_165 : vector<16xf32>
        %swap3A_167 = arith.index_cast %add3A_147 : i32 to index
        %swap3A_168 = arith.constant 16 : index
        %swap3A_169 = tpu.vector_load %arg11[%swap3A_167, %swap3A_168] {strides = array<i32>} : memref<128x32xf32, #tpu.memory_space<vmem>>, vector<1x16xf32>,
        %swap3A_170 = vector.shape_cast %swap3A_169 : vector<1x16xf32> to vector<16xf32>
        %swap3A_171 = vector.shape_cast %mul3A_166 : vector<16xf32> to vector<1x16xf32>
        tpu.vector_store %arg11[%swap3A_167, %swap3A_168], %swap3A_171 {strides = array<i32>} : memref<128x32xf32, #tpu.memory_space<vmem>>, vector<1x16xf32>,
        %mul3A_172 = arith.constant 16 : i32
        %mul3A_173 = arith.muli %scan3A_29, %mul3A_172 : i32
        %add3A_174 = arith.constant 5 : i32
        %add3A_175 = arith.addi %mul3A_173, %add3A_174 : i32
        %slice3A_176 = vector.extract_strided_slice %get3A_34 {offsets = [5], sizes = [1], strides = [1]} : vector<16xf32> to vector<1xf32>
        %squeeze3A_177 = vector.extract %slice3A_176[0] : f32 from vector<1xf32>
        %get3A_178 = arith.index_cast %add3A_175 : i32 to index
        %get3A_179 = arith.constant 0 : index
        %get3A_180 = tpu.vector_load %arg11[%get3A_178, %get3A_179] {strides = array<i32>} : memref<128x32xf32, #tpu.memory_space<vmem>>, vector<1x16xf32>,
        %get3A_181 = vector.shape_cast %get3A_180 : vector<1x16xf32> to vector<16xf32>
        %mul3A_182 = vector.broadcast %squeeze3A_177 : f32 to vector<16xf32>
        %mul3A_183 = arith.mulf %get3A_181, %mul3A_182 : vector<16xf32>
        %swap3A_184 = arith.index_cast %add3A_175 : i32 to index
        %swap3A_185 = arith.constant 0 : index
        %swap3A_186 = tpu.vector_load %arg11[%swap3A_184, %swap3A_185] {strides = array<i32>} : memref<128x32xf32, #tpu.memory_space<vmem>>, vector<1x16xf32>,
        %swap3A_187 = vector.shape_cast %swap3A_186 : vector<1x16xf32> to vector<16xf32>
        %swap3A_188 = vector.shape_cast %mul3A_183 : vector<16xf32> to vector<1x16xf32>
        tpu.vector_store %arg11[%swap3A_184, %swap3A_185], %swap3A_188 {strides = array<i32>} : memref<128x32xf32, #tpu.memory_space<vmem>>, vector<1x16xf32>,
        %get3A_189 = arith.index_cast %add3A_175 : i32 to index
        %get3A_190 = arith.constant 16 : index
        %get3A_191 = tpu.vector_load %arg11[%get3A_189, %get3A_190] {strides = array<i32>} : memref<128x32xf32, #tpu.memory_space<vmem>>, vector<1x16xf32>,
        %get3A_192 = vector.shape_cast %get3A_191 : vector<1x16xf32> to vector<16xf32>
        %mul3A_193 = vector.broadcast %squeeze3A_177 : f32 to vector<16xf32>
        %mul3A_194 = arith.mulf %get3A_192, %mul3A_193 : vector<16xf32>
        %swap3A_195 = arith.index_cast %add3A_175 : i32 to index
        %swap3A_196 = arith.constant 16 : index
        %swap3A_197 = tpu.vector_load %arg11[%swap3A_195, %swap3A_196] {strides = array<i32>} : memref<128x32xf32, #tpu.memory_space<vmem>>, vector<1x16xf32>,
        %swap3A_198 = vector.shape_cast %swap3A_197 : vector<1x16xf32> to vector<16xf32>
        %swap3A_199 = vector.shape_cast %mul3A_194 : vector<16xf32> to vector<1x16xf32>
        tpu.vector_store %arg11[%swap3A_195, %swap3A_196], %swap3A_199 {strides = array<i32>} : memref<128x32xf32, #tpu.memory_space<vmem>>, vector<1x16xf32>,
        %mul3A_200 = arith.constant 16 : i32
        %mul3A_201 = arith.muli %scan3A_29, %mul3A_200 : i32
        %add3A_202 = arith.constant 6 : i32
        %add3A_203 = arith.addi %mul3A_201, %add3A_202 : i32
        %slice3A_204 = vector.extract_strided_slice %get3A_34 {offsets = [6], sizes = [1], strides = [1]} : vector<16xf32> to vector<1xf32>
        %squeeze3A_205 = vector.extract %slice3A_204[0] : f32 from vector<1xf32>
        %get3A_206 = arith.index_cast %add3A_203 : i32 to index
        %get3A_207 = arith.constant 0 : index
        %get3A_208 = tpu.vector_load %arg11[%get3A_206, %get3A_207] {strides = array<i32>} : memref<128x32xf32, #tpu.memory_space<vmem>>, vector<1x16xf32>,
        %get3A_209 = vector.shape_cast %get3A_208 : vector<1x16xf32> to vector<16xf32>
        %mul3A_210 = vector.broadcast %squeeze3A_205 : f32 to vector<16xf32>
        %mul3A_211 = arith.mulf %get3A_209, %mul3A_210 : vector<16xf32>
        %swap3A_212 = arith.index_cast %add3A_203 : i32 to index
        %swap3A_213 = arith.constant 0 : index
        %swap3A_214 = tpu.vector_load %arg11[%swap3A_212, %swap3A_213] {strides = array<i32>} : memref<128x32xf32, #tpu.memory_space<vmem>>, vector<1x16xf32>,
        %swap3A_215 = vector.shape_cast %swap3A_214 : vector<1x16xf32> to vector<16xf32>
        %swap3A_216 = vector.shape_cast %mul3A_211 : vector<16xf32> to vector<1x16xf32>
        tpu.vector_store %arg11[%swap3A_212, %swap3A_213], %swap3A_216 {strides = array<i32>} : memref<128x32xf32, #tpu.memory_space<vmem>>, vector<1x16xf32>,
        %get3A_217 = arith.index_cast %add3A_203 : i32 to index
        %get3A_218 = arith.constant 16 : index
        %get3A_219 = tpu.vector_load %arg11[%get3A_217, %get3A_218] {strides = array<i32>} : memref<128x32xf32, #tpu.memory_space<vmem>>, vector<1x16xf32>,
        %get3A_220 = vector.shape_cast %get3A_219 : vector<1x16xf32> to vector<16xf32>
        %mul3A_221 = vector.broadcast %squeeze3A_205 : f32 to vector<16xf32>
        %mul3A_222 = arith.mulf %get3A_220, %mul3A_221 : vector<16xf32>
        %swap3A_223 = arith.index_cast %add3A_203 : i32 to index
        %swap3A_224 = arith.constant 16 : index
        %swap3A_225 = tpu.vector_load %arg11[%swap3A_223, %swap3A_224] {strides = array<i32>} : memref<128x32xf32, #tpu.memory_space<vmem>>, vector<1x16xf32>,
        %swap3A_226 = vector.shape_cast %swap3A_225 : vector<1x16xf32> to vector<16xf32>
        %swap3A_227 = vector.shape_cast %mul3A_222 : vector<16xf32> to vector<1x16xf32>
        tpu.vector_store %arg11[%swap3A_223, %swap3A_224], %swap3A_227 {strides = array<i32>} : memref<128x32xf32, #tpu.memory_space<vmem>>, vector<1x16xf32>,
        %mul3A_228 = arith.constant 16 : i32
        %mul3A_229 = arith.muli %scan3A_29, %mul3A_228 : i32
        %add3A_230 = arith.constant 7 : i32
        %add3A_231 = arith.addi %mul3A_229, %add3A_230 : i32
        %slice3A_232 = vector.extract_strided_slice %get3A_34 {offsets = [7], sizes = [1], strides = [1]} : vector<16xf32> to vector<1xf32>
        %squeeze3A_233 = vector.extract %slice3A_232[0] : f32 from vector<1xf32>
        %get3A_234 = arith.index_cast %add3A_231 : i32 to index
        %get3A_235 = arith.constant 0 : index
        %get3A_236 = tpu.vector_load %arg11[%get3A_234, %get3A_235] {strides = array<i32>} : memref<128x32xf32, #tpu.memory_space<vmem>>, vector<1x16xf32>,
        %get3A_237 = vector.shape_cast %get3A_236 : vector<1x16xf32> to vector<16xf32>
        %mul3A_238 = vector.broadcast %squeeze3A_233 : f32 to vector<16xf32>
        %mul3A_239 = arith.mulf %get3A_237, %mul3A_238 : vector<16xf32>
        %swap3A_240 = arith.index_cast %add3A_231 : i32 to index
        %swap3A_241 = arith.constant 0 : index
        %swap3A_242 = tpu.vector_load %arg11[%swap3A_240, %swap3A_241] {strides = array<i32>} : memref<128x32xf32, #tpu.memory_space<vmem>>, vector<1x16xf32>,
        %swap3A_243 = vector.shape_cast %swap3A_242 : vector<1x16xf32> to vector<16xf32>
        %swap3A_244 = vector.shape_cast %mul3A_239 : vector<16xf32> to vector<1x16xf32>
        tpu.vector_store %arg11[%swap3A_240, %swap3A_241], %swap3A_244 {strides = array<i32>} : memref<128x32xf32, #tpu.memory_space<vmem>>, vector<1x16xf32>,
        %get3A_245 = arith.index_cast %add3A_231 : i32 to index
        %get3A_246 = arith.constant 16 : index
        %get3A_247 = tpu.vector_load %arg11[%get3A_245, %get3A_246] {strides = array<i32>} : memref<128x32xf32, #tpu.memory_space<vmem>>, vector<1x16xf32>,
        %get3A_248 = vector.shape_cast %get3A_247 : vector<1x16xf32> to vector<16xf32>
        %mul3A_249 = vector.broadcast %squeeze3A_233 : f32 to vector<16xf32>
        %mul3A_250 = arith.mulf %get3A_248, %mul3A_249 : vector<16xf32>
        %swap3A_251 = arith.index_cast %add3A_231 : i32 to index
        %swap3A_252 = arith.constant 16 : index
        %swap3A_253 = tpu.vector_load %arg11[%swap3A_251, %swap3A_252] {strides = array<i32>} : memref<128x32xf32, #tpu.memory_space<vmem>>, vector<1x16xf32>,
        %swap3A_254 = vector.shape_cast %swap3A_253 : vector<1x16xf32> to vector<16xf32>
        %swap3A_255 = vector.shape_cast %mul3A_250 : vector<16xf32> to vector<1x16xf32>
        tpu.vector_store %arg11[%swap3A_251, %swap3A_252], %swap3A_255 {strides = array<i32>} : memref<128x32xf32, #tpu.memory_space<vmem>>, vector<1x16xf32>,
        %mul3A_256 = arith.constant 16 : i32
        %mul3A_257 = arith.muli %scan3A_29, %mul3A_256 : i32
        %add3A_258 = arith.constant 8 : i32
        %add3A_259 = arith.addi %mul3A_257, %add3A_258 : i32
        %slice3A_260 = vector.extract_strided_slice %get3A_34 {offsets = [8], sizes = [1], strides = [1]} : vector<16xf32> to vector<1xf32>
        %squeeze3A_261 = vector.extract %slice3A_260[0] : f32 from vector<1xf32>
        %get3A_262 = arith.index_cast %add3A_259 : i32 to index
        %get3A_263 = arith.constant 0 : index
        %get3A_264 = tpu.vector_load %arg11[%get3A_262, %get3A_263] {strides = array<i32>} : memref<128x32xf32, #tpu.memory_space<vmem>>, vector<1x16xf32>,
        %get3A_265 = vector.shape_cast %get3A_264 : vector<1x16xf32> to vector<16xf32>
        %mul3A_266 = vector.broadcast %squeeze3A_261 : f32 to vector<16xf32>
        %mul3A_267 = arith.mulf %get3A_265, %mul3A_266 : vector<16xf32>
        %swap3A_268 = arith.index_cast %add3A_259 : i32 to index
        %swap3A_269 = arith.constant 0 : index
        %swap3A_270 = tpu.vector_load %arg11[%swap3A_268, %swap3A_269] {strides = array<i32>} : memref<128x32xf32, #tpu.memory_space<vmem>>, vector<1x16xf32>,
        %swap3A_271 = vector.shape_cast %swap3A_270 : vector<1x16xf32> to vector<16xf32>
        %swap3A_272 = vector.shape_cast %mul3A_267 : vector<16xf32> to vector<1x16xf32>
        tpu.vector_store %arg11[%swap3A_268, %swap3A_269], %swap3A_272 {strides = array<i32>} : memref<128x32xf32, #tpu.memory_space<vmem>>, vector<1x16xf32>,
        %get3A_273 = arith.index_cast %add3A_259 : i32 to index
        %get3A_274 = arith.constant 16 : index
        %get3A_275 = tpu.vector_load %arg11[%get3A_273, %get3A_274] {strides = array<i32>} : memref<128x32xf32, #tpu.memory_space<vmem>>, vector<1x16xf32>,
        %get3A_276 = vector.shape_cast %get3A_275 : vector<1x16xf32> to vector<16xf32>
        %mul3A_277 = vector.broadcast %squeeze3A_261 : f32 to vector<16xf32>
        %mul3A_278 = arith.mulf %get3A_276, %mul3A_277 : vector<16xf32>
        %swap3A_279 = arith.index_cast %add3A_259 : i32 to index
        %swap3A_280 = arith.constant 16 : index
        %swap3A_281 = tpu.vector_load %arg11[%swap3A_279, %swap3A_280] {strides = array<i32>} : memref<128x32xf32, #tpu.memory_space<vmem>>, vector<1x16xf32>,
        %swap3A_282 = vector.shape_cast %swap3A_281 : vector<1x16xf32> to vector<16xf32>
        %swap3A_283 = vector.shape_cast %mul3A_278 : vector<16xf32> to vector<1x16xf32>
        tpu.vector_store %arg11[%swap3A_279, %swap3A_280], %swap3A_283 {strides = array<i32>} : memref<128x32xf32, #tpu.memory_space<vmem>>, vector<1x16xf32>,
        %mul3A_284 = arith.constant 16 : i32
        %mul3A_285 = arith.muli %scan3A_29, %mul3A_284 : i32
        %add3A_286 = arith.constant 9 : i32
        %add3A_287 = arith.addi %mul3A_285, %add3A_286 : i32
        %slice3A_288 = vector.extract_strided_slice %get3A_34 {offsets = [9], sizes = [1], strides = [1]} : vector<16xf32> to vector<1xf32>
        %squeeze3A_289 = vector.extract %slice3A_288[0] : f32 from vector<1xf32>
        %get3A_290 = arith.index_cast %add3A_287 : i32 to index
        %get3A_291 = arith.constant 0 : index
        %get3A_292 = tpu.vector_load %arg11[%get3A_290, %get3A_291] {strides = array<i32>} : memref<128x32xf32, #tpu.memory_space<vmem>>, vector<1x16xf32>,
        %get3A_293 = vector.shape_cast %get3A_292 : vector<1x16xf32> to vector<16xf32>
        %mul3A_294 = vector.broadcast %squeeze3A_289 : f32 to vector<16xf32>
        %mul3A_295 = arith.mulf %get3A_293, %mul3A_294 : vector<16xf32>
        %swap3A_296 = arith.index_cast %add3A_287 : i32 to index
        %swap3A_297 = arith.constant 0 : index
        %swap3A_298 = tpu.vector_load %arg11[%swap3A_296, %swap3A_297] {strides = array<i32>} : memref<128x32xf32, #tpu.memory_space<vmem>>, vector<1x16xf32>,
        %swap3A_299 = vector.shape_cast %swap3A_298 : vector<1x16xf32> to vector<16xf32>
        %swap3A_300 = vector.shape_cast %mul3A_295 : vector<16xf32> to vector<1x16xf32>
        tpu.vector_store %arg11[%swap3A_296, %swap3A_297], %swap3A_300 {strides = array<i32>} : memref<128x32xf32, #tpu.memory_space<vmem>>, vector<1x16xf32>,
        %get3A_301 = arith.index_cast %add3A_287 : i32 to index
        %get3A_302 = arith.constant 16 : index
        %get3A_303 = tpu.vector_load %arg11[%get3A_301, %get3A_302] {strides = array<i32>} : memref<128x32xf32, #tpu.memory_space<vmem>>, vector<1x16xf32>,
        %get3A_304 = vector.shape_cast %get3A_303 : vector<1x16xf32> to vector<16xf32>
        %mul3A_305 = vector.broadcast %squeeze3A_289 : f32 to vector<16xf32>
        %mul3A_306 = arith.mulf %get3A_304, %mul3A_305 : vector<16xf32>
        %swap3A_307 = arith.index_cast %add3A_287 : i32 to index
        %swap3A_308 = arith.constant 16 : index
        %swap3A_309 = tpu.vector_load %arg11[%swap3A_307, %swap3A_308] {strides = array<i32>} : memref<128x32xf32, #tpu.memory_space<vmem>>, vector<1x16xf32>,
        %swap3A_310 = vector.shape_cast %swap3A_309 : vector<1x16xf32> to vector<16xf32>
        %swap3A_311 = vector.shape_cast %mul3A_306 : vector<16xf32> to vector<1x16xf32>
        tpu.vector_store %arg11[%swap3A_307, %swap3A_308], %swap3A_311 {strides = array<i32>} : memref<128x32xf32, #tpu.memory_space<vmem>>, vector<1x16xf32>,
        %mul3A_312 = arith.constant 16 : i32
        %mul3A_313 = arith.muli %scan3A_29, %mul3A_312 : i32
        %add3A_314 = arith.constant 10 : i32
        %add3A_315 = arith.addi %mul3A_313, %add3A_314 : i32
        %slice3A_316 = vector.extract_strided_slice %get3A_34 {offsets = [10], sizes = [1], strides = [1]} : vector<16xf32> to vector<1xf32>
        %squeeze3A_317 = vector.extract %slice3A_316[0] : f32 from vector<1xf32>
        %get3A_318 = arith.index_cast %add3A_315 : i32 to index
        %get3A_319 = arith.constant 0 : index
        %get3A_320 = tpu.vector_load %arg11[%get3A_318, %get3A_319] {strides = array<i32>} : memref<128x32xf32, #tpu.memory_space<vmem>>, vector<1x16xf32>,
        %get3A_321 = vector.shape_cast %get3A_320 : vector<1x16xf32> to vector<16xf32>
        %mul3A_322 = vector.broadcast %squeeze3A_317 : f32 to vector<16xf32>
        %mul3A_323 = arith.mulf %get3A_321, %mul3A_322 : vector<16xf32>
        %swap3A_324 = arith.index_cast %add3A_315 : i32 to index
        %swap3A_325 = arith.constant 0 : index
        %swap3A_326 = tpu.vector_load %arg11[%swap3A_324, %swap3A_325] {strides = array<i32>} : memref<128x32xf32, #tpu.memory_space<vmem>>, vector<1x16xf32>,
        %swap3A_327 = vector.shape_cast %swap3A_326 : vector<1x16xf32> to vector<16xf32>
        %swap3A_328 = vector.shape_cast %mul3A_323 : vector<16xf32> to vector<1x16xf32>
        tpu.vector_store %arg11[%swap3A_324, %swap3A_325], %swap3A_328 {strides = array<i32>} : memref<128x32xf32, #tpu.memory_space<vmem>>, vector<1x16xf32>,
        %get3A_329 = arith.index_cast %add3A_315 : i32 to index
        %get3A_330 = arith.constant 16 : index
        %get3A_331 = tpu.vector_load %arg11[%get3A_329, %get3A_330] {strides = array<i32>} : memref<128x32xf32, #tpu.memory_space<vmem>>, vector<1x16xf32>,
        %get3A_332 = vector.shape_cast %get3A_331 : vector<1x16xf32> to vector<16xf32>
        %mul3A_333 = vector.broadcast %squeeze3A_317 : f32 to vector<16xf32>
        %mul3A_334 = arith.mulf %get3A_332, %mul3A_333 : vector<16xf32>
        %swap3A_335 = arith.index_cast %add3A_315 : i32 to index
        %swap3A_336 = arith.constant 16 : index
        %swap3A_337 = tpu.vector_load %arg11[%swap3A_335, %swap3A_336] {strides = array<i32>} : memref<128x32xf32, #tpu.memory_space<vmem>>, vector<1x16xf32>,
        %swap3A_338 = vector.shape_cast %swap3A_337 : vector<1x16xf32> to vector<16xf32>
        %swap3A_339 = vector.shape_cast %mul3A_334 : vector<16xf32> to vector<1x16xf32>
        tpu.vector_store %arg11[%swap3A_335, %swap3A_336], %swap3A_339 {strides = array<i32>} : memref<128x32xf32, #tpu.memory_space<vmem>>, vector<1x16xf32>,
        %mul3A_340 = arith.constant 16 : i32
        %mul3A_341 = arith.muli %scan3A_29, %mul3A_340 : i32
        %add3A_342 = arith.constant 11 : i32
        %add3A_343 = arith.addi %mul3A_341, %add3A_342 : i32
        %slice3A_344 = vector.extract_strided_slice %get3A_34 {offsets = [11], sizes = [1], strides = [1]} : vector<16xf32> to vector<1xf32>
        %squeeze3A_345 = vector.extract %slice3A_344[0] : f32 from vector<1xf32>
        %get3A_346 = arith.index_cast %add3A_343 : i32 to index
        %get3A_347 = arith.constant 0 : index
        %get3A_348 = tpu.vector_load %arg11[%get3A_346, %get3A_347] {strides = array<i32>} : memref<128x32xf32, #tpu.memory_space<vmem>>, vector<1x16xf32>,
        %get3A_349 = vector.shape_cast %get3A_348 : vector<1x16xf32> to vector<16xf32>
        %mul3A_350 = vector.broadcast %squeeze3A_345 : f32 to vector<16xf32>
        %mul3A_351 = arith.mulf %get3A_349, %mul3A_350 : vector<16xf32>
        %swap3A_352 = arith.index_cast %add3A_343 : i32 to index
        %swap3A_353 = arith.constant 0 : index
        %swap3A_354 = tpu.vector_load %arg11[%swap3A_352, %swap3A_353] {strides = array<i32>} : memref<128x32xf32, #tpu.memory_space<vmem>>, vector<1x16xf32>,
        %swap3A_355 = vector.shape_cast %swap3A_354 : vector<1x16xf32> to vector<16xf32>
        %swap3A_356 = vector.shape_cast %mul3A_351 : vector<16xf32> to vector<1x16xf32>
        tpu.vector_store %arg11[%swap3A_352, %swap3A_353], %swap3A_356 {strides = array<i32>} : memref<128x32xf32, #tpu.memory_space<vmem>>, vector<1x16xf32>,
        %get3A_357 = arith.index_cast %add3A_343 : i32 to index
        %get3A_358 = arith.constant 16 : index
        %get3A_359 = tpu.vector_load %arg11[%get3A_357, %get3A_358] {strides = array<i32>} : memref<128x32xf32, #tpu.memory_space<vmem>>, vector<1x16xf32>,
        %get3A_360 = vector.shape_cast %get3A_359 : vector<1x16xf32> to vector<16xf32>
        %mul3A_361 = vector.broadcast %squeeze3A_345 : f32 to vector<16xf32>
        %mul3A_362 = arith.mulf %get3A_360, %mul3A_361 : vector<16xf32>
        %swap3A_363 = arith.index_cast %add3A_343 : i32 to index
        %swap3A_364 = arith.constant 16 : index
        %swap3A_365 = tpu.vector_load %arg11[%swap3A_363, %swap3A_364] {strides = array<i32>} : memref<128x32xf32, #tpu.memory_space<vmem>>, vector<1x16xf32>,
        %swap3A_366 = vector.shape_cast %swap3A_365 : vector<1x16xf32> to vector<16xf32>
        %swap3A_367 = vector.shape_cast %mul3A_362 : vector<16xf32> to vector<1x16xf32>
        tpu.vector_store %arg11[%swap3A_363, %swap3A_364], %swap3A_367 {strides = array<i32>} : memref<128x32xf32, #tpu.memory_space<vmem>>, vector<1x16xf32>,
        %mul3A_368 = arith.constant 16 : i32
        %mul3A_369 = arith.muli %scan3A_29, %mul3A_368 : i32
        %add3A_370 = arith.constant 12 : i32
        %add3A_371 = arith.addi %mul3A_369, %add3A_370 : i32
        %slice3A_372 = vector.extract_strided_slice %get3A_34 {offsets = [12], sizes = [1], strides = [1]} : vector<16xf32> to vector<1xf32>
        %squeeze3A_373 = vector.extract %slice3A_372[0] : f32 from vector<1xf32>
        %get3A_374 = arith.index_cast %add3A_371 : i32 to index
        %get3A_375 = arith.constant 0 : index
        %get3A_376 = tpu.vector_load %arg11[%get3A_374, %get3A_375] {strides = array<i32>} : memref<128x32xf32, #tpu.memory_space<vmem>>, vector<1x16xf32>,
        %get3A_377 = vector.shape_cast %get3A_376 : vector<1x16xf32> to vector<16xf32>
        %mul3A_378 = vector.broadcast %squeeze3A_373 : f32 to vector<16xf32>
        %mul3A_379 = arith.mulf %get3A_377, %mul3A_378 : vector<16xf32>
        %swap3A_380 = arith.index_cast %add3A_371 : i32 to index
        %swap3A_381 = arith.constant 0 : index
        %swap3A_382 = tpu.vector_load %arg11[%swap3A_380, %swap3A_381] {strides = array<i32>} : memref<128x32xf32, #tpu.memory_space<vmem>>, vector<1x16xf32>,
        %swap3A_383 = vector.shape_cast %swap3A_382 : vector<1x16xf32> to vector<16xf32>
        %swap3A_384 = vector.shape_cast %mul3A_379 : vector<16xf32> to vector<1x16xf32>
        tpu.vector_store %arg11[%swap3A_380, %swap3A_381], %swap3A_384 {strides = array<i32>} : memref<128x32xf32, #tpu.memory_space<vmem>>, vector<1x16xf32>,
        %get3A_385 = arith.index_cast %add3A_371 : i32 to index
        %get3A_386 = arith.constant 16 : index
        %get3A_387 = tpu.vector_load %arg11[%get3A_385, %get3A_386] {strides = array<i32>} : memref<128x32xf32, #tpu.memory_space<vmem>>, vector<1x16xf32>,
        %get3A_388 = vector.shape_cast %get3A_387 : vector<1x16xf32> to vector<16xf32>
        %mul3A_389 = vector.broadcast %squeeze3A_373 : f32 to vector<16xf32>
        %mul3A_390 = arith.mulf %get3A_388, %mul3A_389 : vector<16xf32>
        %swap3A_391 = arith.index_cast %add3A_371 : i32 to index
        %swap3A_392 = arith.constant 16 : index
        %swap3A_393 = tpu.vector_load %arg11[%swap3A_391, %swap3A_392] {strides = array<i32>} : memref<128x32xf32, #tpu.memory_space<vmem>>, vector<1x16xf32>,
        %swap3A_394 = vector.shape_cast %swap3A_393 : vector<1x16xf32> to vector<16xf32>
        %swap3A_395 = vector.shape_cast %mul3A_390 : vector<16xf32> to vector<1x16xf32>
        tpu.vector_store %arg11[%swap3A_391, %swap3A_392], %swap3A_395 {strides = array<i32>} : memref<128x32xf32, #tpu.memory_space<vmem>>, vector<1x16xf32>,
        %mul3A_396 = arith.constant 16 : i32
        %mul3A_397 = arith.muli %scan3A_29, %mul3A_396 : i32
        %add3A_398 = arith.constant 13 : i32
        %add3A_399 = arith.addi %mul3A_397, %add3A_398 : i32
        %slice3A_400 = vector.extract_strided_slice %get3A_34 {offsets = [13], sizes = [1], strides = [1]} : vector<16xf32> to vector<1xf32>
        %squeeze3A_401 = vector.extract %slice3A_400[0] : f32 from vector<1xf32>
        %get3A_402 = arith.index_cast %add3A_399 : i32 to index
        %get3A_403 = arith.constant 0 : index
        %get3A_404 = tpu.vector_load %arg11[%get3A_402, %get3A_403] {strides = array<i32>} : memref<128x32xf32, #tpu.memory_space<vmem>>, vector<1x16xf32>,
        %get3A_405 = vector.shape_cast %get3A_404 : vector<1x16xf32> to vector<16xf32>
        %mul3A_406 = vector.broadcast %squeeze3A_401 : f32 to vector<16xf32>
        %mul3A_407 = arith.mulf %get3A_405, %mul3A_406 : vector<16xf32>
        %swap3A_408 = arith.index_cast %add3A_399 : i32 to index
        %swap3A_409 = arith.constant 0 : index
        %swap3A_410 = tpu.vector_load %arg11[%swap3A_408, %swap3A_409] {strides = array<i32>} : memref<128x32xf32, #tpu.memory_space<vmem>>, vector<1x16xf32>,
        %swap3A_411 = vector.shape_cast %swap3A_410 : vector<1x16xf32> to vector<16xf32>
        %swap3A_412 = vector.shape_cast %mul3A_407 : vector<16xf32> to vector<1x16xf32>
        tpu.vector_store %arg11[%swap3A_408, %swap3A_409], %swap3A_412 {strides = array<i32>} : memref<128x32xf32, #tpu.memory_space<vmem>>, vector<1x16xf32>,
        %get3A_413 = arith.index_cast %add3A_399 : i32 to index
        %get3A_414 = arith.constant 16 : index
        %get3A_415 = tpu.vector_load %arg11[%get3A_413, %get3A_414] {strides = array<i32>} : memref<128x32xf32, #tpu.memory_space<vmem>>, vector<1x16xf32>,
        %get3A_416 = vector.shape_cast %get3A_415 : vector<1x16xf32> to vector<16xf32>
        %mul3A_417 = vector.broadcast %squeeze3A_401 : f32 to vector<16xf32>
        %mul3A_418 = arith.mulf %get3A_416, %mul3A_417 : vector<16xf32>
        %swap3A_419 = arith.index_cast %add3A_399 : i32 to index
        %swap3A_420 = arith.constant 16 : index
        %swap3A_421 = tpu.vector_load %arg11[%swap3A_419, %swap3A_420] {strides = array<i32>} : memref<128x32xf32, #tpu.memory_space<vmem>>, vector<1x16xf32>,
        %swap3A_422 = vector.shape_cast %swap3A_421 : vector<1x16xf32> to vector<16xf32>
        %swap3A_423 = vector.shape_cast %mul3A_418 : vector<16xf32> to vector<1x16xf32>
        tpu.vector_store %arg11[%swap3A_419, %swap3A_420], %swap3A_423 {strides = array<i32>} : memref<128x32xf32, #tpu.memory_space<vmem>>, vector<1x16xf32>,
        %mul3A_424 = arith.constant 16 : i32
        %mul3A_425 = arith.muli %scan3A_29, %mul3A_424 : i32
        %add3A_426 = arith.constant 14 : i32
        %add3A_427 = arith.addi %mul3A_425, %add3A_426 : i32
        %slice3A_428 = vector.extract_strided_slice %get3A_34 {offsets = [14], sizes = [1], strides = [1]} : vector<16xf32> to vector<1xf32>
        %squeeze3A_429 = vector.extract %slice3A_428[0] : f32 from vector<1xf32>
        %get3A_430 = arith.index_cast %add3A_427 : i32 to index
        %get3A_431 = arith.constant 0 : index
        %get3A_432 = tpu.vector_load %arg11[%get3A_430, %get3A_431] {strides = array<i32>} : memref<128x32xf32, #tpu.memory_space<vmem>>, vector<1x16xf32>,
        %get3A_433 = vector.shape_cast %get3A_432 : vector<1x16xf32> to vector<16xf32>
        %mul3A_434 = vector.broadcast %squeeze3A_429 : f32 to vector<16xf32>
        %mul3A_435 = arith.mulf %get3A_433, %mul3A_434 : vector<16xf32>
        %swap3A_436 = arith.index_cast %add3A_427 : i32 to index
        %swap3A_437 = arith.constant 0 : index
        %swap3A_438 = tpu.vector_load %arg11[%swap3A_436, %swap3A_437] {strides = array<i32>} : memref<128x32xf32, #tpu.memory_space<vmem>>, vector<1x16xf32>,
        %swap3A_439 = vector.shape_cast %swap3A_438 : vector<1x16xf32> to vector<16xf32>
        %swap3A_440 = vector.shape_cast %mul3A_435 : vector<16xf32> to vector<1x16xf32>
        tpu.vector_store %arg11[%swap3A_436, %swap3A_437], %swap3A_440 {strides = array<i32>} : memref<128x32xf32, #tpu.memory_space<vmem>>, vector<1x16xf32>,
        %get3A_441 = arith.index_cast %add3A_427 : i32 to index
        %get3A_442 = arith.constant 16 : index
        %get3A_443 = tpu.vector_load %arg11[%get3A_441, %get3A_442] {strides = array<i32>} : memref<128x32xf32, #tpu.memory_space<vmem>>, vector<1x16xf32>,
        %get3A_444 = vector.shape_cast %get3A_443 : vector<1x16xf32> to vector<16xf32>
        %mul3A_445 = vector.broadcast %squeeze3A_429 : f32 to vector<16xf32>
        %mul3A_446 = arith.mulf %get3A_444, %mul3A_445 : vector<16xf32>
        %swap3A_447 = arith.index_cast %add3A_427 : i32 to index
        %swap3A_448 = arith.constant 16 : index
        %swap3A_449 = tpu.vector_load %arg11[%swap3A_447, %swap3A_448] {strides = array<i32>} : memref<128x32xf32, #tpu.memory_space<vmem>>, vector<1x16xf32>,
        %swap3A_450 = vector.shape_cast %swap3A_449 : vector<1x16xf32> to vector<16xf32>
        %swap3A_451 = vector.shape_cast %mul3A_446 : vector<16xf32> to vector<1x16xf32>
        tpu.vector_store %arg11[%swap3A_447, %swap3A_448], %swap3A_451 {strides = array<i32>} : memref<128x32xf32, #tpu.memory_space<vmem>>, vector<1x16xf32>,
        %mul3A_452 = arith.constant 16 : i32
        %mul3A_453 = arith.muli %scan3A_29, %mul3A_452 : i32
        %add3A_454 = arith.constant 15 : i32
        %add3A_455 = arith.addi %mul3A_453, %add3A_454 : i32
        %slice3A_456 = vector.extract_strided_slice %get3A_34 {offsets = [15], sizes = [1], strides = [1]} : vector<16xf32> to vector<1xf32>
        %squeeze3A_457 = vector.extract %slice3A_456[0] : f32 from vector<1xf32>
        %get3A_458 = arith.index_cast %add3A_455 : i32 to index
        %get3A_459 = arith.constant 0 : index
        %get3A_460 = tpu.vector_load %arg11[%get3A_458, %get3A_459] {strides = array<i32>} : memref<128x32xf32, #tpu.memory_space<vmem>>, vector<1x16xf32>,
        %get3A_461 = vector.shape_cast %get3A_460 : vector<1x16xf32> to vector<16xf32>
        %mul3A_462 = vector.broadcast %squeeze3A_457 : f32 to vector<16xf32>
        %mul3A_463 = arith.mulf %get3A_461, %mul3A_462 : vector<16xf32>
        %swap3A_464 = arith.index_cast %add3A_455 : i32 to index
        %swap3A_465 = arith.constant 0 : index
        %swap3A_466 = tpu.vector_load %arg11[%swap3A_464, %swap3A_465] {strides = array<i32>} : memref<128x32xf32, #tpu.memory_space<vmem>>, vector<1x16xf32>,
        %swap3A_467 = vector.shape_cast %swap3A_466 : vector<1x16xf32> to vector<16xf32>
        %swap3A_468 = vector.shape_cast %mul3A_463 : vector<16xf32> to vector<1x16xf32>
        tpu.vector_store %arg11[%swap3A_464, %swap3A_465], %swap3A_468 {strides = array<i32>} : memref<128x32xf32, #tpu.memory_space<vmem>>, vector<1x16xf32>,
        %get3A_469 = arith.index_cast %add3A_455 : i32 to index
        %get3A_470 = arith.constant 16 : index
        %get3A_471 = tpu.vector_load %arg11[%get3A_469, %get3A_470] {strides = array<i32>} : memref<128x32xf32, #tpu.memory_space<vmem>>, vector<1x16xf32>,
        %get3A_472 = vector.shape_cast %get3A_471 : vector<1x16xf32> to vector<16xf32>
        %mul3A_473 = vector.broadcast %squeeze3A_457 : f32 to vector<16xf32>
        %mul3A_474 = arith.mulf %get3A_472, %mul3A_473 : vector<16xf32>
        %swap3A_475 = arith.index_cast %add3A_455 : i32 to index
        %swap3A_476 = arith.constant 16 : index
        %swap3A_477 = tpu.vector_load %arg11[%swap3A_475, %swap3A_476] {strides = array<i32>} : memref<128x32xf32, #tpu.memory_space<vmem>>, vector<1x16xf32>,
        %swap3A_478 = vector.shape_cast %swap3A_477 : vector<1x16xf32> to vector<16xf32>
        %swap3A_479 = vector.shape_cast %mul3A_474 : vector<16xf32> to vector<1x16xf32>
        tpu.vector_store %arg11[%swap3A_475, %swap3A_476], %swap3A_479 {strides = array<i32>} : memref<128x32xf32, #tpu.memory_space<vmem>>, vector<1x16xf32>,
      }
      %scan3A_28 = arith.constant 8 : i32
      "tpu.region"() ({
        %run_scoped3A = tpu.sem_alloc : memref<!tpu.dma_semaphore, #tpu.memory_space<semaphore_mem>>
        %dma_start3A = arith.constant 0 : i32
        %dma_start3A_29 = tpu.memref_slice %arg9[%scan3A_22, %dma_start3A] : memref<80x128xi32, #tpu.memory_space<vmem>> -> memref<1x128xi32, #tpu.memory_space<vmem>>
        %dma_start3A_30 = tpu.memref_squeeze %dma_start3A_29 : memref<1x128xi32, #tpu.memory_space<vmem>> -> memref<128xi32, #tpu.memory_space<vmem>>
        %dma_start3A_31 = arith.constant 0 : i32
        %dma_start3A_32 = arith.constant 0 : i32
        %dma_start3A_33 = tpu.memref_slice %arg7[%dma_start3A_31, %dma_start3A_32] : memref<10240x32xf32, #tpu.memory_space<vmem_shared>> -> memref<10240x32xf32, #tpu.memory_space<vmem_shared>>
        tpu.enqueue_indirect_dma source(%arg11 : memref<128x32xf32, #tpu.memory_space<vmem>>) target(%dma_start3A_33 : memref<10240x32xf32, #tpu.memory_space<vmem_shared>>) offsets(%dma_start3A_30 : memref<128xi32, #tpu.memory_space<vmem>>) semaphore(%run_scoped3A : memref<!tpu.dma_semaphore, #tpu.memory_space<semaphore_mem>>) {add = true}
        %dma_wait3A = arith.constant 0 : i32
        %dma_wait3A_34 = tpu.memref_slice %arg9[%scan3A_22, %dma_wait3A] : memref<80x128xi32, #tpu.memory_space<vmem>> -> memref<1x128xi32, #tpu.memory_space<vmem>>
        %dma_wait3A_35 = tpu.memref_squeeze %dma_wait3A_34 : memref<1x128xi32, #tpu.memory_space<vmem>> -> memref<128xi32, #tpu.memory_space<vmem>>
        %dma_wait3A_36 = arith.constant 0 : i32
        %dma_wait3A_37 = arith.constant 0 : i32
        %dma_wait3A_38 = tpu.memref_slice %arg7[%dma_wait3A_36, %dma_wait3A_37] : memref<10240x32xf32, #tpu.memory_space<vmem_shared>> -> memref<10240x32xf32, #tpu.memory_space<vmem_shared>>
        tpu.wait_indirect_dma semaphore(%run_scoped3A : memref<!tpu.dma_semaphore, #tpu.memory_space<semaphore_mem>>) src(%arg11 : memref<128x32xf32, #tpu.memory_space<vmem>>) dst(%dma_wait3A_38 : memref<10240x32xf32, #tpu.memory_space<vmem_shared>>)
        tpu.yield
      }) : () -> ()
    }
    %scan3A_16 = arith.constant 80 : i32
    %barrier3A_17 = arith.constant 0 : index
    tpu.barrier barrier_id(%barrier3A_17)
    %mul3A_18 = arith.constant 640 : i32
    %mul3A_19 = arith.muli %arg1, %mul3A_18 : i32
    %mul3A_20 = arith.constant 640 : i32
    %mul3A_21 = arith.muli %arg1, %mul3A_20 : i32
    "tpu.region"() ({
      %run_scoped3A = tpu.sem_alloc : memref<!tpu.dma_semaphore, #tpu.memory_space<semaphore_mem>>
      %dma_start3A = arith.constant 0 : i32
      %dma_start3A_22 = tpu.memref_slice %arg6[%arg0, %mul3A_21, %dma_start3A] : memref<2x10240x32xf32, #tpu.memory_space<hbm>> -> memref<1x640x32xf32, #tpu.memory_space<hbm>>
      %dma_start3A_23 = tpu.memref_squeeze %dma_start3A_22 : memref<1x640x32xf32, #tpu.memory_space<hbm>> -> memref<640x32xf32, #tpu.memory_space<hbm>>
      %dma_start3A_24 = arith.constant 0 : i32
      %dma_start3A_25 = tpu.memref_slice %arg7[%mul3A_19, %dma_start3A_24] : memref<10240x32xf32, #tpu.memory_space<vmem_shared>> -> memref<640x32xf32, #tpu.memory_space<vmem_shared>>
      tpu.enqueue_dma source(%dma_start3A_25 : memref<640x32xf32, #tpu.memory_space<vmem_shared>>) target(%dma_start3A_23 : memref<640x32xf32, #tpu.memory_space<hbm>>) target_semaphore(%run_scoped3A : memref<!tpu.dma_semaphore, #tpu.memory_space<semaphore_mem>>)
      %dma_wait3A = arith.constant 0 : i32
      %dma_wait3A_26 = tpu.memref_slice %arg6[%arg0, %mul3A_21, %dma_wait3A] : memref<2x10240x32xf32, #tpu.memory_space<hbm>> -> memref<1x640x32xf32, #tpu.memory_space<hbm>>
      %dma_wait3A_27 = tpu.memref_squeeze %dma_wait3A_26 : memref<1x640x32xf32, #tpu.memory_space<hbm>> -> memref<640x32xf32, #tpu.memory_space<hbm>>
      %dma_wait3A_28 = arith.constant 0 : i32
      %dma_wait3A_29 = tpu.memref_slice %arg7[%mul3A_19, %dma_wait3A_28] : memref<10240x32xf32, #tpu.memory_space<vmem_shared>> -> memref<640x32xf32, #tpu.memory_space<vmem_shared>>
      tpu.wait_dma2 semaphore(%run_scoped3A : memref<!tpu.dma_semaphore, #tpu.memory_space<semaphore_mem>>) src(%dma_wait3A_29 : memref<640x32xf32, #tpu.memory_space<vmem_shared>>) dst(%dma_wait3A_27 : memref<640x32xf32, #tpu.memory_space<hbm>>)
      tpu.yield
    }) : () -> ()
    return
  }
}

#map = affine_map<(d0, d1) -> (0, 0)>
module attributes {stable_mosaic.version = 14 : i64} {
  func.func @_deg_body(%arg0: i32, %arg1: i32, %arg2: memref<2560x128xi32, #tpu.memory_space<hbm>>, %arg3: memref<2560x128xf32, #tpu.memory_space<hbm>>, %arg4: memref<2x10240xf32, #tpu.memory_space<hbm>>, %arg5: memref<10240xf32, #tpu.memory_space<vmem_shared>>, %arg6: memref<80x128xi32, #tpu.memory_space<vmem>>, %arg7: memref<80x128xf32, #tpu.memory_space<vmem>>, %arg8: memref<640xf32, #tpu.memory_space<vmem>>) attributes {dimension_semantics = [#tpu.dimension_semantics<core_parallel>, #tpu.dimension_semantics<subcore_parallel>], iteration_bounds = array<i64: 2, 16>, scalar_prefetch = 0 : i64, scratch_operands = 4 : i64, tpu.core_type = #tpu.core_type<sc_vector_subcore>, window_params = [{transform_indices = #map}, {transform_indices = #map}, {transform_indices = #map}]} {
    %mul3A = arith.constant 2 : i32
    %mul3A_0 = arith.muli %arg1, %mul3A : i32
    %add3A = arith.addi %mul3A_0, %arg0 : i32
    %mul3A_1 = arith.constant 80 : i32
    %mul3A_2 = arith.muli %add3A, %mul3A_1 : i32
    %multiple_of3A = tpu.assume_multiple %mul3A_2, 8 : i32
    "tpu.region"() ({
      %run_scoped3A = tpu.sem_alloc : memref<!tpu.dma_semaphore, #tpu.memory_space<semaphore_mem>>
      %dma_start3A = arith.constant 0 : i32
      %dma_start3A_22 = tpu.memref_slice %arg2[%multiple_of3A, %dma_start3A] : memref<2560x128xi32, #tpu.memory_space<hbm>> -> memref<80x128xi32, #tpu.memory_space<hbm>>
      %dma_start3A_23 = arith.constant 0 : i32
      %dma_start3A_24 = tpu.memref_slice %arg2[%multiple_of3A, %dma_start3A_23] : memref<2560x128xi32, #tpu.memory_space<hbm>> -> memref<80x128xi32, #tpu.memory_space<hbm>>
      tpu.enqueue_dma source(%dma_start3A_24 : memref<80x128xi32, #tpu.memory_space<hbm>>) target(%arg6 : memref<80x128xi32, #tpu.memory_space<vmem>>) target_semaphore(%run_scoped3A : memref<!tpu.dma_semaphore, #tpu.memory_space<semaphore_mem>>)
      %dma_wait3A = arith.constant 0 : i32
      %dma_wait3A_25 = tpu.memref_slice %arg2[%multiple_of3A, %dma_wait3A] : memref<2560x128xi32, #tpu.memory_space<hbm>> -> memref<80x128xi32, #tpu.memory_space<hbm>>
      %dma_wait3A_26 = arith.constant 0 : i32
      %dma_wait3A_27 = tpu.memref_slice %arg2[%multiple_of3A, %dma_wait3A_26] : memref<2560x128xi32, #tpu.memory_space<hbm>> -> memref<80x128xi32, #tpu.memory_space<hbm>>
      tpu.wait_dma2 semaphore(%run_scoped3A : memref<!tpu.dma_semaphore, #tpu.memory_space<semaphore_mem>>) src(%dma_wait3A_27 : memref<80x128xi32, #tpu.memory_space<hbm>>) dst(%arg6 : memref<80x128xi32, #tpu.memory_space<vmem>>)
      tpu.yield
    }) : () -> ()
    "tpu.region"() ({
      %run_scoped3A = tpu.sem_alloc : memref<!tpu.dma_semaphore, #tpu.memory_space<semaphore_mem>>
      %dma_start3A = arith.constant 0 : i32
      %dma_start3A_22 = tpu.memref_slice %arg3[%multiple_of3A, %dma_start3A] : memref<2560x128xf32, #tpu.memory_space<hbm>> -> memref<80x128xf32, #tpu.memory_space<hbm>>
      %dma_start3A_23 = arith.constant 0 : i32
      %dma_start3A_24 = tpu.memref_slice %arg3[%multiple_of3A, %dma_start3A_23] : memref<2560x128xf32, #tpu.memory_space<hbm>> -> memref<80x128xf32, #tpu.memory_space<hbm>>
      tpu.enqueue_dma source(%dma_start3A_24 : memref<80x128xf32, #tpu.memory_space<hbm>>) target(%arg7 : memref<80x128xf32, #tpu.memory_space<vmem>>) target_semaphore(%run_scoped3A : memref<!tpu.dma_semaphore, #tpu.memory_space<semaphore_mem>>)
      %dma_wait3A = arith.constant 0 : i32
      %dma_wait3A_25 = tpu.memref_slice %arg3[%multiple_of3A, %dma_wait3A] : memref<2560x128xf32, #tpu.memory_space<hbm>> -> memref<80x128xf32, #tpu.memory_space<hbm>>
      %dma_wait3A_26 = arith.constant 0 : i32
      %dma_wait3A_27 = tpu.memref_slice %arg3[%multiple_of3A, %dma_wait3A_26] : memref<2560x128xf32, #tpu.memory_space<hbm>> -> memref<80x128xf32, #tpu.memory_space<hbm>>
      tpu.wait_dma2 semaphore(%run_scoped3A : memref<!tpu.dma_semaphore, #tpu.memory_space<semaphore_mem>>) src(%dma_wait3A_27 : memref<80x128xf32, #tpu.memory_space<hbm>>) dst(%arg7 : memref<80x128xf32, #tpu.memory_space<vmem>>)
      tpu.yield
    }) : () -> ()
    %broadcast_in_dim3A = arith.constant 0.000000e+00 : f32
    %broadcast_in_dim3A_3 = vector.broadcast %broadcast_in_dim3A : f32 to vector<16xf32>
    %scan3A = arith.constant 0 : i32
    %scan3A_4 = arith.constant 0 : i32
    %scan3A_5 = arith.constant 40 : i32
    %scan3A_6 = arith.addi %scan3A_4, %scan3A_5 : i32
    %scan3A_7 = arith.constant 1 : i32
    scf.for %scan3A_22 = %scan3A_4 to %scan3A_6 step %scan3A_7  : i32 {
      %mul3A_23 = arith.constant 16 : i32
      %mul3A_24 = arith.muli %scan3A_22, %mul3A_23 : i32
      %swap3A = arith.index_cast %mul3A_24 : i32 to index
      %swap3A_25 = tpu.vector_load %arg8[%swap3A] {strides = array<i32>} : memref<640xf32, #tpu.memory_space<vmem>>, vector<16xf32>,
      %swap3A_26 = vector.shape_cast %swap3A_25 : vector<16xf32> to vector<16xf32>
      %swap3A_27 = vector.shape_cast %broadcast_in_dim3A_3 : vector<16xf32> to vector<16xf32>
      tpu.vector_store %arg8[%swap3A], %swap3A_27 {strides = array<i32>} : memref<640xf32, #tpu.memory_space<vmem>>, vector<16xf32>,
    }
    %scan3A_8 = arith.constant 40 : i32
    %mul3A_9 = arith.constant 640 : i32
    %mul3A_10 = arith.muli %arg1, %mul3A_9 : i32
    "tpu.region"() ({
      %run_scoped3A = tpu.sem_alloc : memref<!tpu.dma_semaphore, #tpu.memory_space<semaphore_mem>>
      %dma_start3A = tpu.memref_slice %arg5[%mul3A_10] : memref<10240xf32, #tpu.memory_space<vmem_shared>> -> memref<640xf32, #tpu.memory_space<vmem_shared>>
      %dma_start3A_22 = tpu.memref_slice %arg5[%mul3A_10] : memref<10240xf32, #tpu.memory_space<vmem_shared>> -> memref<640xf32, #tpu.memory_space<vmem_shared>>
      tpu.enqueue_dma source(%arg8 : memref<640xf32, #tpu.memory_space<vmem>>) target(%dma_start3A_22 : memref<640xf32, #tpu.memory_space<vmem_shared>>) target_semaphore(%run_scoped3A : memref<!tpu.dma_semaphore, #tpu.memory_space<semaphore_mem>>)
      %dma_wait3A = tpu.memref_slice %arg5[%mul3A_10] : memref<10240xf32, #tpu.memory_space<vmem_shared>> -> memref<640xf32, #tpu.memory_space<vmem_shared>>
      %dma_wait3A_23 = tpu.memref_slice %arg5[%mul3A_10] : memref<10240xf32, #tpu.memory_space<vmem_shared>> -> memref<640xf32, #tpu.memory_space<vmem_shared>>
      tpu.wait_dma2 semaphore(%run_scoped3A : memref<!tpu.dma_semaphore, #tpu.memory_space<semaphore_mem>>) src(%arg8 : memref<640xf32, #tpu.memory_space<vmem>>) dst(%dma_wait3A_23 : memref<640xf32, #tpu.memory_space<vmem_shared>>)
      tpu.yield
    }) : () -> ()
    %barrier3A = arith.constant 0 : index
    tpu.barrier barrier_id(%barrier3A)
    %scan3A_11 = arith.constant 0 : i32
    %scan3A_12 = arith.constant 0 : i32
    %scan3A_13 = arith.constant 80 : i32
    %scan3A_14 = arith.addi %scan3A_12, %scan3A_13 : i32
    %scan3A_15 = arith.constant 1 : i32
    scf.for %scan3A_22 = %scan3A_12 to %scan3A_14 step %scan3A_15  : i32 {
      "tpu.region"() ({
        %run_scoped3A = tpu.sem_alloc : memref<!tpu.dma_semaphore, #tpu.memory_space<semaphore_mem>>
        %dma_start3A = arith.constant 0 : i32
        %dma_start3A_23 = tpu.memref_slice %arg7[%scan3A_22, %dma_start3A] : memref<80x128xf32, #tpu.memory_space<vmem>> -> memref<1x128xf32, #tpu.memory_space<vmem>>
        %dma_start3A_24 = tpu.memref_squeeze %dma_start3A_23 : memref<1x128xf32, #tpu.memory_space<vmem>> -> memref<128xf32, #tpu.memory_space<vmem>>
        %dma_start3A_25 = arith.constant 0 : i32
        %dma_start3A_26 = tpu.memref_slice %arg6[%scan3A_22, %dma_start3A_25] : memref<80x128xi32, #tpu.memory_space<vmem>> -> memref<1x128xi32, #tpu.memory_space<vmem>>
        %dma_start3A_27 = tpu.memref_squeeze %dma_start3A_26 : memref<1x128xi32, #tpu.memory_space<vmem>> -> memref<128xi32, #tpu.memory_space<vmem>>
        %dma_start3A_28 = arith.constant 0 : i32
        %dma_start3A_29 = tpu.memref_slice %arg5[%dma_start3A_28] : memref<10240xf32, #tpu.memory_space<vmem_shared>> -> memref<10240xf32, #tpu.memory_space<vmem_shared>>
        tpu.enqueue_indirect_dma source(%dma_start3A_24 : memref<128xf32, #tpu.memory_space<vmem>>) target(%dma_start3A_29 : memref<10240xf32, #tpu.memory_space<vmem_shared>>) offsets(%dma_start3A_27 : memref<128xi32, #tpu.memory_space<vmem>>) semaphore(%run_scoped3A : memref<!tpu.dma_semaphore, #tpu.memory_space<semaphore_mem>>) {add = true}
        %dma_wait3A = arith.constant 0 : i32
        %dma_wait3A_30 = tpu.memref_slice %arg7[%scan3A_22, %dma_wait3A] : memref<80x128xf32, #tpu.memory_space<vmem>> -> memref<1x128xf32, #tpu.memory_space<vmem>>
        %dma_wait3A_31 = tpu.memref_squeeze %dma_wait3A_30 : memref<1x128xf32, #tpu.memory_space<vmem>> -> memref<128xf32, #tpu.memory_space<vmem>>
        %dma_wait3A_32 = arith.constant 0 : i32
        %dma_wait3A_33 = tpu.memref_slice %arg6[%scan3A_22, %dma_wait3A_32] : memref<80x128xi32, #tpu.memory_space<vmem>> -> memref<1x128xi32, #tpu.memory_space<vmem>>
        %dma_wait3A_34 = tpu.memref_squeeze %dma_wait3A_33 : memref<1x128xi32, #tpu.memory_space<vmem>> -> memref<128xi32, #tpu.memory_space<vmem>>
        %dma_wait3A_35 = arith.constant 0 : i32
        %dma_wait3A_36 = tpu.memref_slice %arg5[%dma_wait3A_35] : memref<10240xf32, #tpu.memory_space<vmem_shared>> -> memref<10240xf32, #tpu.memory_space<vmem_shared>>
        tpu.wait_indirect_dma semaphore(%run_scoped3A : memref<!tpu.dma_semaphore, #tpu.memory_space<semaphore_mem>>) src(%dma_wait3A_31 : memref<128xf32, #tpu.memory_space<vmem>>) dst(%dma_wait3A_36 : memref<10240xf32, #tpu.memory_space<vmem_shared>>)
        tpu.yield
      }) : () -> ()
    }
    %scan3A_16 = arith.constant 80 : i32
    %barrier3A_17 = arith.constant 0 : index
    tpu.barrier barrier_id(%barrier3A_17)
    %mul3A_18 = arith.constant 640 : i32
    %mul3A_19 = arith.muli %arg1, %mul3A_18 : i32
    %mul3A_20 = arith.constant 640 : i32
    %mul3A_21 = arith.muli %arg1, %mul3A_20 : i32
    "tpu.region"() ({
      %run_scoped3A = tpu.sem_alloc : memref<!tpu.dma_semaphore, #tpu.memory_space<semaphore_mem>>
      %dma_start3A = tpu.memref_slice %arg4[%arg0, %mul3A_21] : memref<2x10240xf32, #tpu.memory_space<hbm>> -> memref<1x640xf32, #tpu.memory_space<hbm>>
      %dma_start3A_22 = tpu.memref_squeeze %dma_start3A : memref<1x640xf32, #tpu.memory_space<hbm>> -> memref<640xf32, #tpu.memory_space<hbm>>
      %dma_start3A_23 = tpu.memref_slice %arg5[%mul3A_19] : memref<10240xf32, #tpu.memory_space<vmem_shared>> -> memref<640xf32, #tpu.memory_space<vmem_shared>>
      tpu.enqueue_dma source(%dma_start3A_23 : memref<640xf32, #tpu.memory_space<vmem_shared>>) target(%dma_start3A_22 : memref<640xf32, #tpu.memory_space<hbm>>) target_semaphore(%run_scoped3A : memref<!tpu.dma_semaphore, #tpu.memory_space<semaphore_mem>>)
      %dma_wait3A = tpu.memref_slice %arg4[%arg0, %mul3A_21] : memref<2x10240xf32, #tpu.memory_space<hbm>> -> memref<1x640xf32, #tpu.memory_space<hbm>>
      %dma_wait3A_24 = tpu.memref_squeeze %dma_wait3A : memref<1x640xf32, #tpu.memory_space<hbm>> -> memref<640xf32, #tpu.memory_space<hbm>>
      %dma_wait3A_25 = tpu.memref_slice %arg5[%mul3A_19] : memref<10240xf32, #tpu.memory_space<vmem_shared>> -> memref<640xf32, #tpu.memory_space<vmem_shared>>
      tpu.wait_dma2 semaphore(%run_scoped3A : memref<!tpu.dma_semaphore, #tpu.memory_space<semaphore_mem>>) src(%dma_wait3A_25 : memref<640xf32, #tpu.memory_space<vmem_shared>>) dst(%dma_wait3A_24 : memref<640xf32, #tpu.memory_space<hbm>>)
      tpu.yield
    }) : () -> ()
    return
  }
}

#map = affine_map<(d0, d1) -> (0, 0)>
#map1 = affine_map<(d0, d1) -> (0, 0, 0)>
module attributes {stable_mosaic.version = 14 : i64} {
  func.func @_layer_body(%arg0: i32, %arg1: i32, %arg2: memref<10000x32xf32, #tpu.memory_space<hbm>>, %arg3: memref<2560x128xi32, #tpu.memory_space<hbm>>, %arg4: memref<2560x128xi32, #tpu.memory_space<hbm>>, %arg5: memref<2560x128xf32, #tpu.memory_space<hbm>>, %arg6: memref<2x10240x32xf32, #tpu.memory_space<hbm>>, %arg7: memref<10240x32xf32, #tpu.memory_space<vmem_shared>>, %arg8: memref<80x128xi32, #tpu.memory_space<vmem>>, %arg9: memref<80x128xi32, #tpu.memory_space<vmem>>, %arg10: memref<80x128xf32, #tpu.memory_space<vmem>>, %arg11: memref<128x32xf32, #tpu.memory_space<vmem>>, %arg12: memref<640x32xf32, #tpu.memory_space<vmem>>) attributes {dimension_semantics = [#tpu.dimension_semantics<core_parallel>, #tpu.dimension_semantics<subcore_parallel>], iteration_bounds = array<i64: 2, 16>, scalar_prefetch = 0 : i64, scratch_operands = 6 : i64, tpu.core_type = #tpu.core_type<sc_vector_subcore>, window_params = [{transform_indices = #map}, {transform_indices = #map}, {transform_indices = #map}, {transform_indices = #map}, {transform_indices = #map1}]} {
    %mul3A = arith.constant 2 : i32
    %mul3A_0 = arith.muli %arg1, %mul3A : i32
    %add3A = arith.addi %mul3A_0, %arg0 : i32
    %mul3A_1 = arith.constant 80 : i32
    %mul3A_2 = arith.muli %add3A, %mul3A_1 : i32
    %multiple_of3A = tpu.assume_multiple %mul3A_2, 8 : i32
    "tpu.region"() ({
      %run_scoped3A = tpu.sem_alloc : memref<!tpu.dma_semaphore, #tpu.memory_space<semaphore_mem>>
      %dma_start3A = arith.constant 0 : i32
      %dma_start3A_22 = tpu.memref_slice %arg3[%multiple_of3A, %dma_start3A] : memref<2560x128xi32, #tpu.memory_space<hbm>> -> memref<80x128xi32, #tpu.memory_space<hbm>>
      %dma_start3A_23 = arith.constant 0 : i32
      %dma_start3A_24 = tpu.memref_slice %arg3[%multiple_of3A, %dma_start3A_23] : memref<2560x128xi32, #tpu.memory_space<hbm>> -> memref<80x128xi32, #tpu.memory_space<hbm>>
      tpu.enqueue_dma source(%dma_start3A_24 : memref<80x128xi32, #tpu.memory_space<hbm>>) target(%arg8 : memref<80x128xi32, #tpu.memory_space<vmem>>) target_semaphore(%run_scoped3A : memref<!tpu.dma_semaphore, #tpu.memory_space<semaphore_mem>>)
      %dma_wait3A = arith.constant 0 : i32
      %dma_wait3A_25 = tpu.memref_slice %arg3[%multiple_of3A, %dma_wait3A] : memref<2560x128xi32, #tpu.memory_space<hbm>> -> memref<80x128xi32, #tpu.memory_space<hbm>>
      %dma_wait3A_26 = arith.constant 0 : i32
      %dma_wait3A_27 = tpu.memref_slice %arg3[%multiple_of3A, %dma_wait3A_26] : memref<2560x128xi32, #tpu.memory_space<hbm>> -> memref<80x128xi32, #tpu.memory_space<hbm>>
      tpu.wait_dma2 semaphore(%run_scoped3A : memref<!tpu.dma_semaphore, #tpu.memory_space<semaphore_mem>>) src(%dma_wait3A_27 : memref<80x128xi32, #tpu.memory_space<hbm>>) dst(%arg8 : memref<80x128xi32, #tpu.memory_space<vmem>>)
      tpu.yield
    }) : () -> ()
    "tpu.region"() ({
      %run_scoped3A = tpu.sem_alloc : memref<!tpu.dma_semaphore, #tpu.memory_space<semaphore_mem>>
      %dma_start3A = arith.constant 0 : i32
      %dma_start3A_22 = tpu.memref_slice %arg4[%multiple_of3A, %dma_start3A] : memref<2560x128xi32, #tpu.memory_space<hbm>> -> memref<80x128xi32, #tpu.memory_space<hbm>>
      %dma_start3A_23 = arith.constant 0 : i32
      %dma_start3A_24 = tpu.memref_slice %arg4[%multiple_of3A, %dma_start3A_23] : memref<2560x128xi32, #tpu.memory_space<hbm>> -> memref<80x128xi32, #tpu.memory_space<hbm>>
      tpu.enqueue_dma source(%dma_start3A_24 : memref<80x128xi32, #tpu.memory_space<hbm>>) target(%arg9 : memref<80x128xi32, #tpu.memory_space<vmem>>) target_semaphore(%run_scoped3A : memref<!tpu.dma_semaphore, #tpu.memory_space<semaphore_mem>>)
      %dma_wait3A = arith.constant 0 : i32
      %dma_wait3A_25 = tpu.memref_slice %arg4[%multiple_of3A, %dma_wait3A] : memref<2560x128xi32, #tpu.memory_space<hbm>> -> memref<80x128xi32, #tpu.memory_space<hbm>>
      %dma_wait3A_26 = arith.constant 0 : i32
      %dma_wait3A_27 = tpu.memref_slice %arg4[%multiple_of3A, %dma_wait3A_26] : memref<2560x128xi32, #tpu.memory_space<hbm>> -> memref<80x128xi32, #tpu.memory_space<hbm>>
      tpu.wait_dma2 semaphore(%run_scoped3A : memref<!tpu.dma_semaphore, #tpu.memory_space<semaphore_mem>>) src(%dma_wait3A_27 : memref<80x128xi32, #tpu.memory_space<hbm>>) dst(%arg9 : memref<80x128xi32, #tpu.memory_space<vmem>>)
      tpu.yield
    }) : () -> ()
    "tpu.region"() ({
      %run_scoped3A = tpu.sem_alloc : memref<!tpu.dma_semaphore, #tpu.memory_space<semaphore_mem>>
      %dma_start3A = arith.constant 0 : i32
      %dma_start3A_22 = tpu.memref_slice %arg5[%multiple_of3A, %dma_start3A] : memref<2560x128xf32, #tpu.memory_space<hbm>> -> memref<80x128xf32, #tpu.memory_space<hbm>>
      %dma_start3A_23 = arith.constant 0 : i32
      %dma_start3A_24 = tpu.memref_slice %arg5[%multiple_of3A, %dma_start3A_23] : memref<2560x128xf32, #tpu.memory_space<hbm>> -> memref<80x128xf32, #tpu.memory_space<hbm>>
      tpu.enqueue_dma source(%dma_start3A_24 : memref<80x128xf32, #tpu.memory_space<hbm>>) target(%arg10 : memref<80x128xf32, #tpu.memory_space<vmem>>) target_semaphore(%run_scoped3A : memref<!tpu.dma_semaphore, #tpu.memory_space<semaphore_mem>>)
      %dma_wait3A = arith.constant 0 : i32
      %dma_wait3A_25 = tpu.memref_slice %arg5[%multiple_of3A, %dma_wait3A] : memref<2560x128xf32, #tpu.memory_space<hbm>> -> memref<80x128xf32, #tpu.memory_space<hbm>>
      %dma_wait3A_26 = arith.constant 0 : i32
      %dma_wait3A_27 = tpu.memref_slice %arg5[%multiple_of3A, %dma_wait3A_26] : memref<2560x128xf32, #tpu.memory_space<hbm>> -> memref<80x128xf32, #tpu.memory_space<hbm>>
      tpu.wait_dma2 semaphore(%run_scoped3A : memref<!tpu.dma_semaphore, #tpu.memory_space<semaphore_mem>>) src(%dma_wait3A_27 : memref<80x128xf32, #tpu.memory_space<hbm>>) dst(%arg10 : memref<80x128xf32, #tpu.memory_space<vmem>>)
      tpu.yield
    }) : () -> ()
    %broadcast_in_dim3A = arith.constant 0.000000e+00 : f32
    %broadcast_in_dim3A_3 = vector.broadcast %broadcast_in_dim3A : f32 to vector<16xf32>
    %scan3A = arith.constant 0 : i32
    %scan3A_4 = arith.constant 0 : i32
    %scan3A_5 = arith.constant 640 : i32
    %scan3A_6 = arith.addi %scan3A_4, %scan3A_5 : i32
    %scan3A_7 = arith.constant 1 : i32
    scf.for %scan3A_22 = %scan3A_4 to %scan3A_6 step %scan3A_7  : i32 {
      %swap3A = arith.index_cast %scan3A_22 : i32 to index
      %swap3A_23 = arith.constant 0 : index
      %swap3A_24 = tpu.vector_load %arg12[%swap3A, %swap3A_23] {strides = array<i32>} : memref<640x32xf32, #tpu.memory_space<vmem>>, vector<1x16xf32>,
      %swap3A_25 = vector.shape_cast %swap3A_24 : vector<1x16xf32> to vector<16xf32>
      %swap3A_26 = vector.shape_cast %broadcast_in_dim3A_3 : vector<16xf32> to vector<1x16xf32>
      tpu.vector_store %arg12[%swap3A, %swap3A_23], %swap3A_26 {strides = array<i32>} : memref<640x32xf32, #tpu.memory_space<vmem>>, vector<1x16xf32>,
      %swap3A_27 = arith.index_cast %scan3A_22 : i32 to index
      %swap3A_28 = arith.constant 16 : index
      %swap3A_29 = tpu.vector_load %arg12[%swap3A_27, %swap3A_28] {strides = array<i32>} : memref<640x32xf32, #tpu.memory_space<vmem>>, vector<1x16xf32>,
      %swap3A_30 = vector.shape_cast %swap3A_29 : vector<1x16xf32> to vector<16xf32>
      %swap3A_31 = vector.shape_cast %broadcast_in_dim3A_3 : vector<16xf32> to vector<1x16xf32>
      tpu.vector_store %arg12[%swap3A_27, %swap3A_28], %swap3A_31 {strides = array<i32>} : memref<640x32xf32, #tpu.memory_space<vmem>>, vector<1x16xf32>,
    }
    %scan3A_8 = arith.constant 640 : i32
    %mul3A_9 = arith.constant 640 : i32
    %mul3A_10 = arith.muli %arg1, %mul3A_9 : i32
    "tpu.region"() ({
      %run_scoped3A = tpu.sem_alloc : memref<!tpu.dma_semaphore, #tpu.memory_space<semaphore_mem>>
      %dma_start3A = arith.constant 0 : i32
      %dma_start3A_22 = tpu.memref_slice %arg7[%mul3A_10, %dma_start3A] : memref<10240x32xf32, #tpu.memory_space<vmem_shared>> -> memref<640x32xf32, #tpu.memory_space<vmem_shared>>
      %dma_start3A_23 = arith.constant 0 : i32
      %dma_start3A_24 = tpu.memref_slice %arg7[%mul3A_10, %dma_start3A_23] : memref<10240x32xf32, #tpu.memory_space<vmem_shared>> -> memref<640x32xf32, #tpu.memory_space<vmem_shared>>
      tpu.enqueue_dma source(%arg12 : memref<640x32xf32, #tpu.memory_space<vmem>>) target(%dma_start3A_24 : memref<640x32xf32, #tpu.memory_space<vmem_shared>>) target_semaphore(%run_scoped3A : memref<!tpu.dma_semaphore, #tpu.memory_space<semaphore_mem>>)
      %dma_wait3A = arith.constant 0 : i32
      %dma_wait3A_25 = tpu.memref_slice %arg7[%mul3A_10, %dma_wait3A] : memref<10240x32xf32, #tpu.memory_space<vmem_shared>> -> memref<640x32xf32, #tpu.memory_space<vmem_shared>>
      %dma_wait3A_26 = arith.constant 0 : i32
      %dma_wait3A_27 = tpu.memref_slice %arg7[%mul3A_10, %dma_wait3A_26] : memref<10240x32xf32, #tpu.memory_space<vmem_shared>> -> memref<640x32xf32, #tpu.memory_space<vmem_shared>>
      tpu.wait_dma2 semaphore(%run_scoped3A : memref<!tpu.dma_semaphore, #tpu.memory_space<semaphore_mem>>) src(%arg12 : memref<640x32xf32, #tpu.memory_space<vmem>>) dst(%dma_wait3A_27 : memref<640x32xf32, #tpu.memory_space<vmem_shared>>)
      tpu.yield
    }) : () -> ()
    %barrier3A = arith.constant 0 : index
    tpu.barrier barrier_id(%barrier3A)
    %scan3A_11 = arith.constant 0 : i32
    %scan3A_12 = arith.constant 0 : i32
    %scan3A_13 = arith.constant 80 : i32
    %scan3A_14 = arith.addi %scan3A_12, %scan3A_13 : i32
    %scan3A_15 = arith.constant 1 : i32
    scf.for %scan3A_22 = %scan3A_12 to %scan3A_14 step %scan3A_15  : i32 {
      "tpu.region"() ({
        %run_scoped3A = tpu.sem_alloc : memref<!tpu.dma_semaphore, #tpu.memory_space<semaphore_mem>>
        %dma_start3A = arith.constant 0 : i32
        %dma_start3A_29 = tpu.memref_slice %arg8[%scan3A_22, %dma_start3A] : memref<80x128xi32, #tpu.memory_space<vmem>> -> memref<1x128xi32, #tpu.memory_space<vmem>>
        %dma_start3A_30 = tpu.memref_squeeze %dma_start3A_29 : memref<1x128xi32, #tpu.memory_space<vmem>> -> memref<128xi32, #tpu.memory_space<vmem>>
        %dma_start3A_31 = arith.constant 0 : i32
        %dma_start3A_32 = arith.constant 0 : i32
        %dma_start3A_33 = tpu.memref_slice %arg2[%dma_start3A_31, %dma_start3A_32] : memref<10000x32xf32, #tpu.memory_space<hbm>> -> memref<10000x32xf32, #tpu.memory_space<hbm>>
        tpu.enqueue_indirect_dma source(%dma_start3A_33 : memref<10000x32xf32, #tpu.memory_space<hbm>>) target(%arg11 : memref<128x32xf32, #tpu.memory_space<vmem>>) offsets(%dma_start3A_30 : memref<128xi32, #tpu.memory_space<vmem>>) semaphore(%run_scoped3A : memref<!tpu.dma_semaphore, #tpu.memory_space<semaphore_mem>>)
        %dma_wait3A = arith.constant 0 : i32
        %dma_wait3A_34 = tpu.memref_slice %arg8[%scan3A_22, %dma_wait3A] : memref<80x128xi32, #tpu.memory_space<vmem>> -> memref<1x128xi32, #tpu.memory_space<vmem>>
        %dma_wait3A_35 = tpu.memref_squeeze %dma_wait3A_34 : memref<1x128xi32, #tpu.memory_space<vmem>> -> memref<128xi32, #tpu.memory_space<vmem>>
        %dma_wait3A_36 = arith.constant 0 : i32
        %dma_wait3A_37 = arith.constant 0 : i32
        %dma_wait3A_38 = tpu.memref_slice %arg2[%dma_wait3A_36, %dma_wait3A_37] : memref<10000x32xf32, #tpu.memory_space<hbm>> -> memref<10000x32xf32, #tpu.memory_space<hbm>>
        tpu.wait_indirect_dma semaphore(%run_scoped3A : memref<!tpu.dma_semaphore, #tpu.memory_space<semaphore_mem>>) src(%dma_wait3A_38 : memref<10000x32xf32, #tpu.memory_space<hbm>>) dst(%arg11 : memref<128x32xf32, #tpu.memory_space<vmem>>)
        tpu.yield
      }) : () -> ()
      %scan3A_23 = arith.constant 0 : i32
      %scan3A_24 = arith.constant 0 : i32
      %scan3A_25 = arith.constant 8 : i32
      %scan3A_26 = arith.addi %scan3A_24, %scan3A_25 : i32
      %scan3A_27 = arith.constant 1 : i32
      scf.for %scan3A_29 = %scan3A_24 to %scan3A_26 step %scan3A_27  : i32 {
        %mul3A_30 = arith.constant 16 : i32
        %mul3A_31 = arith.muli %scan3A_29, %mul3A_30 : i32
        %get3A = arith.index_cast %scan3A_22 : i32 to index
        %get3A_32 = arith.index_cast %mul3A_31 : i32 to index
        %get3A_33 = tpu.vector_load %arg10[%get3A, %get3A_32] {strides = array<i32>} : memref<80x128xf32, #tpu.memory_space<vmem>>, vector<1x16xf32>,
        %get3A_34 = vector.shape_cast %get3A_33 : vector<1x16xf32> to vector<16xf32>
        %mul3A_35 = arith.constant 16 : i32
        %mul3A_36 = arith.muli %scan3A_29, %mul3A_35 : i32
        %add3A_37 = arith.constant 0 : i32
        %add3A_38 = arith.addi %mul3A_36, %add3A_37 : i32
        %slice3A = vector.extract_strided_slice %get3A_34 {offsets = [0], sizes = [1], strides = [1]} : vector<16xf32> to vector<1xf32>
        %squeeze3A = vector.extract %slice3A[0] : f32 from vector<1xf32>
        %get3A_39 = arith.index_cast %add3A_38 : i32 to index
        %get3A_40 = arith.constant 0 : index
        %get3A_41 = tpu.vector_load %arg11[%get3A_39, %get3A_40] {strides = array<i32>} : memref<128x32xf32, #tpu.memory_space<vmem>>, vector<1x16xf32>,
        %get3A_42 = vector.shape_cast %get3A_41 : vector<1x16xf32> to vector<16xf32>
        %mul3A_43 = vector.broadcast %squeeze3A : f32 to vector<16xf32>
        %mul3A_44 = arith.mulf %get3A_42, %mul3A_43 : vector<16xf32>
        %swap3A = arith.index_cast %add3A_38 : i32 to index
        %swap3A_45 = arith.constant 0 : index
        %swap3A_46 = tpu.vector_load %arg11[%swap3A, %swap3A_45] {strides = array<i32>} : memref<128x32xf32, #tpu.memory_space<vmem>>, vector<1x16xf32>,
        %swap3A_47 = vector.shape_cast %swap3A_46 : vector<1x16xf32> to vector<16xf32>
        %swap3A_48 = vector.shape_cast %mul3A_44 : vector<16xf32> to vector<1x16xf32>
        tpu.vector_store %arg11[%swap3A, %swap3A_45], %swap3A_48 {strides = array<i32>} : memref<128x32xf32, #tpu.memory_space<vmem>>, vector<1x16xf32>,
        %get3A_49 = arith.index_cast %add3A_38 : i32 to index
        %get3A_50 = arith.constant 16 : index
        %get3A_51 = tpu.vector_load %arg11[%get3A_49, %get3A_50] {strides = array<i32>} : memref<128x32xf32, #tpu.memory_space<vmem>>, vector<1x16xf32>,
        %get3A_52 = vector.shape_cast %get3A_51 : vector<1x16xf32> to vector<16xf32>
        %mul3A_53 = vector.broadcast %squeeze3A : f32 to vector<16xf32>
        %mul3A_54 = arith.mulf %get3A_52, %mul3A_53 : vector<16xf32>
        %swap3A_55 = arith.index_cast %add3A_38 : i32 to index
        %swap3A_56 = arith.constant 16 : index
        %swap3A_57 = tpu.vector_load %arg11[%swap3A_55, %swap3A_56] {strides = array<i32>} : memref<128x32xf32, #tpu.memory_space<vmem>>, vector<1x16xf32>,
        %swap3A_58 = vector.shape_cast %swap3A_57 : vector<1x16xf32> to vector<16xf32>
        %swap3A_59 = vector.shape_cast %mul3A_54 : vector<16xf32> to vector<1x16xf32>
        tpu.vector_store %arg11[%swap3A_55, %swap3A_56], %swap3A_59 {strides = array<i32>} : memref<128x32xf32, #tpu.memory_space<vmem>>, vector<1x16xf32>,
        %mul3A_60 = arith.constant 16 : i32
        %mul3A_61 = arith.muli %scan3A_29, %mul3A_60 : i32
        %add3A_62 = arith.constant 1 : i32
        %add3A_63 = arith.addi %mul3A_61, %add3A_62 : i32
        %slice3A_64 = vector.extract_strided_slice %get3A_34 {offsets = [1], sizes = [1], strides = [1]} : vector<16xf32> to vector<1xf32>
        %squeeze3A_65 = vector.extract %slice3A_64[0] : f32 from vector<1xf32>
        %get3A_66 = arith.index_cast %add3A_63 : i32 to index
        %get3A_67 = arith.constant 0 : index
        %get3A_68 = tpu.vector_load %arg11[%get3A_66, %get3A_67] {strides = array<i32>} : memref<128x32xf32, #tpu.memory_space<vmem>>, vector<1x16xf32>,
        %get3A_69 = vector.shape_cast %get3A_68 : vector<1x16xf32> to vector<16xf32>
        %mul3A_70 = vector.broadcast %squeeze3A_65 : f32 to vector<16xf32>
        %mul3A_71 = arith.mulf %get3A_69, %mul3A_70 : vector<16xf32>
        %swap3A_72 = arith.index_cast %add3A_63 : i32 to index
        %swap3A_73 = arith.constant 0 : index
        %swap3A_74 = tpu.vector_load %arg11[%swap3A_72, %swap3A_73] {strides = array<i32>} : memref<128x32xf32, #tpu.memory_space<vmem>>, vector<1x16xf32>,
        %swap3A_75 = vector.shape_cast %swap3A_74 : vector<1x16xf32> to vector<16xf32>
        %swap3A_76 = vector.shape_cast %mul3A_71 : vector<16xf32> to vector<1x16xf32>
        tpu.vector_store %arg11[%swap3A_72, %swap3A_73], %swap3A_76 {strides = array<i32>} : memref<128x32xf32, #tpu.memory_space<vmem>>, vector<1x16xf32>,
        %get3A_77 = arith.index_cast %add3A_63 : i32 to index
        %get3A_78 = arith.constant 16 : index
        %get3A_79 = tpu.vector_load %arg11[%get3A_77, %get3A_78] {strides = array<i32>} : memref<128x32xf32, #tpu.memory_space<vmem>>, vector<1x16xf32>,
        %get3A_80 = vector.shape_cast %get3A_79 : vector<1x16xf32> to vector<16xf32>
        %mul3A_81 = vector.broadcast %squeeze3A_65 : f32 to vector<16xf32>
        %mul3A_82 = arith.mulf %get3A_80, %mul3A_81 : vector<16xf32>
        %swap3A_83 = arith.index_cast %add3A_63 : i32 to index
        %swap3A_84 = arith.constant 16 : index
        %swap3A_85 = tpu.vector_load %arg11[%swap3A_83, %swap3A_84] {strides = array<i32>} : memref<128x32xf32, #tpu.memory_space<vmem>>, vector<1x16xf32>,
        %swap3A_86 = vector.shape_cast %swap3A_85 : vector<1x16xf32> to vector<16xf32>
        %swap3A_87 = vector.shape_cast %mul3A_82 : vector<16xf32> to vector<1x16xf32>
        tpu.vector_store %arg11[%swap3A_83, %swap3A_84], %swap3A_87 {strides = array<i32>} : memref<128x32xf32, #tpu.memory_space<vmem>>, vector<1x16xf32>,
        %mul3A_88 = arith.constant 16 : i32
        %mul3A_89 = arith.muli %scan3A_29, %mul3A_88 : i32
        %add3A_90 = arith.constant 2 : i32
        %add3A_91 = arith.addi %mul3A_89, %add3A_90 : i32
        %slice3A_92 = vector.extract_strided_slice %get3A_34 {offsets = [2], sizes = [1], strides = [1]} : vector<16xf32> to vector<1xf32>
        %squeeze3A_93 = vector.extract %slice3A_92[0] : f32 from vector<1xf32>
        %get3A_94 = arith.index_cast %add3A_91 : i32 to index
        %get3A_95 = arith.constant 0 : index
        %get3A_96 = tpu.vector_load %arg11[%get3A_94, %get3A_95] {strides = array<i32>} : memref<128x32xf32, #tpu.memory_space<vmem>>, vector<1x16xf32>,
        %get3A_97 = vector.shape_cast %get3A_96 : vector<1x16xf32> to vector<16xf32>
        %mul3A_98 = vector.broadcast %squeeze3A_93 : f32 to vector<16xf32>
        %mul3A_99 = arith.mulf %get3A_97, %mul3A_98 : vector<16xf32>
        %swap3A_100 = arith.index_cast %add3A_91 : i32 to index
        %swap3A_101 = arith.constant 0 : index
        %swap3A_102 = tpu.vector_load %arg11[%swap3A_100, %swap3A_101] {strides = array<i32>} : memref<128x32xf32, #tpu.memory_space<vmem>>, vector<1x16xf32>,
        %swap3A_103 = vector.shape_cast %swap3A_102 : vector<1x16xf32> to vector<16xf32>
        %swap3A_104 = vector.shape_cast %mul3A_99 : vector<16xf32> to vector<1x16xf32>
        tpu.vector_store %arg11[%swap3A_100, %swap3A_101], %swap3A_104 {strides = array<i32>} : memref<128x32xf32, #tpu.memory_space<vmem>>, vector<1x16xf32>,
        %get3A_105 = arith.index_cast %add3A_91 : i32 to index
        %get3A_106 = arith.constant 16 : index
        %get3A_107 = tpu.vector_load %arg11[%get3A_105, %get3A_106] {strides = array<i32>} : memref<128x32xf32, #tpu.memory_space<vmem>>, vector<1x16xf32>,
        %get3A_108 = vector.shape_cast %get3A_107 : vector<1x16xf32> to vector<16xf32>
        %mul3A_109 = vector.broadcast %squeeze3A_93 : f32 to vector<16xf32>
        %mul3A_110 = arith.mulf %get3A_108, %mul3A_109 : vector<16xf32>
        %swap3A_111 = arith.index_cast %add3A_91 : i32 to index
        %swap3A_112 = arith.constant 16 : index
        %swap3A_113 = tpu.vector_load %arg11[%swap3A_111, %swap3A_112] {strides = array<i32>} : memref<128x32xf32, #tpu.memory_space<vmem>>, vector<1x16xf32>,
        %swap3A_114 = vector.shape_cast %swap3A_113 : vector<1x16xf32> to vector<16xf32>
        %swap3A_115 = vector.shape_cast %mul3A_110 : vector<16xf32> to vector<1x16xf32>
        tpu.vector_store %arg11[%swap3A_111, %swap3A_112], %swap3A_115 {strides = array<i32>} : memref<128x32xf32, #tpu.memory_space<vmem>>, vector<1x16xf32>,
        %mul3A_116 = arith.constant 16 : i32
        %mul3A_117 = arith.muli %scan3A_29, %mul3A_116 : i32
        %add3A_118 = arith.constant 3 : i32
        %add3A_119 = arith.addi %mul3A_117, %add3A_118 : i32
        %slice3A_120 = vector.extract_strided_slice %get3A_34 {offsets = [3], sizes = [1], strides = [1]} : vector<16xf32> to vector<1xf32>
        %squeeze3A_121 = vector.extract %slice3A_120[0] : f32 from vector<1xf32>
        %get3A_122 = arith.index_cast %add3A_119 : i32 to index
        %get3A_123 = arith.constant 0 : index
        %get3A_124 = tpu.vector_load %arg11[%get3A_122, %get3A_123] {strides = array<i32>} : memref<128x32xf32, #tpu.memory_space<vmem>>, vector<1x16xf32>,
        %get3A_125 = vector.shape_cast %get3A_124 : vector<1x16xf32> to vector<16xf32>
        %mul3A_126 = vector.broadcast %squeeze3A_121 : f32 to vector<16xf32>
        %mul3A_127 = arith.mulf %get3A_125, %mul3A_126 : vector<16xf32>
        %swap3A_128 = arith.index_cast %add3A_119 : i32 to index
        %swap3A_129 = arith.constant 0 : index
        %swap3A_130 = tpu.vector_load %arg11[%swap3A_128, %swap3A_129] {strides = array<i32>} : memref<128x32xf32, #tpu.memory_space<vmem>>, vector<1x16xf32>,
        %swap3A_131 = vector.shape_cast %swap3A_130 : vector<1x16xf32> to vector<16xf32>
        %swap3A_132 = vector.shape_cast %mul3A_127 : vector<16xf32> to vector<1x16xf32>
        tpu.vector_store %arg11[%swap3A_128, %swap3A_129], %swap3A_132 {strides = array<i32>} : memref<128x32xf32, #tpu.memory_space<vmem>>, vector<1x16xf32>,
        %get3A_133 = arith.index_cast %add3A_119 : i32 to index
        %get3A_134 = arith.constant 16 : index
        %get3A_135 = tpu.vector_load %arg11[%get3A_133, %get3A_134] {strides = array<i32>} : memref<128x32xf32, #tpu.memory_space<vmem>>, vector<1x16xf32>,
        %get3A_136 = vector.shape_cast %get3A_135 : vector<1x16xf32> to vector<16xf32>
        %mul3A_137 = vector.broadcast %squeeze3A_121 : f32 to vector<16xf32>
        %mul3A_138 = arith.mulf %get3A_136, %mul3A_137 : vector<16xf32>
        %swap3A_139 = arith.index_cast %add3A_119 : i32 to index
        %swap3A_140 = arith.constant 16 : index
        %swap3A_141 = tpu.vector_load %arg11[%swap3A_139, %swap3A_140] {strides = array<i32>} : memref<128x32xf32, #tpu.memory_space<vmem>>, vector<1x16xf32>,
        %swap3A_142 = vector.shape_cast %swap3A_141 : vector<1x16xf32> to vector<16xf32>
        %swap3A_143 = vector.shape_cast %mul3A_138 : vector<16xf32> to vector<1x16xf32>
        tpu.vector_store %arg11[%swap3A_139, %swap3A_140], %swap3A_143 {strides = array<i32>} : memref<128x32xf32, #tpu.memory_space<vmem>>, vector<1x16xf32>,
        %mul3A_144 = arith.constant 16 : i32
        %mul3A_145 = arith.muli %scan3A_29, %mul3A_144 : i32
        %add3A_146 = arith.constant 4 : i32
        %add3A_147 = arith.addi %mul3A_145, %add3A_146 : i32
        %slice3A_148 = vector.extract_strided_slice %get3A_34 {offsets = [4], sizes = [1], strides = [1]} : vector<16xf32> to vector<1xf32>
        %squeeze3A_149 = vector.extract %slice3A_148[0] : f32 from vector<1xf32>
        %get3A_150 = arith.index_cast %add3A_147 : i32 to index
        %get3A_151 = arith.constant 0 : index
        %get3A_152 = tpu.vector_load %arg11[%get3A_150, %get3A_151] {strides = array<i32>} : memref<128x32xf32, #tpu.memory_space<vmem>>, vector<1x16xf32>,
        %get3A_153 = vector.shape_cast %get3A_152 : vector<1x16xf32> to vector<16xf32>
        %mul3A_154 = vector.broadcast %squeeze3A_149 : f32 to vector<16xf32>
        %mul3A_155 = arith.mulf %get3A_153, %mul3A_154 : vector<16xf32>
        %swap3A_156 = arith.index_cast %add3A_147 : i32 to index
        %swap3A_157 = arith.constant 0 : index
        %swap3A_158 = tpu.vector_load %arg11[%swap3A_156, %swap3A_157] {strides = array<i32>} : memref<128x32xf32, #tpu.memory_space<vmem>>, vector<1x16xf32>,
        %swap3A_159 = vector.shape_cast %swap3A_158 : vector<1x16xf32> to vector<16xf32>
        %swap3A_160 = vector.shape_cast %mul3A_155 : vector<16xf32> to vector<1x16xf32>
        tpu.vector_store %arg11[%swap3A_156, %swap3A_157], %swap3A_160 {strides = array<i32>} : memref<128x32xf32, #tpu.memory_space<vmem>>, vector<1x16xf32>,
        %get3A_161 = arith.index_cast %add3A_147 : i32 to index
        %get3A_162 = arith.constant 16 : index
        %get3A_163 = tpu.vector_load %arg11[%get3A_161, %get3A_162] {strides = array<i32>} : memref<128x32xf32, #tpu.memory_space<vmem>>, vector<1x16xf32>,
        %get3A_164 = vector.shape_cast %get3A_163 : vector<1x16xf32> to vector<16xf32>
        %mul3A_165 = vector.broadcast %squeeze3A_149 : f32 to vector<16xf32>
        %mul3A_166 = arith.mulf %get3A_164, %mul3A_165 : vector<16xf32>
        %swap3A_167 = arith.index_cast %add3A_147 : i32 to index
        %swap3A_168 = arith.constant 16 : index
        %swap3A_169 = tpu.vector_load %arg11[%swap3A_167, %swap3A_168] {strides = array<i32>} : memref<128x32xf32, #tpu.memory_space<vmem>>, vector<1x16xf32>,
        %swap3A_170 = vector.shape_cast %swap3A_169 : vector<1x16xf32> to vector<16xf32>
        %swap3A_171 = vector.shape_cast %mul3A_166 : vector<16xf32> to vector<1x16xf32>
        tpu.vector_store %arg11[%swap3A_167, %swap3A_168], %swap3A_171 {strides = array<i32>} : memref<128x32xf32, #tpu.memory_space<vmem>>, vector<1x16xf32>,
        %mul3A_172 = arith.constant 16 : i32
        %mul3A_173 = arith.muli %scan3A_29, %mul3A_172 : i32
        %add3A_174 = arith.constant 5 : i32
        %add3A_175 = arith.addi %mul3A_173, %add3A_174 : i32
        %slice3A_176 = vector.extract_strided_slice %get3A_34 {offsets = [5], sizes = [1], strides = [1]} : vector<16xf32> to vector<1xf32>
        %squeeze3A_177 = vector.extract %slice3A_176[0] : f32 from vector<1xf32>
        %get3A_178 = arith.index_cast %add3A_175 : i32 to index
        %get3A_179 = arith.constant 0 : index
        %get3A_180 = tpu.vector_load %arg11[%get3A_178, %get3A_179] {strides = array<i32>} : memref<128x32xf32, #tpu.memory_space<vmem>>, vector<1x16xf32>,
        %get3A_181 = vector.shape_cast %get3A_180 : vector<1x16xf32> to vector<16xf32>
        %mul3A_182 = vector.broadcast %squeeze3A_177 : f32 to vector<16xf32>
        %mul3A_183 = arith.mulf %get3A_181, %mul3A_182 : vector<16xf32>
        %swap3A_184 = arith.index_cast %add3A_175 : i32 to index
        %swap3A_185 = arith.constant 0 : index
        %swap3A_186 = tpu.vector_load %arg11[%swap3A_184, %swap3A_185] {strides = array<i32>} : memref<128x32xf32, #tpu.memory_space<vmem>>, vector<1x16xf32>,
        %swap3A_187 = vector.shape_cast %swap3A_186 : vector<1x16xf32> to vector<16xf32>
        %swap3A_188 = vector.shape_cast %mul3A_183 : vector<16xf32> to vector<1x16xf32>
        tpu.vector_store %arg11[%swap3A_184, %swap3A_185], %swap3A_188 {strides = array<i32>} : memref<128x32xf32, #tpu.memory_space<vmem>>, vector<1x16xf32>,
        %get3A_189 = arith.index_cast %add3A_175 : i32 to index
        %get3A_190 = arith.constant 16 : index
        %get3A_191 = tpu.vector_load %arg11[%get3A_189, %get3A_190] {strides = array<i32>} : memref<128x32xf32, #tpu.memory_space<vmem>>, vector<1x16xf32>,
        %get3A_192 = vector.shape_cast %get3A_191 : vector<1x16xf32> to vector<16xf32>
        %mul3A_193 = vector.broadcast %squeeze3A_177 : f32 to vector<16xf32>
        %mul3A_194 = arith.mulf %get3A_192, %mul3A_193 : vector<16xf32>
        %swap3A_195 = arith.index_cast %add3A_175 : i32 to index
        %swap3A_196 = arith.constant 16 : index
        %swap3A_197 = tpu.vector_load %arg11[%swap3A_195, %swap3A_196] {strides = array<i32>} : memref<128x32xf32, #tpu.memory_space<vmem>>, vector<1x16xf32>,
        %swap3A_198 = vector.shape_cast %swap3A_197 : vector<1x16xf32> to vector<16xf32>
        %swap3A_199 = vector.shape_cast %mul3A_194 : vector<16xf32> to vector<1x16xf32>
        tpu.vector_store %arg11[%swap3A_195, %swap3A_196], %swap3A_199 {strides = array<i32>} : memref<128x32xf32, #tpu.memory_space<vmem>>, vector<1x16xf32>,
        %mul3A_200 = arith.constant 16 : i32
        %mul3A_201 = arith.muli %scan3A_29, %mul3A_200 : i32
        %add3A_202 = arith.constant 6 : i32
        %add3A_203 = arith.addi %mul3A_201, %add3A_202 : i32
        %slice3A_204 = vector.extract_strided_slice %get3A_34 {offsets = [6], sizes = [1], strides = [1]} : vector<16xf32> to vector<1xf32>
        %squeeze3A_205 = vector.extract %slice3A_204[0] : f32 from vector<1xf32>
        %get3A_206 = arith.index_cast %add3A_203 : i32 to index
        %get3A_207 = arith.constant 0 : index
        %get3A_208 = tpu.vector_load %arg11[%get3A_206, %get3A_207] {strides = array<i32>} : memref<128x32xf32, #tpu.memory_space<vmem>>, vector<1x16xf32>,
        %get3A_209 = vector.shape_cast %get3A_208 : vector<1x16xf32> to vector<16xf32>
        %mul3A_210 = vector.broadcast %squeeze3A_205 : f32 to vector<16xf32>
        %mul3A_211 = arith.mulf %get3A_209, %mul3A_210 : vector<16xf32>
        %swap3A_212 = arith.index_cast %add3A_203 : i32 to index
        %swap3A_213 = arith.constant 0 : index
        %swap3A_214 = tpu.vector_load %arg11[%swap3A_212, %swap3A_213] {strides = array<i32>} : memref<128x32xf32, #tpu.memory_space<vmem>>, vector<1x16xf32>,
        %swap3A_215 = vector.shape_cast %swap3A_214 : vector<1x16xf32> to vector<16xf32>
        %swap3A_216 = vector.shape_cast %mul3A_211 : vector<16xf32> to vector<1x16xf32>
        tpu.vector_store %arg11[%swap3A_212, %swap3A_213], %swap3A_216 {strides = array<i32>} : memref<128x32xf32, #tpu.memory_space<vmem>>, vector<1x16xf32>,
        %get3A_217 = arith.index_cast %add3A_203 : i32 to index
        %get3A_218 = arith.constant 16 : index
        %get3A_219 = tpu.vector_load %arg11[%get3A_217, %get3A_218] {strides = array<i32>} : memref<128x32xf32, #tpu.memory_space<vmem>>, vector<1x16xf32>,
        %get3A_220 = vector.shape_cast %get3A_219 : vector<1x16xf32> to vector<16xf32>
        %mul3A_221 = vector.broadcast %squeeze3A_205 : f32 to vector<16xf32>
        %mul3A_222 = arith.mulf %get3A_220, %mul3A_221 : vector<16xf32>
        %swap3A_223 = arith.index_cast %add3A_203 : i32 to index
        %swap3A_224 = arith.constant 16 : index
        %swap3A_225 = tpu.vector_load %arg11[%swap3A_223, %swap3A_224] {strides = array<i32>} : memref<128x32xf32, #tpu.memory_space<vmem>>, vector<1x16xf32>,
        %swap3A_226 = vector.shape_cast %swap3A_225 : vector<1x16xf32> to vector<16xf32>
        %swap3A_227 = vector.shape_cast %mul3A_222 : vector<16xf32> to vector<1x16xf32>
        tpu.vector_store %arg11[%swap3A_223, %swap3A_224], %swap3A_227 {strides = array<i32>} : memref<128x32xf32, #tpu.memory_space<vmem>>, vector<1x16xf32>,
        %mul3A_228 = arith.constant 16 : i32
        %mul3A_229 = arith.muli %scan3A_29, %mul3A_228 : i32
        %add3A_230 = arith.constant 7 : i32
        %add3A_231 = arith.addi %mul3A_229, %add3A_230 : i32
        %slice3A_232 = vector.extract_strided_slice %get3A_34 {offsets = [7], sizes = [1], strides = [1]} : vector<16xf32> to vector<1xf32>
        %squeeze3A_233 = vector.extract %slice3A_232[0] : f32 from vector<1xf32>
        %get3A_234 = arith.index_cast %add3A_231 : i32 to index
        %get3A_235 = arith.constant 0 : index
        %get3A_236 = tpu.vector_load %arg11[%get3A_234, %get3A_235] {strides = array<i32>} : memref<128x32xf32, #tpu.memory_space<vmem>>, vector<1x16xf32>,
        %get3A_237 = vector.shape_cast %get3A_236 : vector<1x16xf32> to vector<16xf32>
        %mul3A_238 = vector.broadcast %squeeze3A_233 : f32 to vector<16xf32>
        %mul3A_239 = arith.mulf %get3A_237, %mul3A_238 : vector<16xf32>
        %swap3A_240 = arith.index_cast %add3A_231 : i32 to index
        %swap3A_241 = arith.constant 0 : index
        %swap3A_242 = tpu.vector_load %arg11[%swap3A_240, %swap3A_241] {strides = array<i32>} : memref<128x32xf32, #tpu.memory_space<vmem>>, vector<1x16xf32>,
        %swap3A_243 = vector.shape_cast %swap3A_242 : vector<1x16xf32> to vector<16xf32>
        %swap3A_244 = vector.shape_cast %mul3A_239 : vector<16xf32> to vector<1x16xf32>
        tpu.vector_store %arg11[%swap3A_240, %swap3A_241], %swap3A_244 {strides = array<i32>} : memref<128x32xf32, #tpu.memory_space<vmem>>, vector<1x16xf32>,
        %get3A_245 = arith.index_cast %add3A_231 : i32 to index
        %get3A_246 = arith.constant 16 : index
        %get3A_247 = tpu.vector_load %arg11[%get3A_245, %get3A_246] {strides = array<i32>} : memref<128x32xf32, #tpu.memory_space<vmem>>, vector<1x16xf32>,
        %get3A_248 = vector.shape_cast %get3A_247 : vector<1x16xf32> to vector<16xf32>
        %mul3A_249 = vector.broadcast %squeeze3A_233 : f32 to vector<16xf32>
        %mul3A_250 = arith.mulf %get3A_248, %mul3A_249 : vector<16xf32>
        %swap3A_251 = arith.index_cast %add3A_231 : i32 to index
        %swap3A_252 = arith.constant 16 : index
        %swap3A_253 = tpu.vector_load %arg11[%swap3A_251, %swap3A_252] {strides = array<i32>} : memref<128x32xf32, #tpu.memory_space<vmem>>, vector<1x16xf32>,
        %swap3A_254 = vector.shape_cast %swap3A_253 : vector<1x16xf32> to vector<16xf32>
        %swap3A_255 = vector.shape_cast %mul3A_250 : vector<16xf32> to vector<1x16xf32>
        tpu.vector_store %arg11[%swap3A_251, %swap3A_252], %swap3A_255 {strides = array<i32>} : memref<128x32xf32, #tpu.memory_space<vmem>>, vector<1x16xf32>,
        %mul3A_256 = arith.constant 16 : i32
        %mul3A_257 = arith.muli %scan3A_29, %mul3A_256 : i32
        %add3A_258 = arith.constant 8 : i32
        %add3A_259 = arith.addi %mul3A_257, %add3A_258 : i32
        %slice3A_260 = vector.extract_strided_slice %get3A_34 {offsets = [8], sizes = [1], strides = [1]} : vector<16xf32> to vector<1xf32>
        %squeeze3A_261 = vector.extract %slice3A_260[0] : f32 from vector<1xf32>
        %get3A_262 = arith.index_cast %add3A_259 : i32 to index
        %get3A_263 = arith.constant 0 : index
        %get3A_264 = tpu.vector_load %arg11[%get3A_262, %get3A_263] {strides = array<i32>} : memref<128x32xf32, #tpu.memory_space<vmem>>, vector<1x16xf32>,
        %get3A_265 = vector.shape_cast %get3A_264 : vector<1x16xf32> to vector<16xf32>
        %mul3A_266 = vector.broadcast %squeeze3A_261 : f32 to vector<16xf32>
        %mul3A_267 = arith.mulf %get3A_265, %mul3A_266 : vector<16xf32>
        %swap3A_268 = arith.index_cast %add3A_259 : i32 to index
        %swap3A_269 = arith.constant 0 : index
        %swap3A_270 = tpu.vector_load %arg11[%swap3A_268, %swap3A_269] {strides = array<i32>} : memref<128x32xf32, #tpu.memory_space<vmem>>, vector<1x16xf32>,
        %swap3A_271 = vector.shape_cast %swap3A_270 : vector<1x16xf32> to vector<16xf32>
        %swap3A_272 = vector.shape_cast %mul3A_267 : vector<16xf32> to vector<1x16xf32>
        tpu.vector_store %arg11[%swap3A_268, %swap3A_269], %swap3A_272 {strides = array<i32>} : memref<128x32xf32, #tpu.memory_space<vmem>>, vector<1x16xf32>,
        %get3A_273 = arith.index_cast %add3A_259 : i32 to index
        %get3A_274 = arith.constant 16 : index
        %get3A_275 = tpu.vector_load %arg11[%get3A_273, %get3A_274] {strides = array<i32>} : memref<128x32xf32, #tpu.memory_space<vmem>>, vector<1x16xf32>,
        %get3A_276 = vector.shape_cast %get3A_275 : vector<1x16xf32> to vector<16xf32>
        %mul3A_277 = vector.broadcast %squeeze3A_261 : f32 to vector<16xf32>
        %mul3A_278 = arith.mulf %get3A_276, %mul3A_277 : vector<16xf32>
        %swap3A_279 = arith.index_cast %add3A_259 : i32 to index
        %swap3A_280 = arith.constant 16 : index
        %swap3A_281 = tpu.vector_load %arg11[%swap3A_279, %swap3A_280] {strides = array<i32>} : memref<128x32xf32, #tpu.memory_space<vmem>>, vector<1x16xf32>,
        %swap3A_282 = vector.shape_cast %swap3A_281 : vector<1x16xf32> to vector<16xf32>
        %swap3A_283 = vector.shape_cast %mul3A_278 : vector<16xf32> to vector<1x16xf32>
        tpu.vector_store %arg11[%swap3A_279, %swap3A_280], %swap3A_283 {strides = array<i32>} : memref<128x32xf32, #tpu.memory_space<vmem>>, vector<1x16xf32>,
        %mul3A_284 = arith.constant 16 : i32
        %mul3A_285 = arith.muli %scan3A_29, %mul3A_284 : i32
        %add3A_286 = arith.constant 9 : i32
        %add3A_287 = arith.addi %mul3A_285, %add3A_286 : i32
        %slice3A_288 = vector.extract_strided_slice %get3A_34 {offsets = [9], sizes = [1], strides = [1]} : vector<16xf32> to vector<1xf32>
        %squeeze3A_289 = vector.extract %slice3A_288[0] : f32 from vector<1xf32>
        %get3A_290 = arith.index_cast %add3A_287 : i32 to index
        %get3A_291 = arith.constant 0 : index
        %get3A_292 = tpu.vector_load %arg11[%get3A_290, %get3A_291] {strides = array<i32>} : memref<128x32xf32, #tpu.memory_space<vmem>>, vector<1x16xf32>,
        %get3A_293 = vector.shape_cast %get3A_292 : vector<1x16xf32> to vector<16xf32>
        %mul3A_294 = vector.broadcast %squeeze3A_289 : f32 to vector<16xf32>
        %mul3A_295 = arith.mulf %get3A_293, %mul3A_294 : vector<16xf32>
        %swap3A_296 = arith.index_cast %add3A_287 : i32 to index
        %swap3A_297 = arith.constant 0 : index
        %swap3A_298 = tpu.vector_load %arg11[%swap3A_296, %swap3A_297] {strides = array<i32>} : memref<128x32xf32, #tpu.memory_space<vmem>>, vector<1x16xf32>,
        %swap3A_299 = vector.shape_cast %swap3A_298 : vector<1x16xf32> to vector<16xf32>
        %swap3A_300 = vector.shape_cast %mul3A_295 : vector<16xf32> to vector<1x16xf32>
        tpu.vector_store %arg11[%swap3A_296, %swap3A_297], %swap3A_300 {strides = array<i32>} : memref<128x32xf32, #tpu.memory_space<vmem>>, vector<1x16xf32>,
        %get3A_301 = arith.index_cast %add3A_287 : i32 to index
        %get3A_302 = arith.constant 16 : index
        %get3A_303 = tpu.vector_load %arg11[%get3A_301, %get3A_302] {strides = array<i32>} : memref<128x32xf32, #tpu.memory_space<vmem>>, vector<1x16xf32>,
        %get3A_304 = vector.shape_cast %get3A_303 : vector<1x16xf32> to vector<16xf32>
        %mul3A_305 = vector.broadcast %squeeze3A_289 : f32 to vector<16xf32>
        %mul3A_306 = arith.mulf %get3A_304, %mul3A_305 : vector<16xf32>
        %swap3A_307 = arith.index_cast %add3A_287 : i32 to index
        %swap3A_308 = arith.constant 16 : index
        %swap3A_309 = tpu.vector_load %arg11[%swap3A_307, %swap3A_308] {strides = array<i32>} : memref<128x32xf32, #tpu.memory_space<vmem>>, vector<1x16xf32>,
        %swap3A_310 = vector.shape_cast %swap3A_309 : vector<1x16xf32> to vector<16xf32>
        %swap3A_311 = vector.shape_cast %mul3A_306 : vector<16xf32> to vector<1x16xf32>
        tpu.vector_store %arg11[%swap3A_307, %swap3A_308], %swap3A_311 {strides = array<i32>} : memref<128x32xf32, #tpu.memory_space<vmem>>, vector<1x16xf32>,
        %mul3A_312 = arith.constant 16 : i32
        %mul3A_313 = arith.muli %scan3A_29, %mul3A_312 : i32
        %add3A_314 = arith.constant 10 : i32
        %add3A_315 = arith.addi %mul3A_313, %add3A_314 : i32
        %slice3A_316 = vector.extract_strided_slice %get3A_34 {offsets = [10], sizes = [1], strides = [1]} : vector<16xf32> to vector<1xf32>
        %squeeze3A_317 = vector.extract %slice3A_316[0] : f32 from vector<1xf32>
        %get3A_318 = arith.index_cast %add3A_315 : i32 to index
        %get3A_319 = arith.constant 0 : index
        %get3A_320 = tpu.vector_load %arg11[%get3A_318, %get3A_319] {strides = array<i32>} : memref<128x32xf32, #tpu.memory_space<vmem>>, vector<1x16xf32>,
        %get3A_321 = vector.shape_cast %get3A_320 : vector<1x16xf32> to vector<16xf32>
        %mul3A_322 = vector.broadcast %squeeze3A_317 : f32 to vector<16xf32>
        %mul3A_323 = arith.mulf %get3A_321, %mul3A_322 : vector<16xf32>
        %swap3A_324 = arith.index_cast %add3A_315 : i32 to index
        %swap3A_325 = arith.constant 0 : index
        %swap3A_326 = tpu.vector_load %arg11[%swap3A_324, %swap3A_325] {strides = array<i32>} : memref<128x32xf32, #tpu.memory_space<vmem>>, vector<1x16xf32>,
        %swap3A_327 = vector.shape_cast %swap3A_326 : vector<1x16xf32> to vector<16xf32>
        %swap3A_328 = vector.shape_cast %mul3A_323 : vector<16xf32> to vector<1x16xf32>
        tpu.vector_store %arg11[%swap3A_324, %swap3A_325], %swap3A_328 {strides = array<i32>} : memref<128x32xf32, #tpu.memory_space<vmem>>, vector<1x16xf32>,
        %get3A_329 = arith.index_cast %add3A_315 : i32 to index
        %get3A_330 = arith.constant 16 : index
        %get3A_331 = tpu.vector_load %arg11[%get3A_329, %get3A_330] {strides = array<i32>} : memref<128x32xf32, #tpu.memory_space<vmem>>, vector<1x16xf32>,
        %get3A_332 = vector.shape_cast %get3A_331 : vector<1x16xf32> to vector<16xf32>
        %mul3A_333 = vector.broadcast %squeeze3A_317 : f32 to vector<16xf32>
        %mul3A_334 = arith.mulf %get3A_332, %mul3A_333 : vector<16xf32>
        %swap3A_335 = arith.index_cast %add3A_315 : i32 to index
        %swap3A_336 = arith.constant 16 : index
        %swap3A_337 = tpu.vector_load %arg11[%swap3A_335, %swap3A_336] {strides = array<i32>} : memref<128x32xf32, #tpu.memory_space<vmem>>, vector<1x16xf32>,
        %swap3A_338 = vector.shape_cast %swap3A_337 : vector<1x16xf32> to vector<16xf32>
        %swap3A_339 = vector.shape_cast %mul3A_334 : vector<16xf32> to vector<1x16xf32>
        tpu.vector_store %arg11[%swap3A_335, %swap3A_336], %swap3A_339 {strides = array<i32>} : memref<128x32xf32, #tpu.memory_space<vmem>>, vector<1x16xf32>,
        %mul3A_340 = arith.constant 16 : i32
        %mul3A_341 = arith.muli %scan3A_29, %mul3A_340 : i32
        %add3A_342 = arith.constant 11 : i32
        %add3A_343 = arith.addi %mul3A_341, %add3A_342 : i32
        %slice3A_344 = vector.extract_strided_slice %get3A_34 {offsets = [11], sizes = [1], strides = [1]} : vector<16xf32> to vector<1xf32>
        %squeeze3A_345 = vector.extract %slice3A_344[0] : f32 from vector<1xf32>
        %get3A_346 = arith.index_cast %add3A_343 : i32 to index
        %get3A_347 = arith.constant 0 : index
        %get3A_348 = tpu.vector_load %arg11[%get3A_346, %get3A_347] {strides = array<i32>} : memref<128x32xf32, #tpu.memory_space<vmem>>, vector<1x16xf32>,
        %get3A_349 = vector.shape_cast %get3A_348 : vector<1x16xf32> to vector<16xf32>
        %mul3A_350 = vector.broadcast %squeeze3A_345 : f32 to vector<16xf32>
        %mul3A_351 = arith.mulf %get3A_349, %mul3A_350 : vector<16xf32>
        %swap3A_352 = arith.index_cast %add3A_343 : i32 to index
        %swap3A_353 = arith.constant 0 : index
        %swap3A_354 = tpu.vector_load %arg11[%swap3A_352, %swap3A_353] {strides = array<i32>} : memref<128x32xf32, #tpu.memory_space<vmem>>, vector<1x16xf32>,
        %swap3A_355 = vector.shape_cast %swap3A_354 : vector<1x16xf32> to vector<16xf32>
        %swap3A_356 = vector.shape_cast %mul3A_351 : vector<16xf32> to vector<1x16xf32>
        tpu.vector_store %arg11[%swap3A_352, %swap3A_353], %swap3A_356 {strides = array<i32>} : memref<128x32xf32, #tpu.memory_space<vmem>>, vector<1x16xf32>,
        %get3A_357 = arith.index_cast %add3A_343 : i32 to index
        %get3A_358 = arith.constant 16 : index
        %get3A_359 = tpu.vector_load %arg11[%get3A_357, %get3A_358] {strides = array<i32>} : memref<128x32xf32, #tpu.memory_space<vmem>>, vector<1x16xf32>,
        %get3A_360 = vector.shape_cast %get3A_359 : vector<1x16xf32> to vector<16xf32>
        %mul3A_361 = vector.broadcast %squeeze3A_345 : f32 to vector<16xf32>
        %mul3A_362 = arith.mulf %get3A_360, %mul3A_361 : vector<16xf32>
        %swap3A_363 = arith.index_cast %add3A_343 : i32 to index
        %swap3A_364 = arith.constant 16 : index
        %swap3A_365 = tpu.vector_load %arg11[%swap3A_363, %swap3A_364] {strides = array<i32>} : memref<128x32xf32, #tpu.memory_space<vmem>>, vector<1x16xf32>,
        %swap3A_366 = vector.shape_cast %swap3A_365 : vector<1x16xf32> to vector<16xf32>
        %swap3A_367 = vector.shape_cast %mul3A_362 : vector<16xf32> to vector<1x16xf32>
        tpu.vector_store %arg11[%swap3A_363, %swap3A_364], %swap3A_367 {strides = array<i32>} : memref<128x32xf32, #tpu.memory_space<vmem>>, vector<1x16xf32>,
        %mul3A_368 = arith.constant 16 : i32
        %mul3A_369 = arith.muli %scan3A_29, %mul3A_368 : i32
        %add3A_370 = arith.constant 12 : i32
        %add3A_371 = arith.addi %mul3A_369, %add3A_370 : i32
        %slice3A_372 = vector.extract_strided_slice %get3A_34 {offsets = [12], sizes = [1], strides = [1]} : vector<16xf32> to vector<1xf32>
        %squeeze3A_373 = vector.extract %slice3A_372[0] : f32 from vector<1xf32>
        %get3A_374 = arith.index_cast %add3A_371 : i32 to index
        %get3A_375 = arith.constant 0 : index
        %get3A_376 = tpu.vector_load %arg11[%get3A_374, %get3A_375] {strides = array<i32>} : memref<128x32xf32, #tpu.memory_space<vmem>>, vector<1x16xf32>,
        %get3A_377 = vector.shape_cast %get3A_376 : vector<1x16xf32> to vector<16xf32>
        %mul3A_378 = vector.broadcast %squeeze3A_373 : f32 to vector<16xf32>
        %mul3A_379 = arith.mulf %get3A_377, %mul3A_378 : vector<16xf32>
        %swap3A_380 = arith.index_cast %add3A_371 : i32 to index
        %swap3A_381 = arith.constant 0 : index
        %swap3A_382 = tpu.vector_load %arg11[%swap3A_380, %swap3A_381] {strides = array<i32>} : memref<128x32xf32, #tpu.memory_space<vmem>>, vector<1x16xf32>,
        %swap3A_383 = vector.shape_cast %swap3A_382 : vector<1x16xf32> to vector<16xf32>
        %swap3A_384 = vector.shape_cast %mul3A_379 : vector<16xf32> to vector<1x16xf32>
        tpu.vector_store %arg11[%swap3A_380, %swap3A_381], %swap3A_384 {strides = array<i32>} : memref<128x32xf32, #tpu.memory_space<vmem>>, vector<1x16xf32>,
        %get3A_385 = arith.index_cast %add3A_371 : i32 to index
        %get3A_386 = arith.constant 16 : index
        %get3A_387 = tpu.vector_load %arg11[%get3A_385, %get3A_386] {strides = array<i32>} : memref<128x32xf32, #tpu.memory_space<vmem>>, vector<1x16xf32>,
        %get3A_388 = vector.shape_cast %get3A_387 : vector<1x16xf32> to vector<16xf32>
        %mul3A_389 = vector.broadcast %squeeze3A_373 : f32 to vector<16xf32>
        %mul3A_390 = arith.mulf %get3A_388, %mul3A_389 : vector<16xf32>
        %swap3A_391 = arith.index_cast %add3A_371 : i32 to index
        %swap3A_392 = arith.constant 16 : index
        %swap3A_393 = tpu.vector_load %arg11[%swap3A_391, %swap3A_392] {strides = array<i32>} : memref<128x32xf32, #tpu.memory_space<vmem>>, vector<1x16xf32>,
        %swap3A_394 = vector.shape_cast %swap3A_393 : vector<1x16xf32> to vector<16xf32>
        %swap3A_395 = vector.shape_cast %mul3A_390 : vector<16xf32> to vector<1x16xf32>
        tpu.vector_store %arg11[%swap3A_391, %swap3A_392], %swap3A_395 {strides = array<i32>} : memref<128x32xf32, #tpu.memory_space<vmem>>, vector<1x16xf32>,
        %mul3A_396 = arith.constant 16 : i32
        %mul3A_397 = arith.muli %scan3A_29, %mul3A_396 : i32
        %add3A_398 = arith.constant 13 : i32
        %add3A_399 = arith.addi %mul3A_397, %add3A_398 : i32
        %slice3A_400 = vector.extract_strided_slice %get3A_34 {offsets = [13], sizes = [1], strides = [1]} : vector<16xf32> to vector<1xf32>
        %squeeze3A_401 = vector.extract %slice3A_400[0] : f32 from vector<1xf32>
        %get3A_402 = arith.index_cast %add3A_399 : i32 to index
        %get3A_403 = arith.constant 0 : index
        %get3A_404 = tpu.vector_load %arg11[%get3A_402, %get3A_403] {strides = array<i32>} : memref<128x32xf32, #tpu.memory_space<vmem>>, vector<1x16xf32>,
        %get3A_405 = vector.shape_cast %get3A_404 : vector<1x16xf32> to vector<16xf32>
        %mul3A_406 = vector.broadcast %squeeze3A_401 : f32 to vector<16xf32>
        %mul3A_407 = arith.mulf %get3A_405, %mul3A_406 : vector<16xf32>
        %swap3A_408 = arith.index_cast %add3A_399 : i32 to index
        %swap3A_409 = arith.constant 0 : index
        %swap3A_410 = tpu.vector_load %arg11[%swap3A_408, %swap3A_409] {strides = array<i32>} : memref<128x32xf32, #tpu.memory_space<vmem>>, vector<1x16xf32>,
        %swap3A_411 = vector.shape_cast %swap3A_410 : vector<1x16xf32> to vector<16xf32>
        %swap3A_412 = vector.shape_cast %mul3A_407 : vector<16xf32> to vector<1x16xf32>
        tpu.vector_store %arg11[%swap3A_408, %swap3A_409], %swap3A_412 {strides = array<i32>} : memref<128x32xf32, #tpu.memory_space<vmem>>, vector<1x16xf32>,
        %get3A_413 = arith.index_cast %add3A_399 : i32 to index
        %get3A_414 = arith.constant 16 : index
        %get3A_415 = tpu.vector_load %arg11[%get3A_413, %get3A_414] {strides = array<i32>} : memref<128x32xf32, #tpu.memory_space<vmem>>, vector<1x16xf32>,
        %get3A_416 = vector.shape_cast %get3A_415 : vector<1x16xf32> to vector<16xf32>
        %mul3A_417 = vector.broadcast %squeeze3A_401 : f32 to vector<16xf32>
        %mul3A_418 = arith.mulf %get3A_416, %mul3A_417 : vector<16xf32>
        %swap3A_419 = arith.index_cast %add3A_399 : i32 to index
        %swap3A_420 = arith.constant 16 : index
        %swap3A_421 = tpu.vector_load %arg11[%swap3A_419, %swap3A_420] {strides = array<i32>} : memref<128x32xf32, #tpu.memory_space<vmem>>, vector<1x16xf32>,
        %swap3A_422 = vector.shape_cast %swap3A_421 : vector<1x16xf32> to vector<16xf32>
        %swap3A_423 = vector.shape_cast %mul3A_418 : vector<16xf32> to vector<1x16xf32>
        tpu.vector_store %arg11[%swap3A_419, %swap3A_420], %swap3A_423 {strides = array<i32>} : memref<128x32xf32, #tpu.memory_space<vmem>>, vector<1x16xf32>,
        %mul3A_424 = arith.constant 16 : i32
        %mul3A_425 = arith.muli %scan3A_29, %mul3A_424 : i32
        %add3A_426 = arith.constant 14 : i32
        %add3A_427 = arith.addi %mul3A_425, %add3A_426 : i32
        %slice3A_428 = vector.extract_strided_slice %get3A_34 {offsets = [14], sizes = [1], strides = [1]} : vector<16xf32> to vector<1xf32>
        %squeeze3A_429 = vector.extract %slice3A_428[0] : f32 from vector<1xf32>
        %get3A_430 = arith.index_cast %add3A_427 : i32 to index
        %get3A_431 = arith.constant 0 : index
        %get3A_432 = tpu.vector_load %arg11[%get3A_430, %get3A_431] {strides = array<i32>} : memref<128x32xf32, #tpu.memory_space<vmem>>, vector<1x16xf32>,
        %get3A_433 = vector.shape_cast %get3A_432 : vector<1x16xf32> to vector<16xf32>
        %mul3A_434 = vector.broadcast %squeeze3A_429 : f32 to vector<16xf32>
        %mul3A_435 = arith.mulf %get3A_433, %mul3A_434 : vector<16xf32>
        %swap3A_436 = arith.index_cast %add3A_427 : i32 to index
        %swap3A_437 = arith.constant 0 : index
        %swap3A_438 = tpu.vector_load %arg11[%swap3A_436, %swap3A_437] {strides = array<i32>} : memref<128x32xf32, #tpu.memory_space<vmem>>, vector<1x16xf32>,
        %swap3A_439 = vector.shape_cast %swap3A_438 : vector<1x16xf32> to vector<16xf32>
        %swap3A_440 = vector.shape_cast %mul3A_435 : vector<16xf32> to vector<1x16xf32>
        tpu.vector_store %arg11[%swap3A_436, %swap3A_437], %swap3A_440 {strides = array<i32>} : memref<128x32xf32, #tpu.memory_space<vmem>>, vector<1x16xf32>,
        %get3A_441 = arith.index_cast %add3A_427 : i32 to index
        %get3A_442 = arith.constant 16 : index
        %get3A_443 = tpu.vector_load %arg11[%get3A_441, %get3A_442] {strides = array<i32>} : memref<128x32xf32, #tpu.memory_space<vmem>>, vector<1x16xf32>,
        %get3A_444 = vector.shape_cast %get3A_443 : vector<1x16xf32> to vector<16xf32>
        %mul3A_445 = vector.broadcast %squeeze3A_429 : f32 to vector<16xf32>
        %mul3A_446 = arith.mulf %get3A_444, %mul3A_445 : vector<16xf32>
        %swap3A_447 = arith.index_cast %add3A_427 : i32 to index
        %swap3A_448 = arith.constant 16 : index
        %swap3A_449 = tpu.vector_load %arg11[%swap3A_447, %swap3A_448] {strides = array<i32>} : memref<128x32xf32, #tpu.memory_space<vmem>>, vector<1x16xf32>,
        %swap3A_450 = vector.shape_cast %swap3A_449 : vector<1x16xf32> to vector<16xf32>
        %swap3A_451 = vector.shape_cast %mul3A_446 : vector<16xf32> to vector<1x16xf32>
        tpu.vector_store %arg11[%swap3A_447, %swap3A_448], %swap3A_451 {strides = array<i32>} : memref<128x32xf32, #tpu.memory_space<vmem>>, vector<1x16xf32>,
        %mul3A_452 = arith.constant 16 : i32
        %mul3A_453 = arith.muli %scan3A_29, %mul3A_452 : i32
        %add3A_454 = arith.constant 15 : i32
        %add3A_455 = arith.addi %mul3A_453, %add3A_454 : i32
        %slice3A_456 = vector.extract_strided_slice %get3A_34 {offsets = [15], sizes = [1], strides = [1]} : vector<16xf32> to vector<1xf32>
        %squeeze3A_457 = vector.extract %slice3A_456[0] : f32 from vector<1xf32>
        %get3A_458 = arith.index_cast %add3A_455 : i32 to index
        %get3A_459 = arith.constant 0 : index
        %get3A_460 = tpu.vector_load %arg11[%get3A_458, %get3A_459] {strides = array<i32>} : memref<128x32xf32, #tpu.memory_space<vmem>>, vector<1x16xf32>,
        %get3A_461 = vector.shape_cast %get3A_460 : vector<1x16xf32> to vector<16xf32>
        %mul3A_462 = vector.broadcast %squeeze3A_457 : f32 to vector<16xf32>
        %mul3A_463 = arith.mulf %get3A_461, %mul3A_462 : vector<16xf32>
        %swap3A_464 = arith.index_cast %add3A_455 : i32 to index
        %swap3A_465 = arith.constant 0 : index
        %swap3A_466 = tpu.vector_load %arg11[%swap3A_464, %swap3A_465] {strides = array<i32>} : memref<128x32xf32, #tpu.memory_space<vmem>>, vector<1x16xf32>,
        %swap3A_467 = vector.shape_cast %swap3A_466 : vector<1x16xf32> to vector<16xf32>
        %swap3A_468 = vector.shape_cast %mul3A_463 : vector<16xf32> to vector<1x16xf32>
        tpu.vector_store %arg11[%swap3A_464, %swap3A_465], %swap3A_468 {strides = array<i32>} : memref<128x32xf32, #tpu.memory_space<vmem>>, vector<1x16xf32>,
        %get3A_469 = arith.index_cast %add3A_455 : i32 to index
        %get3A_470 = arith.constant 16 : index
        %get3A_471 = tpu.vector_load %arg11[%get3A_469, %get3A_470] {strides = array<i32>} : memref<128x32xf32, #tpu.memory_space<vmem>>, vector<1x16xf32>,
        %get3A_472 = vector.shape_cast %get3A_471 : vector<1x16xf32> to vector<16xf32>
        %mul3A_473 = vector.broadcast %squeeze3A_457 : f32 to vector<16xf32>
        %mul3A_474 = arith.mulf %get3A_472, %mul3A_473 : vector<16xf32>
        %swap3A_475 = arith.index_cast %add3A_455 : i32 to index
        %swap3A_476 = arith.constant 16 : index
        %swap3A_477 = tpu.vector_load %arg11[%swap3A_475, %swap3A_476] {strides = array<i32>} : memref<128x32xf32, #tpu.memory_space<vmem>>, vector<1x16xf32>,
        %swap3A_478 = vector.shape_cast %swap3A_477 : vector<1x16xf32> to vector<16xf32>
        %swap3A_479 = vector.shape_cast %mul3A_474 : vector<16xf32> to vector<1x16xf32>
        tpu.vector_store %arg11[%swap3A_475, %swap3A_476], %swap3A_479 {strides = array<i32>} : memref<128x32xf32, #tpu.memory_space<vmem>>, vector<1x16xf32>,
      }
      %scan3A_28 = arith.constant 8 : i32
      "tpu.region"() ({
        %run_scoped3A = tpu.sem_alloc : memref<!tpu.dma_semaphore, #tpu.memory_space<semaphore_mem>>
        %dma_start3A = arith.constant 0 : i32
        %dma_start3A_29 = tpu.memref_slice %arg9[%scan3A_22, %dma_start3A] : memref<80x128xi32, #tpu.memory_space<vmem>> -> memref<1x128xi32, #tpu.memory_space<vmem>>
        %dma_start3A_30 = tpu.memref_squeeze %dma_start3A_29 : memref<1x128xi32, #tpu.memory_space<vmem>> -> memref<128xi32, #tpu.memory_space<vmem>>
        %dma_start3A_31 = arith.constant 0 : i32
        %dma_start3A_32 = arith.constant 0 : i32
        %dma_start3A_33 = tpu.memref_slice %arg7[%dma_start3A_31, %dma_start3A_32] : memref<10240x32xf32, #tpu.memory_space<vmem_shared>> -> memref<10240x32xf32, #tpu.memory_space<vmem_shared>>
        tpu.enqueue_indirect_dma source(%arg11 : memref<128x32xf32, #tpu.memory_space<vmem>>) target(%dma_start3A_33 : memref<10240x32xf32, #tpu.memory_space<vmem_shared>>) offsets(%dma_start3A_30 : memref<128xi32, #tpu.memory_space<vmem>>) semaphore(%run_scoped3A : memref<!tpu.dma_semaphore, #tpu.memory_space<semaphore_mem>>) {add = true}
        %dma_wait3A = arith.constant 0 : i32
        %dma_wait3A_34 = tpu.memref_slice %arg9[%scan3A_22, %dma_wait3A] : memref<80x128xi32, #tpu.memory_space<vmem>> -> memref<1x128xi32, #tpu.memory_space<vmem>>
        %dma_wait3A_35 = tpu.memref_squeeze %dma_wait3A_34 : memref<1x128xi32, #tpu.memory_space<vmem>> -> memref<128xi32, #tpu.memory_space<vmem>>
        %dma_wait3A_36 = arith.constant 0 : i32
        %dma_wait3A_37 = arith.constant 0 : i32
        %dma_wait3A_38 = tpu.memref_slice %arg7[%dma_wait3A_36, %dma_wait3A_37] : memref<10240x32xf32, #tpu.memory_space<vmem_shared>> -> memref<10240x32xf32, #tpu.memory_space<vmem_shared>>
        tpu.wait_indirect_dma semaphore(%run_scoped3A : memref<!tpu.dma_semaphore, #tpu.memory_space<semaphore_mem>>) src(%arg11 : memref<128x32xf32, #tpu.memory_space<vmem>>) dst(%dma_wait3A_38 : memref<10240x32xf32, #tpu.memory_space<vmem_shared>>)
        tpu.yield
      }) : () -> ()
    }
    %scan3A_16 = arith.constant 80 : i32
    %barrier3A_17 = arith.constant 0 : index
    tpu.barrier barrier_id(%barrier3A_17)
    %mul3A_18 = arith.constant 640 : i32
    %mul3A_19 = arith.muli %arg1, %mul3A_18 : i32
    %mul3A_20 = arith.constant 640 : i32
    %mul3A_21 = arith.muli %arg1, %mul3A_20 : i32
    "tpu.region"() ({
      %run_scoped3A = tpu.sem_alloc : memref<!tpu.dma_semaphore, #tpu.memory_space<semaphore_mem>>
      %dma_start3A = arith.constant 0 : i32
      %dma_start3A_22 = tpu.memref_slice %arg6[%arg0, %mul3A_21, %dma_start3A] : memref<2x10240x32xf32, #tpu.memory_space<hbm>> -> memref<1x640x32xf32, #tpu.memory_space<hbm>>
      %dma_start3A_23 = tpu.memref_squeeze %dma_start3A_22 : memref<1x640x32xf32, #tpu.memory_space<hbm>> -> memref<640x32xf32, #tpu.memory_space<hbm>>
      %dma_start3A_24 = arith.constant 0 : i32
      %dma_start3A_25 = tpu.memref_slice %arg7[%mul3A_19, %dma_start3A_24] : memref<10240x32xf32, #tpu.memory_space<vmem_shared>> -> memref<640x32xf32, #tpu.memory_space<vmem_shared>>
      tpu.enqueue_dma source(%dma_start3A_25 : memref<640x32xf32, #tpu.memory_space<vmem_shared>>) target(%dma_start3A_23 : memref<640x32xf32, #tpu.memory_space<hbm>>) target_semaphore(%run_scoped3A : memref<!tpu.dma_semaphore, #tpu.memory_space<semaphore_mem>>)
      %dma_wait3A = arith.constant 0 : i32
      %dma_wait3A_26 = tpu.memref_slice %arg6[%arg0, %mul3A_21, %dma_wait3A] : memref<2x10240x32xf32, #tpu.memory_space<hbm>> -> memref<1x640x32xf32, #tpu.memory_space<hbm>>
      %dma_wait3A_27 = tpu.memref_squeeze %dma_wait3A_26 : memref<1x640x32xf32, #tpu.memory_space<hbm>> -> memref<640x32xf32, #tpu.memory_space<hbm>>
      %dma_wait3A_28 = arith.constant 0 : i32
      %dma_wait3A_29 = tpu.memref_slice %arg7[%mul3A_19, %dma_wait3A_28] : memref<10240x32xf32, #tpu.memory_space<vmem_shared>> -> memref<640x32xf32, #tpu.memory_space<vmem_shared>>
      tpu.wait_dma2 semaphore(%run_scoped3A : memref<!tpu.dma_semaphore, #tpu.memory_space<semaphore_mem>>) src(%dma_wait3A_29 : memref<640x32xf32, #tpu.memory_space<vmem_shared>>) dst(%dma_wait3A_27 : memref<640x32xf32, #tpu.memory_space<hbm>>)
      tpu.yield
    }) : () -> ()
    return
  }
}

#map = affine_map<(d0, d1) -> (0, 0)>
#map1 = affine_map<(d0, d1) -> (0, 0, 0)>
module attributes {stable_mosaic.version = 14 : i64} {
  func.func @_layer_body(%arg0: i32, %arg1: i32, %arg2: memref<10000x32xf32, #tpu.memory_space<hbm>>, %arg3: memref<2560x128xi32, #tpu.memory_space<hbm>>, %arg4: memref<2560x128xi32, #tpu.memory_space<hbm>>, %arg5: memref<2560x128xf32, #tpu.memory_space<hbm>>, %arg6: memref<2x10240x32xf32, #tpu.memory_space<hbm>>, %arg7: memref<10240x32xf32, #tpu.memory_space<vmem_shared>>, %arg8: memref<80x128xi32, #tpu.memory_space<vmem>>, %arg9: memref<80x128xi32, #tpu.memory_space<vmem>>, %arg10: memref<80x128xf32, #tpu.memory_space<vmem>>, %arg11: memref<128x32xf32, #tpu.memory_space<vmem>>, %arg12: memref<640x32xf32, #tpu.memory_space<vmem>>) attributes {dimension_semantics = [#tpu.dimension_semantics<core_parallel>, #tpu.dimension_semantics<subcore_parallel>], iteration_bounds = array<i64: 2, 16>, scalar_prefetch = 0 : i64, scratch_operands = 6 : i64, tpu.core_type = #tpu.core_type<sc_vector_subcore>, window_params = [{transform_indices = #map}, {transform_indices = #map}, {transform_indices = #map}, {transform_indices = #map}, {transform_indices = #map1}]} {
    %mul3A = arith.constant 2 : i32
    %mul3A_0 = arith.muli %arg1, %mul3A : i32
    %add3A = arith.addi %mul3A_0, %arg0 : i32
    %mul3A_1 = arith.constant 80 : i32
    %mul3A_2 = arith.muli %add3A, %mul3A_1 : i32
    %multiple_of3A = tpu.assume_multiple %mul3A_2, 8 : i32
    "tpu.region"() ({
      %run_scoped3A = tpu.sem_alloc : memref<!tpu.dma_semaphore, #tpu.memory_space<semaphore_mem>>
      %dma_start3A = arith.constant 0 : i32
      %dma_start3A_22 = tpu.memref_slice %arg3[%multiple_of3A, %dma_start3A] : memref<2560x128xi32, #tpu.memory_space<hbm>> -> memref<80x128xi32, #tpu.memory_space<hbm>>
      %dma_start3A_23 = arith.constant 0 : i32
      %dma_start3A_24 = tpu.memref_slice %arg3[%multiple_of3A, %dma_start3A_23] : memref<2560x128xi32, #tpu.memory_space<hbm>> -> memref<80x128xi32, #tpu.memory_space<hbm>>
      tpu.enqueue_dma source(%dma_start3A_24 : memref<80x128xi32, #tpu.memory_space<hbm>>) target(%arg8 : memref<80x128xi32, #tpu.memory_space<vmem>>) target_semaphore(%run_scoped3A : memref<!tpu.dma_semaphore, #tpu.memory_space<semaphore_mem>>)
      %dma_wait3A = arith.constant 0 : i32
      %dma_wait3A_25 = tpu.memref_slice %arg3[%multiple_of3A, %dma_wait3A] : memref<2560x128xi32, #tpu.memory_space<hbm>> -> memref<80x128xi32, #tpu.memory_space<hbm>>
      %dma_wait3A_26 = arith.constant 0 : i32
      %dma_wait3A_27 = tpu.memref_slice %arg3[%multiple_of3A, %dma_wait3A_26] : memref<2560x128xi32, #tpu.memory_space<hbm>> -> memref<80x128xi32, #tpu.memory_space<hbm>>
      tpu.wait_dma2 semaphore(%run_scoped3A : memref<!tpu.dma_semaphore, #tpu.memory_space<semaphore_mem>>) src(%dma_wait3A_27 : memref<80x128xi32, #tpu.memory_space<hbm>>) dst(%arg8 : memref<80x128xi32, #tpu.memory_space<vmem>>)
      tpu.yield
    }) : () -> ()
    "tpu.region"() ({
      %run_scoped3A = tpu.sem_alloc : memref<!tpu.dma_semaphore, #tpu.memory_space<semaphore_mem>>
      %dma_start3A = arith.constant 0 : i32
      %dma_start3A_22 = tpu.memref_slice %arg4[%multiple_of3A, %dma_start3A] : memref<2560x128xi32, #tpu.memory_space<hbm>> -> memref<80x128xi32, #tpu.memory_space<hbm>>
      %dma_start3A_23 = arith.constant 0 : i32
      %dma_start3A_24 = tpu.memref_slice %arg4[%multiple_of3A, %dma_start3A_23] : memref<2560x128xi32, #tpu.memory_space<hbm>> -> memref<80x128xi32, #tpu.memory_space<hbm>>
      tpu.enqueue_dma source(%dma_start3A_24 : memref<80x128xi32, #tpu.memory_space<hbm>>) target(%arg9 : memref<80x128xi32, #tpu.memory_space<vmem>>) target_semaphore(%run_scoped3A : memref<!tpu.dma_semaphore, #tpu.memory_space<semaphore_mem>>)
      %dma_wait3A = arith.constant 0 : i32
      %dma_wait3A_25 = tpu.memref_slice %arg4[%multiple_of3A, %dma_wait3A] : memref<2560x128xi32, #tpu.memory_space<hbm>> -> memref<80x128xi32, #tpu.memory_space<hbm>>
      %dma_wait3A_26 = arith.constant 0 : i32
      %dma_wait3A_27 = tpu.memref_slice %arg4[%multiple_of3A, %dma_wait3A_26] : memref<2560x128xi32, #tpu.memory_space<hbm>> -> memref<80x128xi32, #tpu.memory_space<hbm>>
      tpu.wait_dma2 semaphore(%run_scoped3A : memref<!tpu.dma_semaphore, #tpu.memory_space<semaphore_mem>>) src(%dma_wait3A_27 : memref<80x128xi32, #tpu.memory_space<hbm>>) dst(%arg9 : memref<80x128xi32, #tpu.memory_space<vmem>>)
      tpu.yield
    }) : () -> ()
    "tpu.region"() ({
      %run_scoped3A = tpu.sem_alloc : memref<!tpu.dma_semaphore, #tpu.memory_space<semaphore_mem>>
      %dma_start3A = arith.constant 0 : i32
      %dma_start3A_22 = tpu.memref_slice %arg5[%multiple_of3A, %dma_start3A] : memref<2560x128xf32, #tpu.memory_space<hbm>> -> memref<80x128xf32, #tpu.memory_space<hbm>>
      %dma_start3A_23 = arith.constant 0 : i32
      %dma_start3A_24 = tpu.memref_slice %arg5[%multiple_of3A, %dma_start3A_23] : memref<2560x128xf32, #tpu.memory_space<hbm>> -> memref<80x128xf32, #tpu.memory_space<hbm>>
      tpu.enqueue_dma source(%dma_start3A_24 : memref<80x128xf32, #tpu.memory_space<hbm>>) target(%arg10 : memref<80x128xf32, #tpu.memory_space<vmem>>) target_semaphore(%run_scoped3A : memref<!tpu.dma_semaphore, #tpu.memory_space<semaphore_mem>>)
      %dma_wait3A = arith.constant 0 : i32
      %dma_wait3A_25 = tpu.memref_slice %arg5[%multiple_of3A, %dma_wait3A] : memref<2560x128xf32, #tpu.memory_space<hbm>> -> memref<80x128xf32, #tpu.memory_space<hbm>>
      %dma_wait3A_26 = arith.constant 0 : i32
      %dma_wait3A_27 = tpu.memref_slice %arg5[%multiple_of3A, %dma_wait3A_26] : memref<2560x128xf32, #tpu.memory_space<hbm>> -> memref<80x128xf32, #tpu.memory_space<hbm>>
      tpu.wait_dma2 semaphore(%run_scoped3A : memref<!tpu.dma_semaphore, #tpu.memory_space<semaphore_mem>>) src(%dma_wait3A_27 : memref<80x128xf32, #tpu.memory_space<hbm>>) dst(%arg10 : memref<80x128xf32, #tpu.memory_space<vmem>>)
      tpu.yield
    }) : () -> ()
    %broadcast_in_dim3A = arith.constant 0.000000e+00 : f32
    %broadcast_in_dim3A_3 = vector.broadcast %broadcast_in_dim3A : f32 to vector<16xf32>
    %scan3A = arith.constant 0 : i32
    %scan3A_4 = arith.constant 0 : i32
    %scan3A_5 = arith.constant 640 : i32
    %scan3A_6 = arith.addi %scan3A_4, %scan3A_5 : i32
    %scan3A_7 = arith.constant 1 : i32
    scf.for %scan3A_22 = %scan3A_4 to %scan3A_6 step %scan3A_7  : i32 {
      %swap3A = arith.index_cast %scan3A_22 : i32 to index
      %swap3A_23 = arith.constant 0 : index
      %swap3A_24 = tpu.vector_load %arg12[%swap3A, %swap3A_23] {strides = array<i32>} : memref<640x32xf32, #tpu.memory_space<vmem>>, vector<1x16xf32>,
      %swap3A_25 = vector.shape_cast %swap3A_24 : vector<1x16xf32> to vector<16xf32>
      %swap3A_26 = vector.shape_cast %broadcast_in_dim3A_3 : vector<16xf32> to vector<1x16xf32>
      tpu.vector_store %arg12[%swap3A, %swap3A_23], %swap3A_26 {strides = array<i32>} : memref<640x32xf32, #tpu.memory_space<vmem>>, vector<1x16xf32>,
      %swap3A_27 = arith.index_cast %scan3A_22 : i32 to index
      %swap3A_28 = arith.constant 16 : index
      %swap3A_29 = tpu.vector_load %arg12[%swap3A_27, %swap3A_28] {strides = array<i32>} : memref<640x32xf32, #tpu.memory_space<vmem>>, vector<1x16xf32>,
      %swap3A_30 = vector.shape_cast %swap3A_29 : vector<1x16xf32> to vector<16xf32>
      %swap3A_31 = vector.shape_cast %broadcast_in_dim3A_3 : vector<16xf32> to vector<1x16xf32>
      tpu.vector_store %arg12[%swap3A_27, %swap3A_28], %swap3A_31 {strides = array<i32>} : memref<640x32xf32, #tpu.memory_space<vmem>>, vector<1x16xf32>,
    }
    %scan3A_8 = arith.constant 640 : i32
    %mul3A_9 = arith.constant 640 : i32
    %mul3A_10 = arith.muli %arg1, %mul3A_9 : i32
    "tpu.region"() ({
      %run_scoped3A = tpu.sem_alloc : memref<!tpu.dma_semaphore, #tpu.memory_space<semaphore_mem>>
      %dma_start3A = arith.constant 0 : i32
      %dma_start3A_22 = tpu.memref_slice %arg7[%mul3A_10, %dma_start3A] : memref<10240x32xf32, #tpu.memory_space<vmem_shared>> -> memref<640x32xf32, #tpu.memory_space<vmem_shared>>
      %dma_start3A_23 = arith.constant 0 : i32
      %dma_start3A_24 = tpu.memref_slice %arg7[%mul3A_10, %dma_start3A_23] : memref<10240x32xf32, #tpu.memory_space<vmem_shared>> -> memref<640x32xf32, #tpu.memory_space<vmem_shared>>
      tpu.enqueue_dma source(%arg12 : memref<640x32xf32, #tpu.memory_space<vmem>>) target(%dma_start3A_24 : memref<640x32xf32, #tpu.memory_space<vmem_shared>>) target_semaphore(%run_scoped3A : memref<!tpu.dma_semaphore, #tpu.memory_space<semaphore_mem>>)
      %dma_wait3A = arith.constant 0 : i32
      %dma_wait3A_25 = tpu.memref_slice %arg7[%mul3A_10, %dma_wait3A] : memref<10240x32xf32, #tpu.memory_space<vmem_shared>> -> memref<640x32xf32, #tpu.memory_space<vmem_shared>>
      %dma_wait3A_26 = arith.constant 0 : i32
      %dma_wait3A_27 = tpu.memref_slice %arg7[%mul3A_10, %dma_wait3A_26] : memref<10240x32xf32, #tpu.memory_space<vmem_shared>> -> memref<640x32xf32, #tpu.memory_space<vmem_shared>>
      tpu.wait_dma2 semaphore(%run_scoped3A : memref<!tpu.dma_semaphore, #tpu.memory_space<semaphore_mem>>) src(%arg12 : memref<640x32xf32, #tpu.memory_space<vmem>>) dst(%dma_wait3A_27 : memref<640x32xf32, #tpu.memory_space<vmem_shared>>)
      tpu.yield
    }) : () -> ()
    %barrier3A = arith.constant 0 : index
    tpu.barrier barrier_id(%barrier3A)
    %scan3A_11 = arith.constant 0 : i32
    %scan3A_12 = arith.constant 0 : i32
    %scan3A_13 = arith.constant 80 : i32
    %scan3A_14 = arith.addi %scan3A_12, %scan3A_13 : i32
    %scan3A_15 = arith.constant 1 : i32
    scf.for %scan3A_22 = %scan3A_12 to %scan3A_14 step %scan3A_15  : i32 {
      "tpu.region"() ({
        %run_scoped3A = tpu.sem_alloc : memref<!tpu.dma_semaphore, #tpu.memory_space<semaphore_mem>>
        %dma_start3A = arith.constant 0 : i32
        %dma_start3A_29 = tpu.memref_slice %arg8[%scan3A_22, %dma_start3A] : memref<80x128xi32, #tpu.memory_space<vmem>> -> memref<1x128xi32, #tpu.memory_space<vmem>>
        %dma_start3A_30 = tpu.memref_squeeze %dma_start3A_29 : memref<1x128xi32, #tpu.memory_space<vmem>> -> memref<128xi32, #tpu.memory_space<vmem>>
        %dma_start3A_31 = arith.constant 0 : i32
        %dma_start3A_32 = arith.constant 0 : i32
        %dma_start3A_33 = tpu.memref_slice %arg2[%dma_start3A_31, %dma_start3A_32] : memref<10000x32xf32, #tpu.memory_space<hbm>> -> memref<10000x32xf32, #tpu.memory_space<hbm>>
        tpu.enqueue_indirect_dma source(%dma_start3A_33 : memref<10000x32xf32, #tpu.memory_space<hbm>>) target(%arg11 : memref<128x32xf32, #tpu.memory_space<vmem>>) offsets(%dma_start3A_30 : memref<128xi32, #tpu.memory_space<vmem>>) semaphore(%run_scoped3A : memref<!tpu.dma_semaphore, #tpu.memory_space<semaphore_mem>>)
        %dma_wait3A = arith.constant 0 : i32
        %dma_wait3A_34 = tpu.memref_slice %arg8[%scan3A_22, %dma_wait3A] : memref<80x128xi32, #tpu.memory_space<vmem>> -> memref<1x128xi32, #tpu.memory_space<vmem>>
        %dma_wait3A_35 = tpu.memref_squeeze %dma_wait3A_34 : memref<1x128xi32, #tpu.memory_space<vmem>> -> memref<128xi32, #tpu.memory_space<vmem>>
        %dma_wait3A_36 = arith.constant 0 : i32
        %dma_wait3A_37 = arith.constant 0 : i32
        %dma_wait3A_38 = tpu.memref_slice %arg2[%dma_wait3A_36, %dma_wait3A_37] : memref<10000x32xf32, #tpu.memory_space<hbm>> -> memref<10000x32xf32, #tpu.memory_space<hbm>>
        tpu.wait_indirect_dma semaphore(%run_scoped3A : memref<!tpu.dma_semaphore, #tpu.memory_space<semaphore_mem>>) src(%dma_wait3A_38 : memref<10000x32xf32, #tpu.memory_space<hbm>>) dst(%arg11 : memref<128x32xf32, #tpu.memory_space<vmem>>)
        tpu.yield
      }) : () -> ()
      %scan3A_23 = arith.constant 0 : i32
      %scan3A_24 = arith.constant 0 : i32
      %scan3A_25 = arith.constant 8 : i32
      %scan3A_26 = arith.addi %scan3A_24, %scan3A_25 : i32
      %scan3A_27 = arith.constant 1 : i32
      scf.for %scan3A_29 = %scan3A_24 to %scan3A_26 step %scan3A_27  : i32 {
        %mul3A_30 = arith.constant 16 : i32
        %mul3A_31 = arith.muli %scan3A_29, %mul3A_30 : i32
        %get3A = arith.index_cast %scan3A_22 : i32 to index
        %get3A_32 = arith.index_cast %mul3A_31 : i32 to index
        %get3A_33 = tpu.vector_load %arg10[%get3A, %get3A_32] {strides = array<i32>} : memref<80x128xf32, #tpu.memory_space<vmem>>, vector<1x16xf32>,
        %get3A_34 = vector.shape_cast %get3A_33 : vector<1x16xf32> to vector<16xf32>
        %mul3A_35 = arith.constant 16 : i32
        %mul3A_36 = arith.muli %scan3A_29, %mul3A_35 : i32
        %add3A_37 = arith.constant 0 : i32
        %add3A_38 = arith.addi %mul3A_36, %add3A_37 : i32
        %slice3A = vector.extract_strided_slice %get3A_34 {offsets = [0], sizes = [1], strides = [1]} : vector<16xf32> to vector<1xf32>
        %squeeze3A = vector.extract %slice3A[0] : f32 from vector<1xf32>
        %get3A_39 = arith.index_cast %add3A_38 : i32 to index
        %get3A_40 = arith.constant 0 : index
        %get3A_41 = tpu.vector_load %arg11[%get3A_39, %get3A_40] {strides = array<i32>} : memref<128x32xf32, #tpu.memory_space<vmem>>, vector<1x16xf32>,
        %get3A_42 = vector.shape_cast %get3A_41 : vector<1x16xf32> to vector<16xf32>
        %mul3A_43 = vector.broadcast %squeeze3A : f32 to vector<16xf32>
        %mul3A_44 = arith.mulf %get3A_42, %mul3A_43 : vector<16xf32>
        %swap3A = arith.index_cast %add3A_38 : i32 to index
        %swap3A_45 = arith.constant 0 : index
        %swap3A_46 = tpu.vector_load %arg11[%swap3A, %swap3A_45] {strides = array<i32>} : memref<128x32xf32, #tpu.memory_space<vmem>>, vector<1x16xf32>,
        %swap3A_47 = vector.shape_cast %swap3A_46 : vector<1x16xf32> to vector<16xf32>
        %swap3A_48 = vector.shape_cast %mul3A_44 : vector<16xf32> to vector<1x16xf32>
        tpu.vector_store %arg11[%swap3A, %swap3A_45], %swap3A_48 {strides = array<i32>} : memref<128x32xf32, #tpu.memory_space<vmem>>, vector<1x16xf32>,
        %get3A_49 = arith.index_cast %add3A_38 : i32 to index
        %get3A_50 = arith.constant 16 : index
        %get3A_51 = tpu.vector_load %arg11[%get3A_49, %get3A_50] {strides = array<i32>} : memref<128x32xf32, #tpu.memory_space<vmem>>, vector<1x16xf32>,
        %get3A_52 = vector.shape_cast %get3A_51 : vector<1x16xf32> to vector<16xf32>
        %mul3A_53 = vector.broadcast %squeeze3A : f32 to vector<16xf32>
        %mul3A_54 = arith.mulf %get3A_52, %mul3A_53 : vector<16xf32>
        %swap3A_55 = arith.index_cast %add3A_38 : i32 to index
        %swap3A_56 = arith.constant 16 : index
        %swap3A_57 = tpu.vector_load %arg11[%swap3A_55, %swap3A_56] {strides = array<i32>} : memref<128x32xf32, #tpu.memory_space<vmem>>, vector<1x16xf32>,
        %swap3A_58 = vector.shape_cast %swap3A_57 : vector<1x16xf32> to vector<16xf32>
        %swap3A_59 = vector.shape_cast %mul3A_54 : vector<16xf32> to vector<1x16xf32>
        tpu.vector_store %arg11[%swap3A_55, %swap3A_56], %swap3A_59 {strides = array<i32>} : memref<128x32xf32, #tpu.memory_space<vmem>>, vector<1x16xf32>,
        %mul3A_60 = arith.constant 16 : i32
        %mul3A_61 = arith.muli %scan3A_29, %mul3A_60 : i32
        %add3A_62 = arith.constant 1 : i32
        %add3A_63 = arith.addi %mul3A_61, %add3A_62 : i32
        %slice3A_64 = vector.extract_strided_slice %get3A_34 {offsets = [1], sizes = [1], strides = [1]} : vector<16xf32> to vector<1xf32>
        %squeeze3A_65 = vector.extract %slice3A_64[0] : f32 from vector<1xf32>
        %get3A_66 = arith.index_cast %add3A_63 : i32 to index
        %get3A_67 = arith.constant 0 : index
        %get3A_68 = tpu.vector_load %arg11[%get3A_66, %get3A_67] {strides = array<i32>} : memref<128x32xf32, #tpu.memory_space<vmem>>, vector<1x16xf32>,
        %get3A_69 = vector.shape_cast %get3A_68 : vector<1x16xf32> to vector<16xf32>
        %mul3A_70 = vector.broadcast %squeeze3A_65 : f32 to vector<16xf32>
        %mul3A_71 = arith.mulf %get3A_69, %mul3A_70 : vector<16xf32>
        %swap3A_72 = arith.index_cast %add3A_63 : i32 to index
        %swap3A_73 = arith.constant 0 : index
        %swap3A_74 = tpu.vector_load %arg11[%swap3A_72, %swap3A_73] {strides = array<i32>} : memref<128x32xf32, #tpu.memory_space<vmem>>, vector<1x16xf32>,
        %swap3A_75 = vector.shape_cast %swap3A_74 : vector<1x16xf32> to vector<16xf32>
        %swap3A_76 = vector.shape_cast %mul3A_71 : vector<16xf32> to vector<1x16xf32>
        tpu.vector_store %arg11[%swap3A_72, %swap3A_73], %swap3A_76 {strides = array<i32>} : memref<128x32xf32, #tpu.memory_space<vmem>>, vector<1x16xf32>,
        %get3A_77 = arith.index_cast %add3A_63 : i32 to index
        %get3A_78 = arith.constant 16 : index
        %get3A_79 = tpu.vector_load %arg11[%get3A_77, %get3A_78] {strides = array<i32>} : memref<128x32xf32, #tpu.memory_space<vmem>>, vector<1x16xf32>,
        %get3A_80 = vector.shape_cast %get3A_79 : vector<1x16xf32> to vector<16xf32>
        %mul3A_81 = vector.broadcast %squeeze3A_65 : f32 to vector<16xf32>
        %mul3A_82 = arith.mulf %get3A_80, %mul3A_81 : vector<16xf32>
        %swap3A_83 = arith.index_cast %add3A_63 : i32 to index
        %swap3A_84 = arith.constant 16 : index
        %swap3A_85 = tpu.vector_load %arg11[%swap3A_83, %swap3A_84] {strides = array<i32>} : memref<128x32xf32, #tpu.memory_space<vmem>>, vector<1x16xf32>,
        %swap3A_86 = vector.shape_cast %swap3A_85 : vector<1x16xf32> to vector<16xf32>
        %swap3A_87 = vector.shape_cast %mul3A_82 : vector<16xf32> to vector<1x16xf32>
        tpu.vector_store %arg11[%swap3A_83, %swap3A_84], %swap3A_87 {strides = array<i32>} : memref<128x32xf32, #tpu.memory_space<vmem>>, vector<1x16xf32>,
        %mul3A_88 = arith.constant 16 : i32
        %mul3A_89 = arith.muli %scan3A_29, %mul3A_88 : i32
        %add3A_90 = arith.constant 2 : i32
        %add3A_91 = arith.addi %mul3A_89, %add3A_90 : i32
        %slice3A_92 = vector.extract_strided_slice %get3A_34 {offsets = [2], sizes = [1], strides = [1]} : vector<16xf32> to vector<1xf32>
        %squeeze3A_93 = vector.extract %slice3A_92[0] : f32 from vector<1xf32>
        %get3A_94 = arith.index_cast %add3A_91 : i32 to index
        %get3A_95 = arith.constant 0 : index
        %get3A_96 = tpu.vector_load %arg11[%get3A_94, %get3A_95] {strides = array<i32>} : memref<128x32xf32, #tpu.memory_space<vmem>>, vector<1x16xf32>,
        %get3A_97 = vector.shape_cast %get3A_96 : vector<1x16xf32> to vector<16xf32>
        %mul3A_98 = vector.broadcast %squeeze3A_93 : f32 to vector<16xf32>
        %mul3A_99 = arith.mulf %get3A_97, %mul3A_98 : vector<16xf32>
        %swap3A_100 = arith.index_cast %add3A_91 : i32 to index
        %swap3A_101 = arith.constant 0 : index
        %swap3A_102 = tpu.vector_load %arg11[%swap3A_100, %swap3A_101] {strides = array<i32>} : memref<128x32xf32, #tpu.memory_space<vmem>>, vector<1x16xf32>,
        %swap3A_103 = vector.shape_cast %swap3A_102 : vector<1x16xf32> to vector<16xf32>
        %swap3A_104 = vector.shape_cast %mul3A_99 : vector<16xf32> to vector<1x16xf32>
        tpu.vector_store %arg11[%swap3A_100, %swap3A_101], %swap3A_104 {strides = array<i32>} : memref<128x32xf32, #tpu.memory_space<vmem>>, vector<1x16xf32>,
        %get3A_105 = arith.index_cast %add3A_91 : i32 to index
        %get3A_106 = arith.constant 16 : index
        %get3A_107 = tpu.vector_load %arg11[%get3A_105, %get3A_106] {strides = array<i32>} : memref<128x32xf32, #tpu.memory_space<vmem>>, vector<1x16xf32>,
        %get3A_108 = vector.shape_cast %get3A_107 : vector<1x16xf32> to vector<16xf32>
        %mul3A_109 = vector.broadcast %squeeze3A_93 : f32 to vector<16xf32>
        %mul3A_110 = arith.mulf %get3A_108, %mul3A_109 : vector<16xf32>
        %swap3A_111 = arith.index_cast %add3A_91 : i32 to index
        %swap3A_112 = arith.constant 16 : index
        %swap3A_113 = tpu.vector_load %arg11[%swap3A_111, %swap3A_112] {strides = array<i32>} : memref<128x32xf32, #tpu.memory_space<vmem>>, vector<1x16xf32>,
        %swap3A_114 = vector.shape_cast %swap3A_113 : vector<1x16xf32> to vector<16xf32>
        %swap3A_115 = vector.shape_cast %mul3A_110 : vector<16xf32> to vector<1x16xf32>
        tpu.vector_store %arg11[%swap3A_111, %swap3A_112], %swap3A_115 {strides = array<i32>} : memref<128x32xf32, #tpu.memory_space<vmem>>, vector<1x16xf32>,
        %mul3A_116 = arith.constant 16 : i32
        %mul3A_117 = arith.muli %scan3A_29, %mul3A_116 : i32
        %add3A_118 = arith.constant 3 : i32
        %add3A_119 = arith.addi %mul3A_117, %add3A_118 : i32
        %slice3A_120 = vector.extract_strided_slice %get3A_34 {offsets = [3], sizes = [1], strides = [1]} : vector<16xf32> to vector<1xf32>
        %squeeze3A_121 = vector.extract %slice3A_120[0] : f32 from vector<1xf32>
        %get3A_122 = arith.index_cast %add3A_119 : i32 to index
        %get3A_123 = arith.constant 0 : index
        %get3A_124 = tpu.vector_load %arg11[%get3A_122, %get3A_123] {strides = array<i32>} : memref<128x32xf32, #tpu.memory_space<vmem>>, vector<1x16xf32>,
        %get3A_125 = vector.shape_cast %get3A_124 : vector<1x16xf32> to vector<16xf32>
        %mul3A_126 = vector.broadcast %squeeze3A_121 : f32 to vector<16xf32>
        %mul3A_127 = arith.mulf %get3A_125, %mul3A_126 : vector<16xf32>
        %swap3A_128 = arith.index_cast %add3A_119 : i32 to index
        %swap3A_129 = arith.constant 0 : index
        %swap3A_130 = tpu.vector_load %arg11[%swap3A_128, %swap3A_129] {strides = array<i32>} : memref<128x32xf32, #tpu.memory_space<vmem>>, vector<1x16xf32>,
        %swap3A_131 = vector.shape_cast %swap3A_130 : vector<1x16xf32> to vector<16xf32>
        %swap3A_132 = vector.shape_cast %mul3A_127 : vector<16xf32> to vector<1x16xf32>
        tpu.vector_store %arg11[%swap3A_128, %swap3A_129], %swap3A_132 {strides = array<i32>} : memref<128x32xf32, #tpu.memory_space<vmem>>, vector<1x16xf32>,
        %get3A_133 = arith.index_cast %add3A_119 : i32 to index
        %get3A_134 = arith.constant 16 : index
        %get3A_135 = tpu.vector_load %arg11[%get3A_133, %get3A_134] {strides = array<i32>} : memref<128x32xf32, #tpu.memory_space<vmem>>, vector<1x16xf32>,
        %get3A_136 = vector.shape_cast %get3A_135 : vector<1x16xf32> to vector<16xf32>
        %mul3A_137 = vector.broadcast %squeeze3A_121 : f32 to vector<16xf32>
        %mul3A_138 = arith.mulf %get3A_136, %mul3A_137 : vector<16xf32>
        %swap3A_139 = arith.index_cast %add3A_119 : i32 to index
        %swap3A_140 = arith.constant 16 : index
        %swap3A_141 = tpu.vector_load %arg11[%swap3A_139, %swap3A_140] {strides = array<i32>} : memref<128x32xf32, #tpu.memory_space<vmem>>, vector<1x16xf32>,
        %swap3A_142 = vector.shape_cast %swap3A_141 : vector<1x16xf32> to vector<16xf32>
        %swap3A_143 = vector.shape_cast %mul3A_138 : vector<16xf32> to vector<1x16xf32>
        tpu.vector_store %arg11[%swap3A_139, %swap3A_140], %swap3A_143 {strides = array<i32>} : memref<128x32xf32, #tpu.memory_space<vmem>>, vector<1x16xf32>,
        %mul3A_144 = arith.constant 16 : i32
        %mul3A_145 = arith.muli %scan3A_29, %mul3A_144 : i32
        %add3A_146 = arith.constant 4 : i32
        %add3A_147 = arith.addi %mul3A_145, %add3A_146 : i32
        %slice3A_148 = vector.extract_strided_slice %get3A_34 {offsets = [4], sizes = [1], strides = [1]} : vector<16xf32> to vector<1xf32>
        %squeeze3A_149 = vector.extract %slice3A_148[0] : f32 from vector<1xf32>
        %get3A_150 = arith.index_cast %add3A_147 : i32 to index
        %get3A_151 = arith.constant 0 : index
        %get3A_152 = tpu.vector_load %arg11[%get3A_150, %get3A_151] {strides = array<i32>} : memref<128x32xf32, #tpu.memory_space<vmem>>, vector<1x16xf32>,
        %get3A_153 = vector.shape_cast %get3A_152 : vector<1x16xf32> to vector<16xf32>
        %mul3A_154 = vector.broadcast %squeeze3A_149 : f32 to vector<16xf32>
        %mul3A_155 = arith.mulf %get3A_153, %mul3A_154 : vector<16xf32>
        %swap3A_156 = arith.index_cast %add3A_147 : i32 to index
        %swap3A_157 = arith.constant 0 : index
        %swap3A_158 = tpu.vector_load %arg11[%swap3A_156, %swap3A_157] {strides = array<i32>} : memref<128x32xf32, #tpu.memory_space<vmem>>, vector<1x16xf32>,
        %swap3A_159 = vector.shape_cast %swap3A_158 : vector<1x16xf32> to vector<16xf32>
        %swap3A_160 = vector.shape_cast %mul3A_155 : vector<16xf32> to vector<1x16xf32>
        tpu.vector_store %arg11[%swap3A_156, %swap3A_157], %swap3A_160 {strides = array<i32>} : memref<128x32xf32, #tpu.memory_space<vmem>>, vector<1x16xf32>,
        %get3A_161 = arith.index_cast %add3A_147 : i32 to index
        %get3A_162 = arith.constant 16 : index
        %get3A_163 = tpu.vector_load %arg11[%get3A_161, %get3A_162] {strides = array<i32>} : memref<128x32xf32, #tpu.memory_space<vmem>>, vector<1x16xf32>,
        %get3A_164 = vector.shape_cast %get3A_163 : vector<1x16xf32> to vector<16xf32>
        %mul3A_165 = vector.broadcast %squeeze3A_149 : f32 to vector<16xf32>
        %mul3A_166 = arith.mulf %get3A_164, %mul3A_165 : vector<16xf32>
        %swap3A_167 = arith.index_cast %add3A_147 : i32 to index
        %swap3A_168 = arith.constant 16 : index
        %swap3A_169 = tpu.vector_load %arg11[%swap3A_167, %swap3A_168] {strides = array<i32>} : memref<128x32xf32, #tpu.memory_space<vmem>>, vector<1x16xf32>,
        %swap3A_170 = vector.shape_cast %swap3A_169 : vector<1x16xf32> to vector<16xf32>
        %swap3A_171 = vector.shape_cast %mul3A_166 : vector<16xf32> to vector<1x16xf32>
        tpu.vector_store %arg11[%swap3A_167, %swap3A_168], %swap3A_171 {strides = array<i32>} : memref<128x32xf32, #tpu.memory_space<vmem>>, vector<1x16xf32>,
        %mul3A_172 = arith.constant 16 : i32
        %mul3A_173 = arith.muli %scan3A_29, %mul3A_172 : i32
        %add3A_174 = arith.constant 5 : i32
        %add3A_175 = arith.addi %mul3A_173, %add3A_174 : i32
        %slice3A_176 = vector.extract_strided_slice %get3A_34 {offsets = [5], sizes = [1], strides = [1]} : vector<16xf32> to vector<1xf32>
        %squeeze3A_177 = vector.extract %slice3A_176[0] : f32 from vector<1xf32>
        %get3A_178 = arith.index_cast %add3A_175 : i32 to index
        %get3A_179 = arith.constant 0 : index
        %get3A_180 = tpu.vector_load %arg11[%get3A_178, %get3A_179] {strides = array<i32>} : memref<128x32xf32, #tpu.memory_space<vmem>>, vector<1x16xf32>,
        %get3A_181 = vector.shape_cast %get3A_180 : vector<1x16xf32> to vector<16xf32>
        %mul3A_182 = vector.broadcast %squeeze3A_177 : f32 to vector<16xf32>
        %mul3A_183 = arith.mulf %get3A_181, %mul3A_182 : vector<16xf32>
        %swap3A_184 = arith.index_cast %add3A_175 : i32 to index
        %swap3A_185 = arith.constant 0 : index
        %swap3A_186 = tpu.vector_load %arg11[%swap3A_184, %swap3A_185] {strides = array<i32>} : memref<128x32xf32, #tpu.memory_space<vmem>>, vector<1x16xf32>,
        %swap3A_187 = vector.shape_cast %swap3A_186 : vector<1x16xf32> to vector<16xf32>
        %swap3A_188 = vector.shape_cast %mul3A_183 : vector<16xf32> to vector<1x16xf32>
        tpu.vector_store %arg11[%swap3A_184, %swap3A_185], %swap3A_188 {strides = array<i32>} : memref<128x32xf32, #tpu.memory_space<vmem>>, vector<1x16xf32>,
        %get3A_189 = arith.index_cast %add3A_175 : i32 to index
        %get3A_190 = arith.constant 16 : index
        %get3A_191 = tpu.vector_load %arg11[%get3A_189, %get3A_190] {strides = array<i32>} : memref<128x32xf32, #tpu.memory_space<vmem>>, vector<1x16xf32>,
        %get3A_192 = vector.shape_cast %get3A_191 : vector<1x16xf32> to vector<16xf32>
        %mul3A_193 = vector.broadcast %squeeze3A_177 : f32 to vector<16xf32>
        %mul3A_194 = arith.mulf %get3A_192, %mul3A_193 : vector<16xf32>
        %swap3A_195 = arith.index_cast %add3A_175 : i32 to index
        %swap3A_196 = arith.constant 16 : index
        %swap3A_197 = tpu.vector_load %arg11[%swap3A_195, %swap3A_196] {strides = array<i32>} : memref<128x32xf32, #tpu.memory_space<vmem>>, vector<1x16xf32>,
        %swap3A_198 = vector.shape_cast %swap3A_197 : vector<1x16xf32> to vector<16xf32>
        %swap3A_199 = vector.shape_cast %mul3A_194 : vector<16xf32> to vector<1x16xf32>
        tpu.vector_store %arg11[%swap3A_195, %swap3A_196], %swap3A_199 {strides = array<i32>} : memref<128x32xf32, #tpu.memory_space<vmem>>, vector<1x16xf32>,
        %mul3A_200 = arith.constant 16 : i32
        %mul3A_201 = arith.muli %scan3A_29, %mul3A_200 : i32
        %add3A_202 = arith.constant 6 : i32
        %add3A_203 = arith.addi %mul3A_201, %add3A_202 : i32
        %slice3A_204 = vector.extract_strided_slice %get3A_34 {offsets = [6], sizes = [1], strides = [1]} : vector<16xf32> to vector<1xf32>
        %squeeze3A_205 = vector.extract %slice3A_204[0] : f32 from vector<1xf32>
        %get3A_206 = arith.index_cast %add3A_203 : i32 to index
        %get3A_207 = arith.constant 0 : index
        %get3A_208 = tpu.vector_load %arg11[%get3A_206, %get3A_207] {strides = array<i32>} : memref<128x32xf32, #tpu.memory_space<vmem>>, vector<1x16xf32>,
        %get3A_209 = vector.shape_cast %get3A_208 : vector<1x16xf32> to vector<16xf32>
        %mul3A_210 = vector.broadcast %squeeze3A_205 : f32 to vector<16xf32>
        %mul3A_211 = arith.mulf %get3A_209, %mul3A_210 : vector<16xf32>
        %swap3A_212 = arith.index_cast %add3A_203 : i32 to index
        %swap3A_213 = arith.constant 0 : index
        %swap3A_214 = tpu.vector_load %arg11[%swap3A_212, %swap3A_213] {strides = array<i32>} : memref<128x32xf32, #tpu.memory_space<vmem>>, vector<1x16xf32>,
        %swap3A_215 = vector.shape_cast %swap3A_214 : vector<1x16xf32> to vector<16xf32>
        %swap3A_216 = vector.shape_cast %mul3A_211 : vector<16xf32> to vector<1x16xf32>
        tpu.vector_store %arg11[%swap3A_212, %swap3A_213], %swap3A_216 {strides = array<i32>} : memref<128x32xf32, #tpu.memory_space<vmem>>, vector<1x16xf32>,
        %get3A_217 = arith.index_cast %add3A_203 : i32 to index
        %get3A_218 = arith.constant 16 : index
        %get3A_219 = tpu.vector_load %arg11[%get3A_217, %get3A_218] {strides = array<i32>} : memref<128x32xf32, #tpu.memory_space<vmem>>, vector<1x16xf32>,
        %get3A_220 = vector.shape_cast %get3A_219 : vector<1x16xf32> to vector<16xf32>
        %mul3A_221 = vector.broadcast %squeeze3A_205 : f32 to vector<16xf32>
        %mul3A_222 = arith.mulf %get3A_220, %mul3A_221 : vector<16xf32>
        %swap3A_223 = arith.index_cast %add3A_203 : i32 to index
        %swap3A_224 = arith.constant 16 : index
        %swap3A_225 = tpu.vector_load %arg11[%swap3A_223, %swap3A_224] {strides = array<i32>} : memref<128x32xf32, #tpu.memory_space<vmem>>, vector<1x16xf32>,
        %swap3A_226 = vector.shape_cast %swap3A_225 : vector<1x16xf32> to vector<16xf32>
        %swap3A_227 = vector.shape_cast %mul3A_222 : vector<16xf32> to vector<1x16xf32>
        tpu.vector_store %arg11[%swap3A_223, %swap3A_224], %swap3A_227 {strides = array<i32>} : memref<128x32xf32, #tpu.memory_space<vmem>>, vector<1x16xf32>,
        %mul3A_228 = arith.constant 16 : i32
        %mul3A_229 = arith.muli %scan3A_29, %mul3A_228 : i32
        %add3A_230 = arith.constant 7 : i32
        %add3A_231 = arith.addi %mul3A_229, %add3A_230 : i32
        %slice3A_232 = vector.extract_strided_slice %get3A_34 {offsets = [7], sizes = [1], strides = [1]} : vector<16xf32> to vector<1xf32>
        %squeeze3A_233 = vector.extract %slice3A_232[0] : f32 from vector<1xf32>
        %get3A_234 = arith.index_cast %add3A_231 : i32 to index
        %get3A_235 = arith.constant 0 : index
        %get3A_236 = tpu.vector_load %arg11[%get3A_234, %get3A_235] {strides = array<i32>} : memref<128x32xf32, #tpu.memory_space<vmem>>, vector<1x16xf32>,
        %get3A_237 = vector.shape_cast %get3A_236 : vector<1x16xf32> to vector<16xf32>
        %mul3A_238 = vector.broadcast %squeeze3A_233 : f32 to vector<16xf32>
        %mul3A_239 = arith.mulf %get3A_237, %mul3A_238 : vector<16xf32>
        %swap3A_240 = arith.index_cast %add3A_231 : i32 to index
        %swap3A_241 = arith.constant 0 : index
        %swap3A_242 = tpu.vector_load %arg11[%swap3A_240, %swap3A_241] {strides = array<i32>} : memref<128x32xf32, #tpu.memory_space<vmem>>, vector<1x16xf32>,
        %swap3A_243 = vector.shape_cast %swap3A_242 : vector<1x16xf32> to vector<16xf32>
        %swap3A_244 = vector.shape_cast %mul3A_239 : vector<16xf32> to vector<1x16xf32>
        tpu.vector_store %arg11[%swap3A_240, %swap3A_241], %swap3A_244 {strides = array<i32>} : memref<128x32xf32, #tpu.memory_space<vmem>>, vector<1x16xf32>,
        %get3A_245 = arith.index_cast %add3A_231 : i32 to index
        %get3A_246 = arith.constant 16 : index
        %get3A_247 = tpu.vector_load %arg11[%get3A_245, %get3A_246] {strides = array<i32>} : memref<128x32xf32, #tpu.memory_space<vmem>>, vector<1x16xf32>,
        %get3A_248 = vector.shape_cast %get3A_247 : vector<1x16xf32> to vector<16xf32>
        %mul3A_249 = vector.broadcast %squeeze3A_233 : f32 to vector<16xf32>
        %mul3A_250 = arith.mulf %get3A_248, %mul3A_249 : vector<16xf32>
        %swap3A_251 = arith.index_cast %add3A_231 : i32 to index
        %swap3A_252 = arith.constant 16 : index
        %swap3A_253 = tpu.vector_load %arg11[%swap3A_251, %swap3A_252] {strides = array<i32>} : memref<128x32xf32, #tpu.memory_space<vmem>>, vector<1x16xf32>,
        %swap3A_254 = vector.shape_cast %swap3A_253 : vector<1x16xf32> to vector<16xf32>
        %swap3A_255 = vector.shape_cast %mul3A_250 : vector<16xf32> to vector<1x16xf32>
        tpu.vector_store %arg11[%swap3A_251, %swap3A_252], %swap3A_255 {strides = array<i32>} : memref<128x32xf32, #tpu.memory_space<vmem>>, vector<1x16xf32>,
        %mul3A_256 = arith.constant 16 : i32
        %mul3A_257 = arith.muli %scan3A_29, %mul3A_256 : i32
        %add3A_258 = arith.constant 8 : i32
        %add3A_259 = arith.addi %mul3A_257, %add3A_258 : i32
        %slice3A_260 = vector.extract_strided_slice %get3A_34 {offsets = [8], sizes = [1], strides = [1]} : vector<16xf32> to vector<1xf32>
        %squeeze3A_261 = vector.extract %slice3A_260[0] : f32 from vector<1xf32>
        %get3A_262 = arith.index_cast %add3A_259 : i32 to index
        %get3A_263 = arith.constant 0 : index
        %get3A_264 = tpu.vector_load %arg11[%get3A_262, %get3A_263] {strides = array<i32>} : memref<128x32xf32, #tpu.memory_space<vmem>>, vector<1x16xf32>,
        %get3A_265 = vector.shape_cast %get3A_264 : vector<1x16xf32> to vector<16xf32>
        %mul3A_266 = vector.broadcast %squeeze3A_261 : f32 to vector<16xf32>
        %mul3A_267 = arith.mulf %get3A_265, %mul3A_266 : vector<16xf32>
        %swap3A_268 = arith.index_cast %add3A_259 : i32 to index
        %swap3A_269 = arith.constant 0 : index
        %swap3A_270 = tpu.vector_load %arg11[%swap3A_268, %swap3A_269] {strides = array<i32>} : memref<128x32xf32, #tpu.memory_space<vmem>>, vector<1x16xf32>,
        %swap3A_271 = vector.shape_cast %swap3A_270 : vector<1x16xf32> to vector<16xf32>
        %swap3A_272 = vector.shape_cast %mul3A_267 : vector<16xf32> to vector<1x16xf32>
        tpu.vector_store %arg11[%swap3A_268, %swap3A_269], %swap3A_272 {strides = array<i32>} : memref<128x32xf32, #tpu.memory_space<vmem>>, vector<1x16xf32>,
        %get3A_273 = arith.index_cast %add3A_259 : i32 to index
        %get3A_274 = arith.constant 16 : index
        %get3A_275 = tpu.vector_load %arg11[%get3A_273, %get3A_274] {strides = array<i32>} : memref<128x32xf32, #tpu.memory_space<vmem>>, vector<1x16xf32>,
        %get3A_276 = vector.shape_cast %get3A_275 : vector<1x16xf32> to vector<16xf32>
        %mul3A_277 = vector.broadcast %squeeze3A_261 : f32 to vector<16xf32>
        %mul3A_278 = arith.mulf %get3A_276, %mul3A_277 : vector<16xf32>
        %swap3A_279 = arith.index_cast %add3A_259 : i32 to index
        %swap3A_280 = arith.constant 16 : index
        %swap3A_281 = tpu.vector_load %arg11[%swap3A_279, %swap3A_280] {strides = array<i32>} : memref<128x32xf32, #tpu.memory_space<vmem>>, vector<1x16xf32>,
        %swap3A_282 = vector.shape_cast %swap3A_281 : vector<1x16xf32> to vector<16xf32>
        %swap3A_283 = vector.shape_cast %mul3A_278 : vector<16xf32> to vector<1x16xf32>
        tpu.vector_store %arg11[%swap3A_279, %swap3A_280], %swap3A_283 {strides = array<i32>} : memref<128x32xf32, #tpu.memory_space<vmem>>, vector<1x16xf32>,
        %mul3A_284 = arith.constant 16 : i32
        %mul3A_285 = arith.muli %scan3A_29, %mul3A_284 : i32
        %add3A_286 = arith.constant 9 : i32
        %add3A_287 = arith.addi %mul3A_285, %add3A_286 : i32
        %slice3A_288 = vector.extract_strided_slice %get3A_34 {offsets = [9], sizes = [1], strides = [1]} : vector<16xf32> to vector<1xf32>
        %squeeze3A_289 = vector.extract %slice3A_288[0] : f32 from vector<1xf32>
        %get3A_290 = arith.index_cast %add3A_287 : i32 to index
        %get3A_291 = arith.constant 0 : index
        %get3A_292 = tpu.vector_load %arg11[%get3A_290, %get3A_291] {strides = array<i32>} : memref<128x32xf32, #tpu.memory_space<vmem>>, vector<1x16xf32>,
        %get3A_293 = vector.shape_cast %get3A_292 : vector<1x16xf32> to vector<16xf32>
        %mul3A_294 = vector.broadcast %squeeze3A_289 : f32 to vector<16xf32>
        %mul3A_295 = arith.mulf %get3A_293, %mul3A_294 : vector<16xf32>
        %swap3A_296 = arith.index_cast %add3A_287 : i32 to index
        %swap3A_297 = arith.constant 0 : index
        %swap3A_298 = tpu.vector_load %arg11[%swap3A_296, %swap3A_297] {strides = array<i32>} : memref<128x32xf32, #tpu.memory_space<vmem>>, vector<1x16xf32>,
        %swap3A_299 = vector.shape_cast %swap3A_298 : vector<1x16xf32> to vector<16xf32>
        %swap3A_300 = vector.shape_cast %mul3A_295 : vector<16xf32> to vector<1x16xf32>
        tpu.vector_store %arg11[%swap3A_296, %swap3A_297], %swap3A_300 {strides = array<i32>} : memref<128x32xf32, #tpu.memory_space<vmem>>, vector<1x16xf32>,
        %get3A_301 = arith.index_cast %add3A_287 : i32 to index
        %get3A_302 = arith.constant 16 : index
        %get3A_303 = tpu.vector_load %arg11[%get3A_301, %get3A_302] {strides = array<i32>} : memref<128x32xf32, #tpu.memory_space<vmem>>, vector<1x16xf32>,
        %get3A_304 = vector.shape_cast %get3A_303 : vector<1x16xf32> to vector<16xf32>
        %mul3A_305 = vector.broadcast %squeeze3A_289 : f32 to vector<16xf32>
        %mul3A_306 = arith.mulf %get3A_304, %mul3A_305 : vector<16xf32>
        %swap3A_307 = arith.index_cast %add3A_287 : i32 to index
        %swap3A_308 = arith.constant 16 : index
        %swap3A_309 = tpu.vector_load %arg11[%swap3A_307, %swap3A_308] {strides = array<i32>} : memref<128x32xf32, #tpu.memory_space<vmem>>, vector<1x16xf32>,
        %swap3A_310 = vector.shape_cast %swap3A_309 : vector<1x16xf32> to vector<16xf32>
        %swap3A_311 = vector.shape_cast %mul3A_306 : vector<16xf32> to vector<1x16xf32>
        tpu.vector_store %arg11[%swap3A_307, %swap3A_308], %swap3A_311 {strides = array<i32>} : memref<128x32xf32, #tpu.memory_space<vmem>>, vector<1x16xf32>,
        %mul3A_312 = arith.constant 16 : i32
        %mul3A_313 = arith.muli %scan3A_29, %mul3A_312 : i32
        %add3A_314 = arith.constant 10 : i32
        %add3A_315 = arith.addi %mul3A_313, %add3A_314 : i32
        %slice3A_316 = vector.extract_strided_slice %get3A_34 {offsets = [10], sizes = [1], strides = [1]} : vector<16xf32> to vector<1xf32>
        %squeeze3A_317 = vector.extract %slice3A_316[0] : f32 from vector<1xf32>
        %get3A_318 = arith.index_cast %add3A_315 : i32 to index
        %get3A_319 = arith.constant 0 : index
        %get3A_320 = tpu.vector_load %arg11[%get3A_318, %get3A_319] {strides = array<i32>} : memref<128x32xf32, #tpu.memory_space<vmem>>, vector<1x16xf32>,
        %get3A_321 = vector.shape_cast %get3A_320 : vector<1x16xf32> to vector<16xf32>
        %mul3A_322 = vector.broadcast %squeeze3A_317 : f32 to vector<16xf32>
        %mul3A_323 = arith.mulf %get3A_321, %mul3A_322 : vector<16xf32>
        %swap3A_324 = arith.index_cast %add3A_315 : i32 to index
        %swap3A_325 = arith.constant 0 : index
        %swap3A_326 = tpu.vector_load %arg11[%swap3A_324, %swap3A_325] {strides = array<i32>} : memref<128x32xf32, #tpu.memory_space<vmem>>, vector<1x16xf32>,
        %swap3A_327 = vector.shape_cast %swap3A_326 : vector<1x16xf32> to vector<16xf32>
        %swap3A_328 = vector.shape_cast %mul3A_323 : vector<16xf32> to vector<1x16xf32>
        tpu.vector_store %arg11[%swap3A_324, %swap3A_325], %swap3A_328 {strides = array<i32>} : memref<128x32xf32, #tpu.memory_space<vmem>>, vector<1x16xf32>,
        %get3A_329 = arith.index_cast %add3A_315 : i32 to index
        %get3A_330 = arith.constant 16 : index
        %get3A_331 = tpu.vector_load %arg11[%get3A_329, %get3A_330] {strides = array<i32>} : memref<128x32xf32, #tpu.memory_space<vmem>>, vector<1x16xf32>,
        %get3A_332 = vector.shape_cast %get3A_331 : vector<1x16xf32> to vector<16xf32>
        %mul3A_333 = vector.broadcast %squeeze3A_317 : f32 to vector<16xf32>
        %mul3A_334 = arith.mulf %get3A_332, %mul3A_333 : vector<16xf32>
        %swap3A_335 = arith.index_cast %add3A_315 : i32 to index
        %swap3A_336 = arith.constant 16 : index
        %swap3A_337 = tpu.vector_load %arg11[%swap3A_335, %swap3A_336] {strides = array<i32>} : memref<128x32xf32, #tpu.memory_space<vmem>>, vector<1x16xf32>,
        %swap3A_338 = vector.shape_cast %swap3A_337 : vector<1x16xf32> to vector<16xf32>
        %swap3A_339 = vector.shape_cast %mul3A_334 : vector<16xf32> to vector<1x16xf32>
        tpu.vector_store %arg11[%swap3A_335, %swap3A_336], %swap3A_339 {strides = array<i32>} : memref<128x32xf32, #tpu.memory_space<vmem>>, vector<1x16xf32>,
        %mul3A_340 = arith.constant 16 : i32
        %mul3A_341 = arith.muli %scan3A_29, %mul3A_340 : i32
        %add3A_342 = arith.constant 11 : i32
        %add3A_343 = arith.addi %mul3A_341, %add3A_342 : i32
        %slice3A_344 = vector.extract_strided_slice %get3A_34 {offsets = [11], sizes = [1], strides = [1]} : vector<16xf32> to vector<1xf32>
        %squeeze3A_345 = vector.extract %slice3A_344[0] : f32 from vector<1xf32>
        %get3A_346 = arith.index_cast %add3A_343 : i32 to index
        %get3A_347 = arith.constant 0 : index
        %get3A_348 = tpu.vector_load %arg11[%get3A_346, %get3A_347] {strides = array<i32>} : memref<128x32xf32, #tpu.memory_space<vmem>>, vector<1x16xf32>,
        %get3A_349 = vector.shape_cast %get3A_348 : vector<1x16xf32> to vector<16xf32>
        %mul3A_350 = vector.broadcast %squeeze3A_345 : f32 to vector<16xf32>
        %mul3A_351 = arith.mulf %get3A_349, %mul3A_350 : vector<16xf32>
        %swap3A_352 = arith.index_cast %add3A_343 : i32 to index
        %swap3A_353 = arith.constant 0 : index
        %swap3A_354 = tpu.vector_load %arg11[%swap3A_352, %swap3A_353] {strides = array<i32>} : memref<128x32xf32, #tpu.memory_space<vmem>>, vector<1x16xf32>,
        %swap3A_355 = vector.shape_cast %swap3A_354 : vector<1x16xf32> to vector<16xf32>
        %swap3A_356 = vector.shape_cast %mul3A_351 : vector<16xf32> to vector<1x16xf32>
        tpu.vector_store %arg11[%swap3A_352, %swap3A_353], %swap3A_356 {strides = array<i32>} : memref<128x32xf32, #tpu.memory_space<vmem>>, vector<1x16xf32>,
        %get3A_357 = arith.index_cast %add3A_343 : i32 to index
        %get3A_358 = arith.constant 16 : index
        %get3A_359 = tpu.vector_load %arg11[%get3A_357, %get3A_358] {strides = array<i32>} : memref<128x32xf32, #tpu.memory_space<vmem>>, vector<1x16xf32>,
        %get3A_360 = vector.shape_cast %get3A_359 : vector<1x16xf32> to vector<16xf32>
        %mul3A_361 = vector.broadcast %squeeze3A_345 : f32 to vector<16xf32>
        %mul3A_362 = arith.mulf %get3A_360, %mul3A_361 : vector<16xf32>
        %swap3A_363 = arith.index_cast %add3A_343 : i32 to index
        %swap3A_364 = arith.constant 16 : index
        %swap3A_365 = tpu.vector_load %arg11[%swap3A_363, %swap3A_364] {strides = array<i32>} : memref<128x32xf32, #tpu.memory_space<vmem>>, vector<1x16xf32>,
        %swap3A_366 = vector.shape_cast %swap3A_365 : vector<1x16xf32> to vector<16xf32>
        %swap3A_367 = vector.shape_cast %mul3A_362 : vector<16xf32> to vector<1x16xf32>
        tpu.vector_store %arg11[%swap3A_363, %swap3A_364], %swap3A_367 {strides = array<i32>} : memref<128x32xf32, #tpu.memory_space<vmem>>, vector<1x16xf32>,
        %mul3A_368 = arith.constant 16 : i32
        %mul3A_369 = arith.muli %scan3A_29, %mul3A_368 : i32
        %add3A_370 = arith.constant 12 : i32
        %add3A_371 = arith.addi %mul3A_369, %add3A_370 : i32
        %slice3A_372 = vector.extract_strided_slice %get3A_34 {offsets = [12], sizes = [1], strides = [1]} : vector<16xf32> to vector<1xf32>
        %squeeze3A_373 = vector.extract %slice3A_372[0] : f32 from vector<1xf32>
        %get3A_374 = arith.index_cast %add3A_371 : i32 to index
        %get3A_375 = arith.constant 0 : index
        %get3A_376 = tpu.vector_load %arg11[%get3A_374, %get3A_375] {strides = array<i32>} : memref<128x32xf32, #tpu.memory_space<vmem>>, vector<1x16xf32>,
        %get3A_377 = vector.shape_cast %get3A_376 : vector<1x16xf32> to vector<16xf32>
        %mul3A_378 = vector.broadcast %squeeze3A_373 : f32 to vector<16xf32>
        %mul3A_379 = arith.mulf %get3A_377, %mul3A_378 : vector<16xf32>
        %swap3A_380 = arith.index_cast %add3A_371 : i32 to index
        %swap3A_381 = arith.constant 0 : index
        %swap3A_382 = tpu.vector_load %arg11[%swap3A_380, %swap3A_381] {strides = array<i32>} : memref<128x32xf32, #tpu.memory_space<vmem>>, vector<1x16xf32>,
        %swap3A_383 = vector.shape_cast %swap3A_382 : vector<1x16xf32> to vector<16xf32>
        %swap3A_384 = vector.shape_cast %mul3A_379 : vector<16xf32> to vector<1x16xf32>
        tpu.vector_store %arg11[%swap3A_380, %swap3A_381], %swap3A_384 {strides = array<i32>} : memref<128x32xf32, #tpu.memory_space<vmem>>, vector<1x16xf32>,
        %get3A_385 = arith.index_cast %add3A_371 : i32 to index
        %get3A_386 = arith.constant 16 : index
        %get3A_387 = tpu.vector_load %arg11[%get3A_385, %get3A_386] {strides = array<i32>} : memref<128x32xf32, #tpu.memory_space<vmem>>, vector<1x16xf32>,
        %get3A_388 = vector.shape_cast %get3A_387 : vector<1x16xf32> to vector<16xf32>
        %mul3A_389 = vector.broadcast %squeeze3A_373 : f32 to vector<16xf32>
        %mul3A_390 = arith.mulf %get3A_388, %mul3A_389 : vector<16xf32>
        %swap3A_391 = arith.index_cast %add3A_371 : i32 to index
        %swap3A_392 = arith.constant 16 : index
        %swap3A_393 = tpu.vector_load %arg11[%swap3A_391, %swap3A_392] {strides = array<i32>} : memref<128x32xf32, #tpu.memory_space<vmem>>, vector<1x16xf32>,
        %swap3A_394 = vector.shape_cast %swap3A_393 : vector<1x16xf32> to vector<16xf32>
        %swap3A_395 = vector.shape_cast %mul3A_390 : vector<16xf32> to vector<1x16xf32>
        tpu.vector_store %arg11[%swap3A_391, %swap3A_392], %swap3A_395 {strides = array<i32>} : memref<128x32xf32, #tpu.memory_space<vmem>>, vector<1x16xf32>,
        %mul3A_396 = arith.constant 16 : i32
        %mul3A_397 = arith.muli %scan3A_29, %mul3A_396 : i32
        %add3A_398 = arith.constant 13 : i32
        %add3A_399 = arith.addi %mul3A_397, %add3A_398 : i32
        %slice3A_400 = vector.extract_strided_slice %get3A_34 {offsets = [13], sizes = [1], strides = [1]} : vector<16xf32> to vector<1xf32>
        %squeeze3A_401 = vector.extract %slice3A_400[0] : f32 from vector<1xf32>
        %get3A_402 = arith.index_cast %add3A_399 : i32 to index
        %get3A_403 = arith.constant 0 : index
        %get3A_404 = tpu.vector_load %arg11[%get3A_402, %get3A_403] {strides = array<i32>} : memref<128x32xf32, #tpu.memory_space<vmem>>, vector<1x16xf32>,
        %get3A_405 = vector.shape_cast %get3A_404 : vector<1x16xf32> to vector<16xf32>
        %mul3A_406 = vector.broadcast %squeeze3A_401 : f32 to vector<16xf32>
        %mul3A_407 = arith.mulf %get3A_405, %mul3A_406 : vector<16xf32>
        %swap3A_408 = arith.index_cast %add3A_399 : i32 to index
        %swap3A_409 = arith.constant 0 : index
        %swap3A_410 = tpu.vector_load %arg11[%swap3A_408, %swap3A_409] {strides = array<i32>} : memref<128x32xf32, #tpu.memory_space<vmem>>, vector<1x16xf32>,
        %swap3A_411 = vector.shape_cast %swap3A_410 : vector<1x16xf32> to vector<16xf32>
        %swap3A_412 = vector.shape_cast %mul3A_407 : vector<16xf32> to vector<1x16xf32>
        tpu.vector_store %arg11[%swap3A_408, %swap3A_409], %swap3A_412 {strides = array<i32>} : memref<128x32xf32, #tpu.memory_space<vmem>>, vector<1x16xf32>,
        %get3A_413 = arith.index_cast %add3A_399 : i32 to index
        %get3A_414 = arith.constant 16 : index
        %get3A_415 = tpu.vector_load %arg11[%get3A_413, %get3A_414] {strides = array<i32>} : memref<128x32xf32, #tpu.memory_space<vmem>>, vector<1x16xf32>,
        %get3A_416 = vector.shape_cast %get3A_415 : vector<1x16xf32> to vector<16xf32>
        %mul3A_417 = vector.broadcast %squeeze3A_401 : f32 to vector<16xf32>
        %mul3A_418 = arith.mulf %get3A_416, %mul3A_417 : vector<16xf32>
        %swap3A_419 = arith.index_cast %add3A_399 : i32 to index
        %swap3A_420 = arith.constant 16 : index
        %swap3A_421 = tpu.vector_load %arg11[%swap3A_419, %swap3A_420] {strides = array<i32>} : memref<128x32xf32, #tpu.memory_space<vmem>>, vector<1x16xf32>,
        %swap3A_422 = vector.shape_cast %swap3A_421 : vector<1x16xf32> to vector<16xf32>
        %swap3A_423 = vector.shape_cast %mul3A_418 : vector<16xf32> to vector<1x16xf32>
        tpu.vector_store %arg11[%swap3A_419, %swap3A_420], %swap3A_423 {strides = array<i32>} : memref<128x32xf32, #tpu.memory_space<vmem>>, vector<1x16xf32>,
        %mul3A_424 = arith.constant 16 : i32
        %mul3A_425 = arith.muli %scan3A_29, %mul3A_424 : i32
        %add3A_426 = arith.constant 14 : i32
        %add3A_427 = arith.addi %mul3A_425, %add3A_426 : i32
        %slice3A_428 = vector.extract_strided_slice %get3A_34 {offsets = [14], sizes = [1], strides = [1]} : vector<16xf32> to vector<1xf32>
        %squeeze3A_429 = vector.extract %slice3A_428[0] : f32 from vector<1xf32>
        %get3A_430 = arith.index_cast %add3A_427 : i32 to index
        %get3A_431 = arith.constant 0 : index
        %get3A_432 = tpu.vector_load %arg11[%get3A_430, %get3A_431] {strides = array<i32>} : memref<128x32xf32, #tpu.memory_space<vmem>>, vector<1x16xf32>,
        %get3A_433 = vector.shape_cast %get3A_432 : vector<1x16xf32> to vector<16xf32>
        %mul3A_434 = vector.broadcast %squeeze3A_429 : f32 to vector<16xf32>
        %mul3A_435 = arith.mulf %get3A_433, %mul3A_434 : vector<16xf32>
        %swap3A_436 = arith.index_cast %add3A_427 : i32 to index
        %swap3A_437 = arith.constant 0 : index
        %swap3A_438 = tpu.vector_load %arg11[%swap3A_436, %swap3A_437] {strides = array<i32>} : memref<128x32xf32, #tpu.memory_space<vmem>>, vector<1x16xf32>,
        %swap3A_439 = vector.shape_cast %swap3A_438 : vector<1x16xf32> to vector<16xf32>
        %swap3A_440 = vector.shape_cast %mul3A_435 : vector<16xf32> to vector<1x16xf32>
        tpu.vector_store %arg11[%swap3A_436, %swap3A_437], %swap3A_440 {strides = array<i32>} : memref<128x32xf32, #tpu.memory_space<vmem>>, vector<1x16xf32>,
        %get3A_441 = arith.index_cast %add3A_427 : i32 to index
        %get3A_442 = arith.constant 16 : index
        %get3A_443 = tpu.vector_load %arg11[%get3A_441, %get3A_442] {strides = array<i32>} : memref<128x32xf32, #tpu.memory_space<vmem>>, vector<1x16xf32>,
        %get3A_444 = vector.shape_cast %get3A_443 : vector<1x16xf32> to vector<16xf32>
        %mul3A_445 = vector.broadcast %squeeze3A_429 : f32 to vector<16xf32>
        %mul3A_446 = arith.mulf %get3A_444, %mul3A_445 : vector<16xf32>
        %swap3A_447 = arith.index_cast %add3A_427 : i32 to index
        %swap3A_448 = arith.constant 16 : index
        %swap3A_449 = tpu.vector_load %arg11[%swap3A_447, %swap3A_448] {strides = array<i32>} : memref<128x32xf32, #tpu.memory_space<vmem>>, vector<1x16xf32>,
        %swap3A_450 = vector.shape_cast %swap3A_449 : vector<1x16xf32> to vector<16xf32>
        %swap3A_451 = vector.shape_cast %mul3A_446 : vector<16xf32> to vector<1x16xf32>
        tpu.vector_store %arg11[%swap3A_447, %swap3A_448], %swap3A_451 {strides = array<i32>} : memref<128x32xf32, #tpu.memory_space<vmem>>, vector<1x16xf32>,
        %mul3A_452 = arith.constant 16 : i32
        %mul3A_453 = arith.muli %scan3A_29, %mul3A_452 : i32
        %add3A_454 = arith.constant 15 : i32
        %add3A_455 = arith.addi %mul3A_453, %add3A_454 : i32
        %slice3A_456 = vector.extract_strided_slice %get3A_34 {offsets = [15], sizes = [1], strides = [1]} : vector<16xf32> to vector<1xf32>
        %squeeze3A_457 = vector.extract %slice3A_456[0] : f32 from vector<1xf32>
        %get3A_458 = arith.index_cast %add3A_455 : i32 to index
        %get3A_459 = arith.constant 0 : index
        %get3A_460 = tpu.vector_load %arg11[%get3A_458, %get3A_459] {strides = array<i32>} : memref<128x32xf32, #tpu.memory_space<vmem>>, vector<1x16xf32>,
        %get3A_461 = vector.shape_cast %get3A_460 : vector<1x16xf32> to vector<16xf32>
        %mul3A_462 = vector.broadcast %squeeze3A_457 : f32 to vector<16xf32>
        %mul3A_463 = arith.mulf %get3A_461, %mul3A_462 : vector<16xf32>
        %swap3A_464 = arith.index_cast %add3A_455 : i32 to index
        %swap3A_465 = arith.constant 0 : index
        %swap3A_466 = tpu.vector_load %arg11[%swap3A_464, %swap3A_465] {strides = array<i32>} : memref<128x32xf32, #tpu.memory_space<vmem>>, vector<1x16xf32>,
        %swap3A_467 = vector.shape_cast %swap3A_466 : vector<1x16xf32> to vector<16xf32>
        %swap3A_468 = vector.shape_cast %mul3A_463 : vector<16xf32> to vector<1x16xf32>
        tpu.vector_store %arg11[%swap3A_464, %swap3A_465], %swap3A_468 {strides = array<i32>} : memref<128x32xf32, #tpu.memory_space<vmem>>, vector<1x16xf32>,
        %get3A_469 = arith.index_cast %add3A_455 : i32 to index
        %get3A_470 = arith.constant 16 : index
        %get3A_471 = tpu.vector_load %arg11[%get3A_469, %get3A_470] {strides = array<i32>} : memref<128x32xf32, #tpu.memory_space<vmem>>, vector<1x16xf32>,
        %get3A_472 = vector.shape_cast %get3A_471 : vector<1x16xf32> to vector<16xf32>
        %mul3A_473 = vector.broadcast %squeeze3A_457 : f32 to vector<16xf32>
        %mul3A_474 = arith.mulf %get3A_472, %mul3A_473 : vector<16xf32>
        %swap3A_475 = arith.index_cast %add3A_455 : i32 to index
        %swap3A_476 = arith.constant 16 : index
        %swap3A_477 = tpu.vector_load %arg11[%swap3A_475, %swap3A_476] {strides = array<i32>} : memref<128x32xf32, #tpu.memory_space<vmem>>, vector<1x16xf32>,
        %swap3A_478 = vector.shape_cast %swap3A_477 : vector<1x16xf32> to vector<16xf32>
        %swap3A_479 = vector.shape_cast %mul3A_474 : vector<16xf32> to vector<1x16xf32>
        tpu.vector_store %arg11[%swap3A_475, %swap3A_476], %swap3A_479 {strides = array<i32>} : memref<128x32xf32, #tpu.memory_space<vmem>>, vector<1x16xf32>,
      }
      %scan3A_28 = arith.constant 8 : i32
      "tpu.region"() ({
        %run_scoped3A = tpu.sem_alloc : memref<!tpu.dma_semaphore, #tpu.memory_space<semaphore_mem>>
        %dma_start3A = arith.constant 0 : i32
        %dma_start3A_29 = tpu.memref_slice %arg9[%scan3A_22, %dma_start3A] : memref<80x128xi32, #tpu.memory_space<vmem>> -> memref<1x128xi32, #tpu.memory_space<vmem>>
        %dma_start3A_30 = tpu.memref_squeeze %dma_start3A_29 : memref<1x128xi32, #tpu.memory_space<vmem>> -> memref<128xi32, #tpu.memory_space<vmem>>
        %dma_start3A_31 = arith.constant 0 : i32
        %dma_start3A_32 = arith.constant 0 : i32
        %dma_start3A_33 = tpu.memref_slice %arg7[%dma_start3A_31, %dma_start3A_32] : memref<10240x32xf32, #tpu.memory_space<vmem_shared>> -> memref<10240x32xf32, #tpu.memory_space<vmem_shared>>
        tpu.enqueue_indirect_dma source(%arg11 : memref<128x32xf32, #tpu.memory_space<vmem>>) target(%dma_start3A_33 : memref<10240x32xf32, #tpu.memory_space<vmem_shared>>) offsets(%dma_start3A_30 : memref<128xi32, #tpu.memory_space<vmem>>) semaphore(%run_scoped3A : memref<!tpu.dma_semaphore, #tpu.memory_space<semaphore_mem>>) {add = true}
        %dma_wait3A = arith.constant 0 : i32
        %dma_wait3A_34 = tpu.memref_slice %arg9[%scan3A_22, %dma_wait3A] : memref<80x128xi32, #tpu.memory_space<vmem>> -> memref<1x128xi32, #tpu.memory_space<vmem>>
        %dma_wait3A_35 = tpu.memref_squeeze %dma_wait3A_34 : memref<1x128xi32, #tpu.memory_space<vmem>> -> memref<128xi32, #tpu.memory_space<vmem>>
        %dma_wait3A_36 = arith.constant 0 : i32
        %dma_wait3A_37 = arith.constant 0 : i32
        %dma_wait3A_38 = tpu.memref_slice %arg7[%dma_wait3A_36, %dma_wait3A_37] : memref<10240x32xf32, #tpu.memory_space<vmem_shared>> -> memref<10240x32xf32, #tpu.memory_space<vmem_shared>>
        tpu.wait_indirect_dma semaphore(%run_scoped3A : memref<!tpu.dma_semaphore, #tpu.memory_space<semaphore_mem>>) src(%arg11 : memref<128x32xf32, #tpu.memory_space<vmem>>) dst(%dma_wait3A_38 : memref<10240x32xf32, #tpu.memory_space<vmem_shared>>)
        tpu.yield
      }) : () -> ()
    }
    %scan3A_16 = arith.constant 80 : i32
    %barrier3A_17 = arith.constant 0 : index
    tpu.barrier barrier_id(%barrier3A_17)
    %mul3A_18 = arith.constant 640 : i32
    %mul3A_19 = arith.muli %arg1, %mul3A_18 : i32
    %mul3A_20 = arith.constant 640 : i32
    %mul3A_21 = arith.muli %arg1, %mul3A_20 : i32
    "tpu.region"() ({
      %run_scoped3A = tpu.sem_alloc : memref<!tpu.dma_semaphore, #tpu.memory_space<semaphore_mem>>
      %dma_start3A = arith.constant 0 : i32
      %dma_start3A_22 = tpu.memref_slice %arg6[%arg0, %mul3A_21, %dma_start3A] : memref<2x10240x32xf32, #tpu.memory_space<hbm>> -> memref<1x640x32xf32, #tpu.memory_space<hbm>>
      %dma_start3A_23 = tpu.memref_squeeze %dma_start3A_22 : memref<1x640x32xf32, #tpu.memory_space<hbm>> -> memref<640x32xf32, #tpu.memory_space<hbm>>
      %dma_start3A_24 = arith.constant 0 : i32
      %dma_start3A_25 = tpu.memref_slice %arg7[%mul3A_19, %dma_start3A_24] : memref<10240x32xf32, #tpu.memory_space<vmem_shared>> -> memref<640x32xf32, #tpu.memory_space<vmem_shared>>
      tpu.enqueue_dma source(%dma_start3A_25 : memref<640x32xf32, #tpu.memory_space<vmem_shared>>) target(%dma_start3A_23 : memref<640x32xf32, #tpu.memory_space<hbm>>) target_semaphore(%run_scoped3A : memref<!tpu.dma_semaphore, #tpu.memory_space<semaphore_mem>>)
      %dma_wait3A = arith.constant 0 : i32
      %dma_wait3A_26 = tpu.memref_slice %arg6[%arg0, %mul3A_21, %dma_wait3A] : memref<2x10240x32xf32, #tpu.memory_space<hbm>> -> memref<1x640x32xf32, #tpu.memory_space<hbm>>
      %dma_wait3A_27 = tpu.memref_squeeze %dma_wait3A_26 : memref<1x640x32xf32, #tpu.memory_space<hbm>> -> memref<640x32xf32, #tpu.memory_space<hbm>>
      %dma_wait3A_28 = arith.constant 0 : i32
      %dma_wait3A_29 = tpu.memref_slice %arg7[%mul3A_19, %dma_wait3A_28] : memref<10240x32xf32, #tpu.memory_space<vmem_shared>> -> memref<640x32xf32, #tpu.memory_space<vmem_shared>>
      tpu.wait_dma2 semaphore(%run_scoped3A : memref<!tpu.dma_semaphore, #tpu.memory_space<semaphore_mem>>) src(%dma_wait3A_29 : memref<640x32xf32, #tpu.memory_space<vmem_shared>>) dst(%dma_wait3A_27 : memref<640x32xf32, #tpu.memory_space<hbm>>)
      tpu.yield
    }) : () -> ()
    return
  }
}

module attributes {stable_mosaic.version = 14 : i64} {
  func.func @_tc_first(%arg0: memref<10000x128xf32, #tpu.memory_space<vmem>>, %arg1: memref<128x32xf32, #tpu.memory_space<vmem>>, %arg2: memref<2x10240xf32, #tpu.memory_space<vmem>>, %arg3: memref<10000x32xf32, #tpu.memory_space<vmem>>) attributes {dimension_semantics = [], scalar_prefetch = 0 : i64, scratch_operands = 0 : i64, tpu.core_type = #tpu.core_type<tc>} {
    %get3A = arith.constant 0 : index
    %get3A_0 = arith.constant 0 : index
    %get3A_1 = vector.load %arg2[%get3A, %get3A_0] : memref<2x10240xf32, #tpu.memory_space<vmem>>, vector<2x10000xf32>
    %reduce_sum3A = arith.constant dense<0.000000e+00> : vector<10000xf32>
    %reduce_sum3A_2 = vector.multi_reduction <add>, %get3A_1, %reduce_sum3A [0] : vector<2x10000xf32> to vector<10000xf32>
    %add3A = arith.constant 1.000000e+00 : f32
    %add3A_3 = vector.broadcast %add3A : f32 to vector<10000xf32>
    %add3A_4 = arith.addf %reduce_sum3A_2, %add3A_3 : vector<10000xf32>
    %rsqrt3A = math.rsqrt %add3A_4 : vector<10000xf32>
    %get3A_5 = arith.constant 0 : index
    %get3A_6 = arith.constant 0 : index
    %get3A_7 = vector.load %arg0[%get3A_5, %get3A_6] : memref<10000x128xf32, #tpu.memory_space<vmem>>, vector<10000x128xf32>
    %get3A_8 = arith.constant 0 : index
    %get3A_9 = arith.constant 0 : index
    %get3A_10 = vector.load %arg1[%get3A_8, %get3A_9] : memref<128x32xf32, #tpu.memory_space<vmem>>, vector<128x32xf32>
    %dot_general3A = arith.constant dense<0.000000e+00> : vector<10000x32xf32>
    %dot_general3A_11 = tpu.matmul %get3A_7, %get3A_10, %dot_general3A {dimension_numbers = #tpu.dot_dimension_numbers<[1], [0], [0], [1], [0, 0, 1, 1], [], []>, transpose_lhs_hint = false} : vector<10000x128xf32>, vector<128x32xf32>, vector<10000x32xf32> -> vector<10000x32xf32>
    %broadcast_in_dim3A = vector.shape_cast %rsqrt3A : vector<10000xf32> to vector<10000x1xf32>
    %mul3A = vector.broadcast %broadcast_in_dim3A : vector<10000x1xf32> to vector<10000x32xf32>
    %mul3A_12 = arith.mulf %dot_general3A_11, %mul3A : vector<10000x32xf32>
    %swap3A = arith.constant 0 : index
    %swap3A_13 = arith.constant 0 : index
    %swap3A_14 = vector.load %arg3[%swap3A, %swap3A_13] : memref<10000x32xf32, #tpu.memory_space<vmem>>, vector<10000x32xf32>
    tpu.vector_store %arg3[%swap3A, %swap3A_13], %mul3A_12 {strides = array<i32>} : memref<10000x32xf32, #tpu.memory_space<vmem>>, vector<10000x32xf32>,
    return
  }
}

module attributes {stable_mosaic.version = 14 : i64} {
  func.func @_tc_mid(%arg0: memref<2x10240x32xf32, #tpu.memory_space<vmem>>, %arg1: memref<10000x32xf32, #tpu.memory_space<vmem>>, %arg2: memref<2x10240xf32, #tpu.memory_space<vmem>>, %arg3: memref<32xf32, #tpu.memory_space<vmem>>, %arg4: memref<32x32xf32, #tpu.memory_space<vmem>>, %arg5: memref<10000x32xf32, #tpu.memory_space<vmem>>) attributes {dimension_semantics = [], scalar_prefetch = 0 : i64, scratch_operands = 0 : i64, tpu.core_type = #tpu.core_type<tc>} {
    %get3A = arith.constant 0 : index
    %get3A_0 = arith.constant 0 : index
    %get3A_1 = vector.load %arg2[%get3A, %get3A_0] : memref<2x10240xf32, #tpu.memory_space<vmem>>, vector<2x10000xf32>
    %reduce_sum3A = arith.constant dense<0.000000e+00> : vector<10000xf32>
    %reduce_sum3A_2 = vector.multi_reduction <add>, %get3A_1, %reduce_sum3A [0] : vector<2x10000xf32> to vector<10000xf32>
    %add3A = arith.constant 1.000000e+00 : f32
    %add3A_3 = vector.broadcast %add3A : f32 to vector<10000xf32>
    %add3A_4 = arith.addf %reduce_sum3A_2, %add3A_3 : vector<10000xf32>
    %rsqrt3A = math.rsqrt %add3A_4 : vector<10000xf32>
    %get3A_5 = arith.constant 0 : index
    %get3A_6 = arith.constant 0 : index
    %get3A_7 = arith.constant 0 : index
    %get3A_8 = vector.load %arg0[%get3A_5, %get3A_6, %get3A_7] : memref<2x10240x32xf32, #tpu.memory_space<vmem>>, vector<1x10000x32xf32>
    %get3A_9 = vector.shape_cast %get3A_8 : vector<1x10000x32xf32> to vector<10000x32xf32>
    %get3A_10 = arith.constant 1 : index
    %get3A_11 = arith.constant 0 : index
    %get3A_12 = arith.constant 0 : index
    %get3A_13 = vector.load %arg0[%get3A_10, %get3A_11, %get3A_12] : memref<2x10240x32xf32, #tpu.memory_space<vmem>>, vector<1x10000x32xf32>
    %get3A_14 = vector.shape_cast %get3A_13 : vector<1x10000x32xf32> to vector<10000x32xf32>
    %add3A_15 = arith.addf %get3A_9, %get3A_14 : vector<10000x32xf32>
    %get3A_16 = arith.constant 0 : index
    %get3A_17 = arith.constant 0 : index
    %get3A_18 = vector.load %arg1[%get3A_16, %get3A_17] : memref<10000x32xf32, #tpu.memory_space<vmem>>, vector<10000x32xf32>
    %add3A_19 = arith.addf %add3A_15, %get3A_18 : vector<10000x32xf32>
    %broadcast_in_dim3A = vector.shape_cast %rsqrt3A : vector<10000xf32> to vector<10000x1xf32>
    %mul3A = vector.broadcast %broadcast_in_dim3A : vector<10000x1xf32> to vector<10000x32xf32>
    %mul3A_20 = arith.mulf %add3A_19, %mul3A : vector<10000x32xf32>
    %get3A_21 = arith.constant 0 : index
    %get3A_22 = vector.load %arg3[%get3A_21] : memref<32xf32, #tpu.memory_space<vmem>>, vector<32xf32>
    %broadcast_in_dim3A_23 = vector.shape_cast %get3A_22 : vector<32xf32> to vector<1x32xf32>
    %add3A_24 = vector.broadcast %broadcast_in_dim3A_23 : vector<1x32xf32> to vector<10000x32xf32>
    %add3A_25 = arith.addf %mul3A_20, %add3A_24 : vector<10000x32xf32>
    %max3A = arith.constant 0.000000e+00 : f32
    %max3A_26 = vector.broadcast %max3A : f32 to vector<10000x32xf32>
    %max3A_27 = arith.maximumf %add3A_25, %max3A_26 : vector<10000x32xf32>
    %get3A_28 = arith.constant 0 : index
    %get3A_29 = arith.constant 0 : index
    %get3A_30 = vector.load %arg4[%get3A_28, %get3A_29] : memref<32x32xf32, #tpu.memory_space<vmem>>, vector<32x32xf32>
    %dot_general3A = arith.constant dense<0.000000e+00> : vector<10000x32xf32>
    %dot_general3A_31 = tpu.matmul %max3A_27, %get3A_30, %dot_general3A {dimension_numbers = #tpu.dot_dimension_numbers<[1], [0], [0], [1], [0, 0, 1, 1], [], []>, transpose_lhs_hint = false} : vector<10000x32xf32>, vector<32x32xf32>, vector<10000x32xf32> -> vector<10000x32xf32>
    %broadcast_in_dim3A_32 = vector.shape_cast %rsqrt3A : vector<10000xf32> to vector<10000x1xf32>
    %mul3A_33 = vector.broadcast %broadcast_in_dim3A_32 : vector<10000x1xf32> to vector<10000x32xf32>
    %mul3A_34 = arith.mulf %dot_general3A_31, %mul3A_33 : vector<10000x32xf32>
    %swap3A = arith.constant 0 : index
    %swap3A_35 = arith.constant 0 : index
    %swap3A_36 = vector.load %arg5[%swap3A, %swap3A_35] : memref<10000x32xf32, #tpu.memory_space<vmem>>, vector<10000x32xf32>
    tpu.vector_store %arg5[%swap3A, %swap3A_35], %mul3A_34 {strides = array<i32>} : memref<10000x32xf32, #tpu.memory_space<vmem>>, vector<10000x32xf32>,
    return
  }
}

module attributes {stable_mosaic.version = 14 : i64} {
  func.func @_tc_final(%arg0: memref<2x10240x32xf32, #tpu.memory_space<vmem>>, %arg1: memref<10000x32xf32, #tpu.memory_space<vmem>>, %arg2: memref<2x10240xf32, #tpu.memory_space<vmem>>, %arg3: memref<32xf32, #tpu.memory_space<vmem>>, %arg4: memref<10000x1xi32, #tpu.memory_space<vmem>>, %arg5: memref<32x64xf32, #tpu.memory_space<vmem>>, %arg6: memref<64xf32, #tpu.memory_space<vmem>>, %arg7: memref<64x64xf32, #tpu.memory_space<vmem>>, %arg8: memref<64xf32, #tpu.memory_space<vmem>>, %arg9: memref<64x64xf32, #tpu.memory_space<vmem>>, %arg10: memref<64xf32, #tpu.memory_space<vmem>>, %arg11: memref<64x10xf32, #tpu.memory_space<vmem>>, %arg12: memref<10xf32, #tpu.memory_space<vmem>>, %arg13: memref<16x10xf32, #tpu.memory_space<vmem>>) attributes {dimension_semantics = [], scalar_prefetch = 0 : i64, scratch_operands = 0 : i64, tpu.core_type = #tpu.core_type<tc>} {
    %get3A = arith.constant 0 : index
    %get3A_0 = arith.constant 0 : index
    %get3A_1 = vector.load %arg2[%get3A, %get3A_0] : memref<2x10240xf32, #tpu.memory_space<vmem>>, vector<2x10000xf32>
    %reduce_sum3A = arith.constant dense<0.000000e+00> : vector<10000xf32>
    %reduce_sum3A_2 = vector.multi_reduction <add>, %get3A_1, %reduce_sum3A [0] : vector<2x10000xf32> to vector<10000xf32>
    %add3A = arith.constant 1.000000e+00 : f32
    %add3A_3 = vector.broadcast %add3A : f32 to vector<10000xf32>
    %add3A_4 = arith.addf %reduce_sum3A_2, %add3A_3 : vector<10000xf32>
    %rsqrt3A = math.rsqrt %add3A_4 : vector<10000xf32>
    %get3A_5 = arith.constant 0 : index
    %get3A_6 = arith.constant 0 : index
    %get3A_7 = arith.constant 0 : index
    %get3A_8 = vector.load %arg0[%get3A_5, %get3A_6, %get3A_7] : memref<2x10240x32xf32, #tpu.memory_space<vmem>>, vector<1x10000x32xf32>
    %get3A_9 = vector.shape_cast %get3A_8 : vector<1x10000x32xf32> to vector<10000x32xf32>
    %get3A_10 = arith.constant 1 : index
    %get3A_11 = arith.constant 0 : index
    %get3A_12 = arith.constant 0 : index
    %get3A_13 = vector.load %arg0[%get3A_10, %get3A_11, %get3A_12] : memref<2x10240x32xf32, #tpu.memory_space<vmem>>, vector<1x10000x32xf32>
    %get3A_14 = vector.shape_cast %get3A_13 : vector<1x10000x32xf32> to vector<10000x32xf32>
    %add3A_15 = arith.addf %get3A_9, %get3A_14 : vector<10000x32xf32>
    %get3A_16 = arith.constant 0 : index
    %get3A_17 = arith.constant 0 : index
    %get3A_18 = vector.load %arg1[%get3A_16, %get3A_17] : memref<10000x32xf32, #tpu.memory_space<vmem>>, vector<10000x32xf32>
    %add3A_19 = arith.addf %add3A_15, %get3A_18 : vector<10000x32xf32>
    %broadcast_in_dim3A = vector.shape_cast %rsqrt3A : vector<10000xf32> to vector<10000x1xf32>
    %mul3A = vector.broadcast %broadcast_in_dim3A : vector<10000x1xf32> to vector<10000x32xf32>
    %mul3A_20 = arith.mulf %add3A_19, %mul3A : vector<10000x32xf32>
    %get3A_21 = arith.constant 0 : index
    %get3A_22 = vector.load %arg3[%get3A_21] : memref<32xf32, #tpu.memory_space<vmem>>, vector<32xf32>
    %broadcast_in_dim3A_23 = vector.shape_cast %get3A_22 : vector<32xf32> to vector<1x32xf32>
    %add3A_24 = vector.broadcast %broadcast_in_dim3A_23 : vector<1x32xf32> to vector<10000x32xf32>
    %add3A_25 = arith.addf %mul3A_20, %add3A_24 : vector<10000x32xf32>
    %get3A_26 = arith.constant 0 : index
    %get3A_27 = arith.constant 0 : index
    %get3A_28 = vector.load %arg4[%get3A_26, %get3A_27] : memref<10000x1xi32, #tpu.memory_space<vmem>>, vector<10000x1xi32>
    %iota3A = tpu.iota {dimensions = array<i32: 1>} : vector<1x16xi32>
    %eq3A = vector.broadcast %get3A_28 : vector<10000x1xi32> to vector<10000x16xi32>
    %eq3A_29 = vector.broadcast %iota3A : vector<1x16xi32> to vector<10000x16xi32>
    %eq3A_30 = arith.cmpi eq, %eq3A, %eq3A_29 : vector<10000x16xi32>
    %convert_element_type3A = arith.extui %eq3A_30 : vector<10000x16xi1> to vector<10000x16xi32>
    %convert_element_type3A_31 = arith.sitofp %convert_element_type3A : vector<10000x16xi32> to vector<10000x16xf32>
    %dot_general3A = arith.constant dense<0.000000e+00> : vector<16x32xf32>
    %dot_general3A_32 = tpu.matmul %convert_element_type3A_31, %add3A_25, %dot_general3A {dimension_numbers = #tpu.dot_dimension_numbers<[0], [0], [1], [1], [0, 1, 1, 1], [], []>, transpose_lhs_hint = false} : vector<10000x16xf32>, vector<10000x32xf32>, vector<16x32xf32> -> vector<16x32xf32>
    %reduce_sum3A_33 = arith.constant dense<0.000000e+00> : vector<16xf32>
    %reduce_sum3A_34 = vector.multi_reduction <add>, %convert_element_type3A_31, %reduce_sum3A_33 [0] : vector<10000x16xf32> to vector<16xf32>
    %max3A = arith.constant 1.000000e+00 : f32
    %max3A_35 = vector.broadcast %max3A : f32 to vector<16xf32>
    %max3A_36 = arith.maximumf %reduce_sum3A_34, %max3A_35 : vector<16xf32>
    %broadcast_in_dim3A_37 = vector.shape_cast %max3A_36 : vector<16xf32> to vector<16x1xf32>
    %div3A = vector.broadcast %broadcast_in_dim3A_37 : vector<16x1xf32> to vector<16x32xf32>
    %div3A_38 = arith.divf %dot_general3A_32, %div3A : vector<16x32xf32>
    %get3A_39 = arith.constant 0 : index
    %get3A_40 = arith.constant 0 : index
    %get3A_41 = vector.load %arg5[%get3A_39, %get3A_40] : memref<32x64xf32, #tpu.memory_space<vmem>>, vector<32x64xf32>
    %dot_general3A_42 = arith.constant dense<0.000000e+00> : vector<16x64xf32>
    %dot_general3A_43 = tpu.matmul %div3A_38, %get3A_41, %dot_general3A_42 {dimension_numbers = #tpu.dot_dimension_numbers<[1], [0], [0], [1], [0, 0, 1, 1], [], []>, transpose_lhs_hint = false} : vector<16x32xf32>, vector<32x64xf32>, vector<16x64xf32> -> vector<16x64xf32>
    %get3A_44 = arith.constant 0 : index
    %get3A_45 = vector.load %arg6[%get3A_44] : memref<64xf32, #tpu.memory_space<vmem>>, vector<64xf32>
    %broadcast_in_dim3A_46 = vector.shape_cast %get3A_45 : vector<64xf32> to vector<1x64xf32>
    %add3A_47 = vector.broadcast %broadcast_in_dim3A_46 : vector<1x64xf32> to vector<16x64xf32>
    %add3A_48 = arith.addf %dot_general3A_43, %add3A_47 : vector<16x64xf32>
    %max3A_49 = arith.constant 0.000000e+00 : f32
    %max3A_50 = vector.broadcast %max3A_49 : f32 to vector<16x64xf32>
    %max3A_51 = arith.maximumf %add3A_48, %max3A_50 : vector<16x64xf32>
    %get3A_52 = arith.constant 0 : index
    %get3A_53 = arith.constant 0 : index
    %get3A_54 = vector.load %arg7[%get3A_52, %get3A_53] : memref<64x64xf32, #tpu.memory_space<vmem>>, vector<64x64xf32>
    %dot_general3A_55 = arith.constant dense<0.000000e+00> : vector<16x64xf32>
    %dot_general3A_56 = tpu.matmul %max3A_51, %get3A_54, %dot_general3A_55 {dimension_numbers = #tpu.dot_dimension_numbers<[1], [0], [0], [1], [0, 0, 1, 1], [], []>, transpose_lhs_hint = false} : vector<16x64xf32>, vector<64x64xf32>, vector<16x64xf32> -> vector<16x64xf32>
    %get3A_57 = arith.constant 0 : index
    %get3A_58 = vector.load %arg8[%get3A_57] : memref<64xf32, #tpu.memory_space<vmem>>, vector<64xf32>
    %broadcast_in_dim3A_59 = vector.shape_cast %get3A_58 : vector<64xf32> to vector<1x64xf32>
    %add3A_60 = vector.broadcast %broadcast_in_dim3A_59 : vector<1x64xf32> to vector<16x64xf32>
    %add3A_61 = arith.addf %dot_general3A_56, %add3A_60 : vector<16x64xf32>
    %max3A_62 = arith.constant 0.000000e+00 : f32
    %max3A_63 = vector.broadcast %max3A_62 : f32 to vector<16x64xf32>
    %max3A_64 = arith.maximumf %add3A_61, %max3A_63 : vector<16x64xf32>
    %get3A_65 = arith.constant 0 : index
    %get3A_66 = arith.constant 0 : index
    %get3A_67 = vector.load %arg9[%get3A_65, %get3A_66] : memref<64x64xf32, #tpu.memory_space<vmem>>, vector<64x64xf32>
    %dot_general3A_68 = arith.constant dense<0.000000e+00> : vector<16x64xf32>
    %dot_general3A_69 = tpu.matmul %max3A_64, %get3A_67, %dot_general3A_68 {dimension_numbers = #tpu.dot_dimension_numbers<[1], [0], [0], [1], [0, 0, 1, 1], [], []>, transpose_lhs_hint = false} : vector<16x64xf32>, vector<64x64xf32>, vector<16x64xf32> -> vector<16x64xf32>
    %get3A_70 = arith.constant 0 : index
    %get3A_71 = vector.load %arg10[%get3A_70] : memref<64xf32, #tpu.memory_space<vmem>>, vector<64xf32>
    %broadcast_in_dim3A_72 = vector.shape_cast %get3A_71 : vector<64xf32> to vector<1x64xf32>
    %add3A_73 = vector.broadcast %broadcast_in_dim3A_72 : vector<1x64xf32> to vector<16x64xf32>
    %add3A_74 = arith.addf %dot_general3A_69, %add3A_73 : vector<16x64xf32>
    %max3A_75 = arith.constant 0.000000e+00 : f32
    %max3A_76 = vector.broadcast %max3A_75 : f32 to vector<16x64xf32>
    %max3A_77 = arith.maximumf %add3A_74, %max3A_76 : vector<16x64xf32>
    %get3A_78 = arith.constant 0 : index
    %get3A_79 = arith.constant 0 : index
    %get3A_80 = vector.load %arg11[%get3A_78, %get3A_79] : memref<64x10xf32, #tpu.memory_space<vmem>>, vector<64x10xf32>
    %dot_general3A_81 = arith.constant dense<0.000000e+00> : vector<16x10xf32>
    %dot_general3A_82 = tpu.matmul %max3A_77, %get3A_80, %dot_general3A_81 {dimension_numbers = #tpu.dot_dimension_numbers<[1], [0], [0], [1], [0, 0, 1, 1], [], []>, transpose_lhs_hint = false} : vector<16x64xf32>, vector<64x10xf32>, vector<16x10xf32> -> vector<16x10xf32>
    %get3A_83 = arith.constant 0 : index
    %get3A_84 = vector.load %arg12[%get3A_83] : memref<10xf32, #tpu.memory_space<vmem>>, vector<10xf32>
    %broadcast_in_dim3A_85 = vector.shape_cast %get3A_84 : vector<10xf32> to vector<1x10xf32>
    %add3A_86 = vector.broadcast %broadcast_in_dim3A_85 : vector<1x10xf32> to vector<16x10xf32>
    %add3A_87 = arith.addf %dot_general3A_82, %add3A_86 : vector<16x10xf32>
    %swap3A = arith.constant 0 : index
    %swap3A_88 = arith.constant 0 : index
    %swap3A_89 = vector.load %arg13[%swap3A, %swap3A_88] : memref<16x10xf32, #tpu.memory_space<vmem>>, vector<16x10xf32>
    tpu.vector_store %arg13[%swap3A, %swap3A_88], %add3A_87 {strides = array<i32>} : memref<16x10xf32, #tpu.memory_space<vmem>>, vector<16x10xf32>,
    return
  }
}

</mosaic_0001>

<sc_bundles>
// kernel: kernel.10.cloned.1.call-start
scs
__scs_entry_jumppad:
0x0: {  	(pc) =	sbr.rel $0x88, $3  }
0x1: {  	(tag) =	ssettag $0x0;
	lr =	simm.s32 $0x1  }
0x2: {  	[smem:$0x3F8F] =	sst lr;
	_ =	strace $0xD0000000  }
0x3: {  	_ = 	snop  }
0x4: {  	_ = 	snop  }
0x5: {  	_ = 	snop  }
0x6: {  	_ = 	snop  }
0x7: {  	_ = 	snop  }
__scs_overlays_trampoline_lowered:
0x8: {  	[smem:$0x3F9E] =	sst s0  }
0x9: {  	[smem:$0x3F9F] =	sst s1  }
0xa: {  	[smem:$0x3FA0] =	sst s2  }
0xb: {  	[smem:$0x3FA1] =	sst s3  }
0xc: {  	[smem:$0x3FA2] =	sst s4  }
0xd: {  	[smem:$0x3FA3] =	sst s5  }
0xe: {  	[smem:$0x3FA4] =	sst s6  }
0xf: {  	[smem:$0x3FA5] =	sst s7  }
0x10: {  	[smem:$0x3FA6] =	sst s8  }
0x11: {  	[smem:$0x3FA7] =	sst s9;
	s0 =	simm.s32 @!p0 $0x0  }
0x12: {  	s1 =	sld [smem:$0x3F8D];
	s0 =	simm.s32 @p0 $0x1  }
0x13: {  	[smem:$0x3FA8] =	sst s0;
	s0 =	simm.s32 @!p1 $0x0  }
0x14: {  	s2 =	sld [smem:$0x3F8C];
	s0 =	simm.s32 @p1 $0x1  }
0x15: {  	[smem:$0x3FA9] =	sst s0;
	s0 =	simm.s32 @!p2 $0x0  }
0x16: {  	s3 =	sld [smem:$0x3FDB];
	s0 =	simm.s32 @p2 $0x1  }
0x17: {  	s4 =	simm.s32 $0x1BF5;
	[smem:$0x3FAB] =	sst s0  }
0x18: {  	s0 =	sld [smem:$0x3F8E];
	_ =	swait.ge [sflag:s4], $0x0  }
0x19: {  	s7 =	sld [smem:$0x3F8F]  }
0x1a: {  	s8 =	sadd.s32 $0xFFFFE003, lr  }
0x1b: {  	s9 =	sadd.s32 $0xFFFFFEF7, lr;
	s5 =	simm.s32 $0xFFFFFFFF;
	p2 =	slt.u32 s8, $0xFFFFF086  }
0x1c: {  	p1 =	slt.u32 s9, $0xF7A;
	s5 =	simm.s32 @!p2 $0x0  }
0x1d: {  	s5 =	simm.s32 @p1 $0x1;
	p0 =	seq.s32 s7, s2  }
0x1e: {  	s7 =	smul.u32 @!p0 $0xF7A, s2;
	p2 =	seq.s32 @!p0 s5, $0x0  }
0x1f: {  	s9 =	smul.u32 $0xF7A, s1;
	s8 =	simm.s32 @!p0 $0x1BF5;
	p2 =	por !p2, p0  }
0x20: {  	[sflag:s8] =	ssyncset.s32 @!p0 $0xFFFFF086;
	s6 =	sadd.s32 @!p0 s3, s7;
	s7 =	simm.s32 @!p0 $0x108  }
0x21: {  	s3 =	sadd.s32 s3, s9;
	s6 =	sadd.s32 @!p0 $0x88, s6;
	s7 =	simm.s32 @p2 $0x1082  }
0x22: {  	[simem:s7], [sflag:s8] =	dma.local @!p0 [hbm:s6], $0xF7A  }
0x23: {  	s9 =	sor.u32 $0xD0000000, s2;
	s6 =	simm.s32 $0x108;
	_ =	swait.ge @!p0 [sflag:s8], $0x0  }
0x24: {  	s3 =	sadd.s32 $0x88, s3;
	s6 =	simm.s32 @!p1 $0x1082;
	[sflag:s4] =	ssyncset.s32 $0xFFFFF086  }
0x25: {  	[simem:s6], [sflag:s4] =	dma.local [hbm:s3], $0xF7A  }
0x26: {  	[smem:$0x3F8F] =	sst s1;
	(tag) =	ssettag s2;
	_ =	strace s9  }
0x27: {  	s1 =	sld [smem:$0x3F9F]  }
0x28: {  	s2 =	sld [smem:$0x3FA0]  }
0x29: {  	s4 =	sld [smem:$0x3FA2]  }
0x2a: {  	p0 =	seq.s32 s5, $0x0;
	s5 =	sld [smem:$0x3FA3]  }
0x2b: {  	s6 =	sld [smem:$0x3FA4]  }
0x2c: {  	s7 =	sld [smem:$0x3FA5]  }
0x2d: {  	s3 =	simm.s32 $0x108;
	s8 =	sld [smem:$0x3FA6]  }
0x2e: {  	s3 =	simm.s32 @!p0 $0x1082;
	s9 =	sld [smem:$0x3FA7]  }
0x2f: {  	lr =	sadd.s32 s0, s3;
	s0 =	sld [smem:$0x3F9E]  }
0x30: {  	s3 =	sld [smem:$0x3FA1]  }
0x31: {  	[smem:$0x3FAA] =	sst s10  }
0x32: {  	s10 =	sld [smem:$0x3FA8];
	_ =	sdelay $0x3  }
0x33: {  	p0 =	seq.s32 s10, $0x1;
	s10 =	sld [smem:$0x3FAA];
	_ =	sdelay $0x3  }
0x34: {  	[smem:$0x3FAA] =	sst s10  }
0x35: {  	s10 =	sld [smem:$0x3FA9];
	_ =	sdelay $0x3  }
0x36: {  	p1 =	seq.s32 s10, $0x1;
	s10 =	sld [smem:$0x3FAA];
	_ =	sdelay $0x3  }
0x37: {  	[smem:$0x3FAA] =	sst s10  }
0x38: {  	s10 =	sld [smem:$0x3FAB]  }
0x39: {  	_ = 	snop;
	(pc) =	sbr.ind lr, $3  }
0x3a: {  	_ = 	snop  }
0x3b: {  	_ = 	snop  }
0x3c: {  	p2 =	seq.s32 s10, $0x1;
	s10 =	sld [smem:$0x3FAA]  }
0x3d: {  	_ =	shalt  }
0x3e: {  	_ =	shalt  }
0x3f: {  	_ =	shalt  }
0x40: {  	_ =	shalt  }
0x41: {  	_ =	shalt  }
0x42: {  	_ =	shalt  }
0x43: {  	_ =	shalt  }
0x44: {  	_ =	shalt  }
0x45: {  	_ =	shalt  }
0x46: {  	_ =	shalt  }
0x47: {  	_ =	shalt  }
0x48: {  	_ =	shalt  }
0x49: {  	_ =	shalt  }
0x4a: {  	_ =	shalt  }
0x4b: {  	_ =	shalt  }
0x4c: {  	_ =	shalt  }
0x4d: {  	_ =	shalt  }
0x4e: {  	_ =	shalt  }
0x4f: {  	_ =	shalt  }
0x50: {  	_ =	shalt  }
0x51: {  	_ =	shalt  }
0x52: {  	_ =	shalt  }
0x53: {  	_ =	shalt  }
0x54: {  	_ =	shalt  }
0x55: {  	_ =	shalt  }
0x56: {  	_ =	shalt  }
0x57: {  	_ =	shalt  }
0x58: {  	_ =	shalt  }
0x59: {  	_ =	shalt  }
0x5a: {  	_ =	shalt  }
0x5b: {  	_ =	shalt  }
0x5c: {  	_ =	shalt  }
0x5d: {  	_ =	shalt  }
0x5e: {  	_ =	shalt  }
0x5f: {  	_ =	shalt  }
0x60: {  	_ =	shalt  }
0x61: {  	_ =	shalt  }
0x62: {  	_ =	shalt  }
0x63: {  	_ =	shalt  }
0x64: {  	_ =	shalt  }
0x65: {  	_ =	shalt  }
0x66: {  	_ =	shalt  }
0x67: {  	_ =	shalt  }
0x68: {  	_ =	shalt  }
0x69: {  	_ =	shalt  }
0x6a: {  	_ =	shalt  }
0x6b: {  	_ =	shalt  }
0x6c: {  	_ =	shalt  }
0x6d: {  	_ =	shalt  }
0x6e: {  	_ =	shalt  }
0x6f: {  	_ =	shalt  }
0x70: {  	_ =	shalt  }
0x71: {  	_ =	shalt  }
0x72: {  	_ =	shalt  }
0x73: {  	_ =	shalt  }
0x74: {  	_ =	shalt  }
0x75: {  	_ =	shalt  }
0x76: {  	_ =	shalt  }
0x77: {  	_ =	shalt  }
0x78: {  	_ =	shalt  }
0x79: {  	_ =	shalt  }
0x7a: {  	_ =	shalt  }
0x7b: {  	_ =	shalt  }
0x7c: {  	_ =	shalt  }
0x7d: {  	_ =	shalt  }
0x7e: {  	_ =	shalt  }
0x7f: {  	_ =	shalt  }
0x80: {  	_ =	shalt  }
0x81: {  	_ =	shalt  }
0x82: {  	_ =	shalt  }
0x83: {  	_ =	shalt  }
0x84: {  	_ =	shalt  }
0x85: {  	_ =	shalt  }
0x86: {  	_ =	shalt  }
0x87: {  	_ =	shalt  }
.Lfunc_end0:
.L_simem_size_0:
called_computation_lowered:
.L_overlay_start_0:
0x88: {  	s2 =	sld [smem:$0x3FD9]  }
0x89: {  	s3 =	sld [smem:$0x3FFE];
	_ =	sdelay $0x1  }
0x8a: {  	s1 =	srdreg.scid  }
0x8b: {  	s0 =	sand.u32 $0x1, s1  }
0x8c: {  	s16 =	sshll.u32 s0, $0xA;
	s2 =	sadd.s32 s3, s2  }
0x8d: {  	s2 =	sadd.s32 s2, s16  }
0x8e: {  	[smem:$0x3FB6] =	sst s2  }
0x8f: {  	_ = 	snop  }
0x90: {  	(tm) =	ssettm $0x1  }
0x91: {  	s17 =	sld [smem:$0x3FFB];
	_ =	sdelay $0x3  }
0x92: {  	_ =	strace s17  }
0x93: {  	s2 =	sld [smem:$0x3FFC];
	_ =	sdelay $0x3  }
0x94: {  	_ =	strace s2  }
0x95: {  	s2 =	sld [smem:$0x3FFD];
	_ =	sdelay $0x3  }
0x96: {  	_ =	strace s2  }
0x97: {  	_ =	strace $0x8FFFFFFF  }
0x98: {  	s18 =	sld [smem:$0x3FDB];
	_ =	sdelay $0x1  }
0x99: {  	s19 =	simm.s32 $_scs_section_size  }
0x9a: {  	s4 =	simm.s32 $_size__tile_overlayer_lowered;
	s5 =	simm.s32 $_tile_overlayer_lowered  }
0x9b: {  	s22 =	simm.s32 $0x1BFF;
	s21 =	sshll.u32 s5, $0x1;
	s2 =	sadd.s32 s19, s18  }
0x9c: {  	s6 =	simm.s32 $0x0;
	s20 =	sshll.u32 s4, $0x1;
	s4 =	sadd.s32 s21, s2  }
0x9d: {  	[timem:s6], [sflag:s22] =	dma.local [hbm:s4], s20  }
0x9e: {  	_ =	swait.ge [sflag:s22], s20  }
0x9f: {  	s3 =	ssub.s32 $0x0, s20;
	[sflag:s22] =	ssyncset.done $0x0  }
0xa0: {  	[sflag:s22] =	ssyncadd.s32 s3;
	_ =	sdelay $0x1  }
0xa1: {  	s23 =	simm.s32 $0x1B8B  }
0xa2: {  	_ =	swait.ge [sflag:s23], $0x1  }
0xa3: {  	[sflag:s23] =	ssyncset.done $0x0  }
0xa4: {  	s25 =	simm.s32 $0x1B8E;
	s24 =	sld [smem:$0x3FFE];
	[sflag:s23] =	ssyncadd.s32 $0xFFFFFFFF  }
0xa5: {  	s26 =	simm.s32 $execute0_lowered;
	[smem:$0x3FD2] =	sst s25  }
0xa6: {  	s4 =	sshll.u32 s26, $0x1;
	_ =	strace $0x80000046;
	[dreg:$0x1] =	wrdreg $0xFFFFFFFF  }
0xa7: {  	s28 =	simm.s32 $_size_execute0_lowered;
	s2 =	sadd.s32 s2, s4;
	[dreg:$0x0] =	wrdreg $0x0  }
0xa8: {  	s4 =	sshll.u32 s28, $0x1;
	[dreg:$0x2] =	wrdreg s2  }
0xa9: {  	[dreg:$0x3] =	wrdreg s4  }
0xaa: {  	[dreg:$0x4] =	wrdreg $0xC0  }
0xab: {  	_ =	task [dreg:s6], $0x5FFFF  }
0xac: {  	[dreg:$0x1] =	wrdreg $0xFFFFFFFF  }
0xad: {  	[dreg:$0x0] =	wrdreg $0x60  }
0xae: {  	[dreg:$0x2] =	wrdreg s24  }
0xaf: {  	[dreg:$0x3] =	wrdreg $0x0  }
0xb0: {  	[dreg:$0x4] =	wrdreg $0x9  }
0xb1: {  	_ =	task.clear_ibuf [dreg:s6], $0x5FFFF;
	_ =	strace $0x90000046  }
0xb2: {  	s29 =	simm.s32 $0x9;
	_ =	strace $0x80000048  }
0xb3: {  	_ =	swait.ge [sflag:s29], $0x1  }
0xb4: {  	[sflag:s29] =	ssyncadd.s32 $0xFFFFFFFF  }
0xb5: {  	_ =	strace $0x90000048  }
0xb6: {  	_ =	sfence  }
0xb7: {  	s30 =	sld [smem:$0x0];
	_ =	sdelay $0x2  }
0xb8: {  	s31 =	sshll.u32 s1, $0xD;
	s1 =	sshrl.u32 s1, $0x2  }
0xb9: {  	s3 =	sand.u32 $0x4000, s31;
	s1 =	sadd.s32 s1, s30  }
0xba: {  	s0 =	sor.u32 s3, s0;
	s1 =	sshll.u32 s1, $0x11  }
0xbb: {  	s0 =	sor.u32 s1, s0  }
0xbc: {  	s0 =	sadd.s32 $0x8F2B, s0  }
0xbd: {  	[sflag:s0] =	ssyncadd.remote.s32 $0x1  }
0xbe: {  	_ =	sfence.sel $0xFFFF  }
0xbf: {  	[dreg:$0x0] =	wrdreg $0xFFFFFFFF;
	(pc) =	sbr.abs _section_cstart, $3  }
0xc0: {  	[dreg:$0x1] =	wrdreg $0xFFFFFFFF  }
0xc1: {  	_ =	task.clear_ibuf [dreg:s6], $0x2FFFF;
	_ =	strace $0x9FFFFFFF  }
0xc2: {  	(tm) =	ssettm $0x7FFFFFFF  }
0xc3: {  	_ =	shalt  }
tec
execute0_lowered:
.L_overlay_start_1:
0x0: {  	(tag) =	ssettag $0x1  }
0x1: {  	s1 =	srdreg.scid;
	s4 =	rddreg [dreg:$0x0]  }
0x2: {  	s0 =	stileid.u32;
	s2 =	rddreg [dreg:$0x1];
	s3 =	simm.s32 $0x0  }
0x3: {  	s10 =	simm.s32 $0x1;
	s11 =	simm.s32 $0x2A80;
	s12 =	simm.s32 $0x5280  }
0x4: {  	s13 =	simm.s32 $0x80;
	s16 =	simm.s32 $0x0;
	s5 =	sand.u32 $0x1, s1  }
0x5: {  	s6 =	smul.u32 $0x280, s0;
	s7 =	sshll.u32 s0, $0x1;
	s1 =	rddreg [dreg:$0x2]  }
0x6: {  	[smem:$0x7FF] =	sst s3;
	s14 =	sshll.u32 s0, $0x6;
	s8 =	smul.u32 $0x2800, s5  }
0x7: {  	s7 =	sor.u32 s5, s7;
	_ =	strace $0x80000047;
	s5 =	ssub.s32 $0x2, s5  }
0x8: {  	s14 =	sor.u32 $0x1C01, s14;
	s7 =	smul.u32 $0x500, s7;
	s31 =	sshrl.u32 s5, $0x1  }
0x9: {  	s8 =	sadd.s32 s6, s8;
	s9 =	ssub.s32 s5, s31;
	s6 =	sadd.s32 s6, s2  }
0xa: {  	s8 =	sshrl.u32 s8, $0x3;
	s7 =	sadd.s32 s7, s4;
	s15 =	sshrl.u32 s6, $0x3  }
0xb: {  	s8 =	sadd.s32 s8, s4;
	s4 =	sadd.s32 $0x3000, s7;
	s5 =	sadd.s32 $0xD000, s7  }
0xc: {  	v0 =	vimm.f32 $0.0e+00;
	s7 =	sadd.s32 $0x17000, s8;
	s8 =	smax.u32 s9, $0x1;
	s9 =	simm.s32 $0x280  }
.LBB2_1:
0xd: {  	[tilespmem:s9], [sflag:$0x1] =	stream.linear.gather [hbm4b:s4+s3], $0x2800, $0x38;
	[tilespmem:$0x5500] =	vst v63  }
0xe: {  	_ =	swait.ge [sflag:s10], $0x2800  }
0xf: {  	[sflag:s10] =	ssyncset.done $0x0  }
0x10: {  	[sflag:s10] =	ssyncadd.s32 $0xFFFFD800  }
0x11: {  	[tilespmem:s11], [sflag:$0x1] =	stream.linear.gather [hbm4b:s5+s3], $0x2800, $0x38;
	[tilespmem:$0x5500] =	vst v63  }
0x12: {  	_ =	swait.ge [sflag:s10], $0x2800  }
0x13: {  	[sflag:s10] =	ssyncset.done $0x0  }
0x14: {  	[sflag:s10] =	ssyncadd.s32 $0xFFFFD800  }
0x15: {  	[tilespmem:$0x5280] =	vst v0  }
0x16: {  	[tilespmem:$0x5290] =	vst v0  }
0x17: {  	[tilespmem:$0x52A0] =	vst v0  }
0x18: {  	[tilespmem:$0x52B0] =	vst v0  }
0x19: {  	[tilespmem:$0x52C0] =	vst v0  }
0x1a: {  	[tilespmem:$0x52D0] =	vst v0  }
0x1b: {  	[tilespmem:$0x52E0] =	vst v0  }
0x1c: {  	[tilespmem:$0x52F0] =	vst v0  }
0x1d: {  	[tilespmem:$0x5300] =	vst v0  }
0x1e: {  	[tilespmem:$0x5310] =	vst v0  }
0x1f: {  	[tilespmem:$0x5320] =	vst v0  }
0x20: {  	[tilespmem:$0x5330] =	vst v0  }
0x21: {  	[tilespmem:$0x5340] =	vst v0  }
0x22: {  	[tilespmem:$0x5350] =	vst v0  }
0x23: {  	[tilespmem:$0x5360] =	vst v0  }
0x24: {  	[tilespmem:$0x5370] =	vst v0  }
0x25: {  	[tilespmem:$0x5380] =	vst v0  }
0x26: {  	[tilespmem:$0x5390] =	vst v0  }
0x27: {  	[tilespmem:$0x53A0] =	vst v0  }
0x28: {  	[tilespmem:$0x53B0] =	vst v0  }
0x29: {  	[tilespmem:$0x53C0] =	vst v0  }
0x2a: {  	[tilespmem:$0x53D0] =	vst v0  }
0x2b: {  	[tilespmem:$0x53E0] =	vst v0  }
0x2c: {  	[tilespmem:$0x53F0] =	vst v0  }
0x2d: {  	[tilespmem:$0x5400] =	vst v0  }
0x2e: {  	[tilespmem:$0x5410] =	vst v0  }
0x2f: {  	[tilespmem:$0x5420] =	vst v0  }
0x30: {  	[tilespmem:$0x5430] =	vst v0  }
0x31: {  	[tilespmem:$0x5440] =	vst v0  }
0x32: {  	[tilespmem:$0x5450] =	vst v0  }
0x33: {  	[tilespmem:$0x5460] =	vst v0  }
0x34: {  	[tilespmem:$0x5470] =	vst v0  }
0x35: {  	[tilespmem:$0x5480] =	vst v0  }
0x36: {  	[tilespmem:$0x5490] =	vst v0  }
0x37: {  	[tilespmem:$0x54A0] =	vst v0  }
0x38: {  	[tilespmem:$0x54B0] =	vst v0  }
0x39: {  	[tilespmem:$0x54C0] =	vst v0  }
0x3a: {  	[tilespmem:$0x54D0] =	vst v0  }
0x3b: {  	[tilespmem:$0x54E0] =	vst v0  }
0x3c: {  	[tilespmem:$0x54F0] =	vst v0  }
0x3d: {  	[spmem:s6] =	stream.linear.scatter [tilespmem:s12], [sflag:$0x1], $0x280, $0x38;
	[tilespmem:$0x5500] =	vst v63  }
0x3e: {  	_ =	swait.ge [sflag:s10], $0x280  }
0x3f: {  	[sflag:s10] =	ssyncset.done $0x0  }
0x40: {  	[sflag:s10] =	ssyncadd.s32 $0xFFFFFD80  }
0x41: {  	s17 =	simm.s32 $0x2A80;
	s18 =	simm.s32 $0x280;
	[bflag:$0x0] =	sbarrier.arrive $0xFFFF  }
0x42: {  	[spmem:s2] =	stream.indirect.scatter.add.f32 [tilespmem:s17], [sflag:$0x1], $0x1, s18, s13, $0xb8;
	[tilespmem:$0x5500] =	vst v63  }
0x43: {  	s17 =	simm.s32 $0x200;
	_ =	swait.ge [sflag:s10], $0x80  }
.LBB2_2:
0x44: {  	s18 =	sshra.s32 s17, $0x2  }
0x45: {  	[sflag:s10] =	ssyncset.done $0x0;
	p0 =	sne.s32 s17, $0x9E00;
	s19 =	sadd.s32 $0x2A80, s18  }
.Ltmp0:
0x46: {  	s18 =	sadd.s32 $0x280, s18;
	[sflag:s10] =	ssyncadd.s32 $0xFFFFFF80;
	(pc) =	sbr.rel @p0 .LBB2_2-.Ltmp0, $3  }
0x47: {  	[spmem:s2] =	stream.indirect.scatter.add.f32 [tilespmem:s19], [sflag:$0x1], $0x1, s18, s13, $0xb8;
	[tilespmem:$0x5500] =	vst v63  }
0x48: {  	s17 =	sadd.s32 $0x200, s17;
	_ =	sdelay $0x1  }
0x49: {  	_ =	swait.ge [sflag:s10], $0x80  }
0x4a: {  	[sflag:s10] =	ssyncset.done $0x0;
	s16 =	sadd.s32 $0x1, s16  }
0x4b: {  	[sflag:s10] =	ssyncadd.s32 $0xFFFFFF80;
	p0 =	sne.s32 s16, s8  }
.Ltmp1:
0x4c: {  	[bflag:$0x0] =	sbarrier.arrive $0xFFFF;
	(pc) =	sbr.rel @p0 .LBB2_1-.Ltmp1, $4  }
0x4d: {  	[hbm:s7], [sflag:s14] =	dma.local [spmem:s15], $0x50  }
0x4e: {  	_ =	swait.ge [sflag:s10], $0x50  }
0x4f: {  	[sflag:s10] =	ssyncset.done $0x0  }
0x50: {  	[sflag:s10] =	ssyncadd.s32 $0xFFFFFFB0  }
0x51: {  	_ =	sfence.sel $0x180000  }
0x52: {  	[bflag:$0x0] =	sbarrier.arrive $0xFFFF  }
0x53: {  	p0 =	sne.s32 s0, $0x0;
	_ =	strace $0x90000047  }
0x54: {  	s0 =	sadd.s32 @!p0 $0x100000, s1;
	[bflag:$0x2] =	sbarrier.arrive $0xFFFF  }
0x55: {  	[sflag:s0] =	ssyncadd.tile.s32 @!p0 $0x1;
	_ =	shalt  }
.Lfunc_end2:
_tile_overlayer_lowered:
.L_overlay_start_2:
0x56: {  	(tag) =	ssettag $0x2  }
0x57: {  	s0 =	rddreg [dreg:$0x0];
	s2 =	stileid.u32  }
0x58: {  	s1 =	rddreg [dreg:$0x1];
	p0 =	sne.s32 s2, $0x0  }
0x59: {  	s3 =	rddreg [dreg:$0x2];
	[bflag:$0x3] =	sbarrier.arrive $0xFFFF;
	s2 =	simm.s32 @!p0 $0x1C01  }
0x5a: {  	[timem:s3], [sflag:s2] =	dma.local @!p0 [hbm:s0], s1  }
0x5b: {  	s0 =	simm.s32 @!p0 $0x1  }
0x5c: {  	_ =	swait.ge @!p0 [sflag:s0], s1  }
0x5d: {  	s1 =	ssub.s32 @!p0 $0x0, s1;
	[sflag:s0] =	ssyncset.done @!p0 $0x0  }
0x5e: {  	[sflag:s0] =	ssyncadd.s32 @!p0 s1  }
0x5f: {  	[bflag:$0x3] =	sbarrier.arrive $0xFFFF  }
0x60: {  	_ =	shalt  }

// kernel: kernel.13.cloned.1.call-start
scs
__scs_entry_jumppad:
0x0: {  	(pc) =	sbr.rel $0x88, $3  }
0x1: {  	(tag) =	ssettag $0x0;
	lr =	simm.s32 $0x1  }
0x2: {  	[smem:$0x3F8F] =	sst lr;
	_ =	strace $0xD0000000  }
0x3: {  	_ = 	snop  }
0x4: {  	_ = 	snop  }
0x5: {  	_ = 	snop  }
0x6: {  	_ = 	snop  }
0x7: {  	_ = 	snop  }
__scs_overlays_trampoline_lowered:
0x8: {  	[smem:$0x3F9E] =	sst s0  }
0x9: {  	[smem:$0x3F9F] =	sst s1  }
0xa: {  	[smem:$0x3FA0] =	sst s2  }
0xb: {  	[smem:$0x3FA1] =	sst s3  }
0xc: {  	[smem:$0x3FA2] =	sst s4  }
0xd: {  	[smem:$0x3FA3] =	sst s5  }
0xe: {  	[smem:$0x3FA4] =	sst s6  }
0xf: {  	[smem:$0x3FA5] =	sst s7  }
0x10: {  	[smem:$0x3FA6] =	sst s8  }
0x11: {  	[smem:$0x3FA7] =	sst s9;
	s0 =	simm.s32 @!p0 $0x0  }
0x12: {  	s1 =	sld [smem:$0x3F8D];
	s0 =	simm.s32 @p0 $0x1  }
0x13: {  	[smem:$0x3FA8] =	sst s0;
	s0 =	simm.s32 @!p1 $0x0  }
0x14: {  	s2 =	sld [smem:$0x3F8C];
	s0 =	simm.s32 @p1 $0x1  }
0x15: {  	[smem:$0x3FA9] =	sst s0;
	s0 =	simm.s32 @!p2 $0x0  }
0x16: {  	s3 =	sld [smem:$0x3FDB];
	s0 =	simm.s32 @p2 $0x1  }
0x17: {  	s4 =	simm.s32 $0x1BF5;
	[smem:$0x3FAB] =	sst s0  }
0x18: {  	s0 =	sld [smem:$0x3F8E];
	_ =	swait.ge [sflag:s4], $0x0  }
0x19: {  	s7 =	sld [smem:$0x3F8F]  }
0x1a: {  	s8 =	sadd.s32 $0xFFFFE003, lr  }
0x1b: {  	s9 =	sadd.s32 $0xFFFFFEF7, lr;
	s5 =	simm.s32 $0xFFFFFFFF;
	p2 =	slt.u32 s8, $0xFFFFF086  }
0x1c: {  	p1 =	slt.u32 s9, $0xF7A;
	s5 =	simm.s32 @!p2 $0x0  }
0x1d: {  	s5 =	simm.s32 @p1 $0x1;
	p0 =	seq.s32 s7, s2  }
0x1e: {  	s7 =	smul.u32 @!p0 $0xF7A, s2;
	p2 =	seq.s32 @!p0 s5, $0x0  }
0x1f: {  	s9 =	smul.u32 $0xF7A, s1;
	s8 =	simm.s32 @!p0 $0x1BF5;
	p2 =	por !p2, p0  }
0x20: {  	[sflag:s8] =	ssyncset.s32 @!p0 $0xFFFFF086;
	s6 =	sadd.s32 @!p0 s3, s7;
	s7 =	simm.s32 @!p0 $0x108  }
0x21: {  	s3 =	sadd.s32 s3, s9;
	s6 =	sadd.s32 @!p0 $0x88, s6;
	s7 =	simm.s32 @p2 $0x1082  }
0x22: {  	[simem:s7], [sflag:s8] =	dma.local @!p0 [hbm:s6], $0xF7A  }
0x23: {  	s9 =	sor.u32 $0xD0000000, s2;
	s6 =	simm.s32 $0x108;
	_ =	swait.ge @!p0 [sflag:s8], $0x0  }
0x24: {  	s3 =	sadd.s32 $0x88, s3;
	s6 =	simm.s32 @!p1 $0x1082;
	[sflag:s4] =	ssyncset.s32 $0xFFFFF086  }
0x25: {  	[simem:s6], [sflag:s4] =	dma.local [hbm:s3], $0xF7A  }
0x26: {  	[smem:$0x3F8F] =	sst s1;
	(tag) =	ssettag s2;
	_ =	strace s9  }
0x27: {  	s1 =	sld [smem:$0x3F9F]  }
0x28: {  	s2 =	sld [smem:$0x3FA0]  }
0x29: {  	s4 =	sld [smem:$0x3FA2]  }
0x2a: {  	p0 =	seq.s32 s5, $0x0;
	s5 =	sld [smem:$0x3FA3]  }
0x2b: {  	s6 =	sld [smem:$0x3FA4]  }
0x2c: {  	s7 =	sld [smem:$0x3FA5]  }
0x2d: {  	s3 =	simm.s32 $0x108;
	s8 =	sld [smem:$0x3FA6]  }
0x2e: {  	s3 =	simm.s32 @!p0 $0x1082;
	s9 =	sld [smem:$0x3FA7]  }
0x2f: {  	lr =	sadd.s32 s0, s3;
	s0 =	sld [smem:$0x3F9E]  }
0x30: {  	s3 =	sld [smem:$0x3FA1]  }
0x31: {  	[smem:$0x3FAA] =	sst s10  }
0x32: {  	s10 =	sld [smem:$0x3FA8];
	_ =	sdelay $0x3  }
0x33: {  	p0 =	seq.s32 s10, $0x1;
	s10 =	sld [smem:$0x3FAA];
	_ =	sdelay $0x3  }
0x34: {  	[smem:$0x3FAA] =	sst s10  }
0x35: {  	s10 =	sld [smem:$0x3FA9];
	_ =	sdelay $0x3  }
0x36: {  	p1 =	seq.s32 s10, $0x1;
	s10 =	sld [smem:$0x3FAA];
	_ =	sdelay $0x3  }
0x37: {  	[smem:$0x3FAA] =	sst s10  }
0x38: {  	s10 =	sld [smem:$0x3FAB]  }
0x39: {  	_ = 	snop;
	(pc) =	sbr.ind lr, $3  }
0x3a: {  	_ = 	snop  }
0x3b: {  	_ = 	snop  }
0x3c: {  	p2 =	seq.s32 s10, $0x1;
	s10 =	sld [smem:$0x3FAA]  }
0x3d: {  	_ =	shalt  }
0x3e: {  	_ =	shalt  }
0x3f: {  	_ =	shalt  }
0x40: {  	_ =	shalt  }
0x41: {  	_ =	shalt  }
0x42: {  	_ =	shalt  }
0x43: {  	_ =	shalt  }
0x44: {  	_ =	shalt  }
0x45: {  	_ =	shalt  }
0x46: {  	_ =	shalt  }
0x47: {  	_ =	shalt  }
0x48: {  	_ =	shalt  }
0x49: {  	_ =	shalt  }
0x4a: {  	_ =	shalt  }
0x4b: {  	_ =	shalt  }
0x4c: {  	_ =	shalt  }
0x4d: {  	_ =	shalt  }
0x4e: {  	_ =	shalt  }
0x4f: {  	_ =	shalt  }
0x50: {  	_ =	shalt  }
0x51: {  	_ =	shalt  }
0x52: {  	_ =	shalt  }
0x53: {  	_ =	shalt  }
0x54: {  	_ =	shalt  }
0x55: {  	_ =	shalt  }
0x56: {  	_ =	shalt  }
0x57: {  	_ =	shalt  }
0x58: {  	_ =	shalt  }
0x59: {  	_ =	shalt  }
0x5a: {  	_ =	shalt  }
0x5b: {  	_ =	shalt  }
0x5c: {  	_ =	shalt  }
0x5d: {  	_ =	shalt  }
0x5e: {  	_ =	shalt  }
0x5f: {  	_ =	shalt  }
0x60: {  	_ =	shalt  }
0x61: {  	_ =	shalt  }
0x62: {  	_ =	shalt  }
0x63: {  	_ =	shalt  }
0x64: {  	_ =	shalt  }
0x65: {  	_ =	shalt  }
0x66: {  	_ =	shalt  }
0x67: {  	_ =	shalt  }
0x68: {  	_ =	shalt  }
0x69: {  	_ =	shalt  }
0x6a: {  	_ =	shalt  }
0x6b: {  	_ =	shalt  }
0x6c: {  	_ =	shalt  }
0x6d: {  	_ =	shalt  }
0x6e: {  	_ =	shalt  }
0x6f: {  	_ =	shalt  }
0x70: {  	_ =	shalt  }
0x71: {  	_ =	shalt  }
0x72: {  	_ =	shalt  }
0x73: {  	_ =	shalt  }
0x74: {  	_ =	shalt  }
0x75: {  	_ =	shalt  }
0x76: {  	_ =	shalt  }
0x77: {  	_ =	shalt  }
0x78: {  	_ =	shalt  }
0x79: {  	_ =	shalt  }
0x7a: {  	_ =	shalt  }
0x7b: {  	_ =	shalt  }
0x7c: {  	_ =	shalt  }
0x7d: {  	_ =	shalt  }
0x7e: {  	_ =	shalt  }
0x7f: {  	_ =	shalt  }
0x80: {  	_ =	shalt  }
0x81: {  	_ =	shalt  }
0x82: {  	_ =	shalt  }
0x83: {  	_ =	shalt  }
0x84: {  	_ =	shalt  }
0x85: {  	_ =	shalt  }
0x86: {  	_ =	shalt  }
0x87: {  	_ =	shalt  }
.Lfunc_end0:
.L_simem_size_0:
called_computation.1_lowered:
.L_overlay_start_0:
0x88: {  	s2 =	sld [smem:$0x3FD9]  }
0x89: {  	s3 =	sld [smem:$0x3FFE];
	_ =	sdelay $0x1  }
0x8a: {  	s1 =	srdreg.scid  }
0x8b: {  	s0 =	sand.u32 $0x1, s1  }
0x8c: {  	s16 =	sshll.u32 s0, $0xA;
	s2 =	sadd.s32 s3, s2  }
0x8d: {  	s2 =	sadd.s32 s2, s16  }
0x8e: {  	[smem:$0x3FB6] =	sst s2  }
0x8f: {  	_ = 	snop  }
0x90: {  	(tm) =	ssettm $0x1  }
0x91: {  	s17 =	sld [smem:$0x3FFB];
	_ =	sdelay $0x3  }
0x92: {  	_ =	strace s17  }
0x93: {  	s2 =	sld [smem:$0x3FFC];
	_ =	sdelay $0x3  }
0x94: {  	_ =	strace s2  }
0x95: {  	s2 =	sld [smem:$0x3FFD];
	_ =	sdelay $0x3  }
0x96: {  	_ =	strace s2  }
0x97: {  	_ =	strace $0x8FFFFFFF  }
0x98: {  	s18 =	sld [smem:$0x3FDB];
	_ =	sdelay $0x1  }
0x99: {  	s19 =	simm.s32 $_scs_section_size  }
0x9a: {  	s4 =	simm.s32 $_size__tile_overlayer_lowered;
	s5 =	simm.s32 $_tile_overlayer_lowered  }
0x9b: {  	s22 =	simm.s32 $0x1BFF;
	s21 =	sshll.u32 s5, $0x1;
	s2 =	sadd.s32 s19, s18  }
0x9c: {  	s6 =	simm.s32 $0x0;
	s20 =	sshll.u32 s4, $0x1;
	s4 =	sadd.s32 s21, s2  }
0x9d: {  	[timem:s6], [sflag:s22] =	dma.local [hbm:s4], s20  }
0x9e: {  	_ =	swait.ge [sflag:s22], s20  }
0x9f: {  	s3 =	ssub.s32 $0x0, s20;
	[sflag:s22] =	ssyncset.done $0x0  }
0xa0: {  	[sflag:s22] =	ssyncadd.s32 s3;
	_ =	sdelay $0x1  }
0xa1: {  	s23 =	simm.s32 $0x1B8B  }
0xa2: {  	_ =	swait.ge [sflag:s23], $0x1  }
0xa3: {  	[sflag:s23] =	ssyncset.done $0x0  }
0xa4: {  	s25 =	simm.s32 $0x1B8E;
	s24 =	sld [smem:$0x3FFE];
	[sflag:s23] =	ssyncadd.s32 $0xFFFFFFFF  }
0xa5: {  	s26 =	simm.s32 $execute0_lowered;
	[smem:$0x3FD2] =	sst s25  }
0xa6: {  	s4 =	sshll.u32 s26, $0x1;
	_ =	strace $0x80000049;
	[dreg:$0x1] =	wrdreg $0xFFFFFFFF  }
0xa7: {  	s28 =	simm.s32 $_size_execute0_lowered;
	s2 =	sadd.s32 s2, s4;
	[dreg:$0x0] =	wrdreg $0x0  }
0xa8: {  	s4 =	sshll.u32 s28, $0x1;
	[dreg:$0x2] =	wrdreg s2  }
0xa9: {  	[dreg:$0x3] =	wrdreg s4  }
0xaa: {  	[dreg:$0x4] =	wrdreg $0xC0  }
0xab: {  	_ =	task [dreg:s6], $0x5FFFF  }
0xac: {  	[dreg:$0x1] =	wrdreg $0xFFFFFFFF  }
0xad: {  	[dreg:$0x0] =	wrdreg $0x60  }
0xae: {  	[dreg:$0x2] =	wrdreg s24  }
0xaf: {  	[dreg:$0x3] =	wrdreg $0x0  }
0xb0: {  	[dreg:$0x4] =	wrdreg $0x9  }
0xb1: {  	_ =	task.clear_ibuf [dreg:s6], $0x5FFFF;
	_ =	strace $0x90000049  }
0xb2: {  	s29 =	simm.s32 $0x9;
	_ =	strace $0x8000004B  }
0xb3: {  	_ =	swait.ge [sflag:s29], $0x1  }
0xb4: {  	[sflag:s29] =	ssyncadd.s32 $0xFFFFFFFF  }
0xb5: {  	_ =	strace $0x9000004B  }
0xb6: {  	_ =	sfence  }
0xb7: {  	s30 =	sld [smem:$0x0];
	_ =	sdelay $0x2  }
0xb8: {  	s31 =	sshll.u32 s1, $0xD;
	s1 =	sshrl.u32 s1, $0x2  }
0xb9: {  	s3 =	sand.u32 $0x4000, s31;
	s1 =	sadd.s32 s1, s30  }
0xba: {  	s0 =	sor.u32 s3, s0;
	s1 =	sshll.u32 s1, $0x11  }
0xbb: {  	s0 =	sor.u32 s1, s0  }
0xbc: {  	s0 =	sadd.s32 $0x8F2B, s0  }
0xbd: {  	[sflag:s0] =	ssyncadd.remote.s32 $0x1  }
0xbe: {  	_ =	sfence.sel $0xFFFF  }
0xbf: {  	[dreg:$0x0] =	wrdreg $0xFFFFFFFF;
	(pc) =	sbr.abs _section_cstart, $3  }
0xc0: {  	[dreg:$0x1] =	wrdreg $0xFFFFFFFF  }
0xc1: {  	_ =	task.clear_ibuf [dreg:s6], $0x2FFFF;
	_ =	strace $0x9FFFFFFF  }
0xc2: {  	(tm) =	ssettm $0x7FFFFFFF  }
0xc3: {  	_ =	shalt  }
tec
execute0_lowered:
.L_overlay_start_1:
0x0: {  	(tag) =	ssettag $0x1  }
0x1: {  	s5 =	rddreg [dreg:$0x0]  }
0x2: {  	s2 =	rddreg [dreg:$0x1];
	s3 =	srdreg.scid  }
0x3: {  	s1 =	stileid.u32;
	s0 =	rddreg [dreg:$0x2];
	s12 =	simm.s32 $0x1  }
0x4: {  	s13 =	simm.s32 $0x7800;
	s14 =	simm.s32 $0xA000;
	s15 =	simm.s32 $0xD800  }
0x5: {  	s16 =	simm.s32 $0x80;
	s17 =	simm.s32 $0xC800;
	s18 =	simm.s32 $0x0  }
0x6: {  	s6 =	sand.u32 $0x1, s3;
	s8 =	smul.u32 $0x5000, s1;
	s3 =	simm.s32 $0x0  }
0x7: {  	s4 =	sshll.u32 s1, $0x1;
	s7 =	smul.u32 $0x50000, s6;
	[smem:$0x7FF] =	sst s3  }
0x8: {  	s4 =	sor.u32 s6, s4;
	s6 =	ssub.s32 $0x2, s6;
	_ =	strace $0x8000004A  }
0x9: {  	s9 =	smul.u32 $0x500, s4;
	s31 =	sshrl.u32 s6, $0x1;
	s7 =	sadd.s32 s8, s7  }
0xa: {  	s4 =	sadd.s32 $0x21A00, s5;
	s11 =	ssub.s32 s6, s31;
	s7 =	sshrl.u32 s7, $0x3  }
0xb: {  	s8 =	sadd.s32 s8, s2;
	s9 =	sadd.s32 s9, s5;
	s10 =	sadd.s32 s7, s5  }
0xc: {  	s5 =	sadd.s32 $0x17A00, s9;
	s6 =	sadd.s32 $0x3000, s9;
	s7 =	sadd.s32 $0xD000, s9  }
0xd: {  	v0 =	vimm.f32 $0.0e+00;
	s9 =	sadd.s32 $0x2B800, s10;
	s10 =	smax.u32 s11, $0x1;
	s11 =	simm.s32 $0x5000  }
.LBB2_1:
0xe: {  	[tilespmem:s11], [sflag:$0x1] =	stream.linear.gather [hbm4b:s5+s3], $0x2800, $0x38;
	[tilespmem:$0x12800] =	vst v63  }
0xf: {  	_ =	swait.ge [sflag:s12], $0x2800  }
0x10: {  	[sflag:s12] =	ssyncset.done $0x0  }
0x11: {  	[sflag:s12] =	ssyncadd.s32 $0xFFFFD800  }
0x12: {  	[tilespmem:s13], [sflag:$0x1] =	stream.linear.gather [hbm4b:s6+s3], $0x2800, $0x38;
	[tilespmem:$0x12800] =	vst v63  }
0x13: {  	_ =	swait.ge [sflag:s12], $0x2800  }
0x14: {  	[sflag:s12] =	ssyncset.done $0x0  }
0x15: {  	[sflag:s12] =	ssyncadd.s32 $0xFFFFD800  }
0x16: {  	[tilespmem:s14], [sflag:$0x1] =	stream.linear.gather [hbm4b:s7+s3], $0x2800, $0x38;
	[tilespmem:$0x12800] =	vst v63  }
0x17: {  	_ =	swait.ge [sflag:s12], $0x2800  }
0x18: {  	[sflag:s12] =	ssyncset.done $0x0  }
0x19: {  	s19 =	simm.s32 $0x80;
	s20 =	simm.s32 $0x0;
	[sflag:s12] =	ssyncadd.s32 $0xFFFFD800  }
.LBB2_2:
0x1a: {  	p0 =	sne.s32 s19, $0x13F80;
	[tilespmem:s20+$0xD800] =	vst v0;
	s21 =	smov.u32 s19;
	s19 =	sadd.s32 $0x80, s19  }
.Ltmp0:
0x1b: {  	[tilespmem:s20+$0xD810] =	vst v0;
	(pc) =	sbr.rel @p0 .LBB2_2-.Ltmp0, $2  }
0x1c: {  	_ =	sdelay $0x2  }
0x1d: {  	s20 =	sshra.s32 s21, $0x2  }
0x1e: {  	[tilespmem:s20+$0xD800] =	vst v0  }
0x1f: {  	[tilespmem:s20+$0xD810] =	vst v0  }
0x20: {  	[spmem:s8] =	stream.linear.scatter [tilespmem:s15], [sflag:$0x1], $0x5000, $0x38;
	[tilespmem:$0x12800] =	vst v63  }
0x21: {  	_ =	swait.ge [sflag:s12], $0x5000  }
0x22: {  	[sflag:s12] =	ssyncset.done $0x0  }
0x23: {  	[sflag:s12] =	ssyncadd.s32 $0xFFFFB000  }
0x24: {  	s19 =	simm.s32 $0x0;
	s20 =	simm.s32 $0xA000;
	[bflag:$0x0] =	sbarrier.arrive $0xFFFF  }
.LBB2_4:
0x25: {  	s21 =	sshll.u32 s19, $0x7  }
0x26: {  	s22 =	sadd.s32 $0x5000, s21  }
0x27: {  	[tilespmem:s17], [sflag:$0x1] =	stream.indirect.gather [hbm4b:s4+s16], $0x20, s22, s16, $0xb8;
	[tilespmem:$0x12800] =	vst v63  }
0x28: {  	_ =	swait.ge [sflag:s12], $0x1000  }
0x29: {  	[sflag:s12] =	ssyncset.done $0x0  }
0x2a: {  	s22 =	simm.s32 $0xC900;
	[sflag:s12] =	ssyncadd.s32 $0xFFFFF000  }
0x2b: {  	v7 =	vld [tilespmem:s22+$0xFFFFFFA0]  }
0x2c: {  	v4 =	vld [tilespmem:s22+$0xFFFFFFF0]  }
0x2d: {  	v1 =	vld [tilespmem:s22+$0xFFFFFF60]  }
0x2e: {  	v5 =	vmov s20;
	v8 =	vld [tilespmem:s22+$0xFFFFFFD0]  }
0x2f: {  	v9 =	vld [tilespmem:s22+$0x80]  }
0x30: {  	v12 =	vld [tilespmem:s22+$0xFFFFFF10]  }
0x31: {  	v16 =	vld [tilespmem:s22+$0xE0]  }
0x32: {  	s23 =	simm.s32 $0x0;
	v11 =	vld [tilespmem:s22+$0xFFFFFF40]  }
0x33: {  	v2 =	vld.idx.msk [tilespmem:v5+s23+$0x0 ss:$0x1], $0xffff  }
0x34: {  	v3 =	vld [tilespmem:s22+$0xFFFFFF90]  }
0x35: {  	v10 =	vld [tilespmem:s22+$0xFFFFFFC0]  }
0x36: {  	v13 =	vld [tilespmem:s22+$0xFFFFFF00]  }
0x37: {  	v14 =	vld [tilespmem:s22+$0xD0]  }
0x38: {  	v23 =	vld [tilespmem:s22+$0xC0]  }
0x39: {  	v21 =	vld [tilespmem:s22+$0x90];
	v19 =	vbroadcast v2, $0x0;
	v6 =	vbroadcast v2, $0xF  }
0x3a: {  	v22 =	vld [tilespmem:s22+$0xFFFFFF50];
	v20 =	vbroadcast v2, $0x2;
	v18 =	vbroadcast v2, $0xE  }
0x3b: {  	v17 =	vld [tilespmem:s22+$0xB0];
	v15 =	vbroadcast v2, $0xC;
	v25 =	vmul.f32 v19, v13  }
0x3c: {  	s24 =	simm.s32 $0xC900;
	s23 =	simm.s32 $0x40;
	v13 =	vbroadcast v2, $0xD;
	v24 =	vmul.f32 v11, v20;
	v11 =	vld [tilespmem:s22+$0x60]  }
.LBB2_5:
0x3d: {  	p0 =	sne.s32 s23, $0x1C0  }
0x3e: {  	[tilespmem:s22+$0xFFFFFF00] =	vst v25;
	v25 =	vld [tilespmem:s22+$0xFFFFFFB0];
	v23 =	vmul.f32 v23, v18;
	v16 =	vmul.f32 v16, v6;
	s24 =	sadd.s32 $0x200, s24;
	s25 =	smov.u32 s23;
	s23 =	sadd.s32 $0x40, s23  }
0x3f: {  	[tilespmem:s22+$0xFFFFFF40] =	vst v24;
	v24 =	vbroadcast v2, $0xA;
	v21 =	vmul.f32 v21, v15;
	v26 =	vld [tilespmem:s22+$0xA0]  }
0x40: {  	v12 =	vmul.f32 v12, v19;
	v19 =	vmul.f32 v22, v20;
	v20 =	vld [tilespmem:s22+$0x70];
	[tilespmem:s22+$0xE0] =	vst v16  }
0x41: {  	v16 =	vbroadcast v2, $0x5;
	v22 =	vld [tilespmem:s22+$0xFFFFFFE0];
	v17 =	vmul.f32 v17, v13;
	[tilespmem:s22+$0xC0] =	vst v23  }
0x42: {  	v14 =	vmul.f32 v14, v18;
	[tilespmem:s22+$0xFFFFFF10] =	vst v12;
	v12 =	vbroadcast v2, $0x6;
	v23 =	vld [tilespmem:s22+$0x40]  }
0x43: {  	v27 =	vbroadcast v2, $0xB;
	v7 =	vmul.f32 v7, v16;
	v18 =	vld [tilespmem:s22+$0xFFFFFF20];
	[tilespmem:s22+$0x90] =	vst v21  }
0x44: {  	v21 =	vbroadcast v2, $0x9;
	[tilespmem:s22+$0xFFFFFF50] =	vst v19;
	v19 =	vld [tilespmem:s22+$0x20];
	v13 =	vmul.f32 v26, v13  }
0x45: {  	v16 =	vmul.f32 v25, v16;
	v25 =	vld [tilespmem:s22+$0x50];
	v20 =	vmul.f32 v20, v27;
	[tilespmem:s22+$0xD0] =	vst v14  }
0x46: {  	v9 =	vmul.f32 v9, v15;
	v14 =	vbroadcast v2, $0x7;
	v26 =	vld [tilespmem:s22+$0x30];
	[tilespmem:s22+$0xA0] =	vst v13  }
0x47: {  	v10 =	vmul.f32 v10, v12;
	v13 =	vbroadcast v2, $0x3;
	v15 =	vld [tilespmem:s22+$0x0];
	[tilespmem:s22+$0x70] =	vst v20  }
0x48: {  	v11 =	vmul.f32 v11, v27;
	v8 =	vmul.f32 v8, v12;
	v12 =	vld [tilespmem:s22+$0x10];
	[tilespmem:s22+$0x80] =	vst v9  }
0x49: {  	v20 =	vbroadcast v2, $0x8;
	v23 =	vmul.f32 v23, v24;
	v9 =	vld [tilespmem:s22+$0xFFFFFF30];
	[tilespmem:s22+$0xB0] =	vst v17  }
0x4a: {  	v17 =	vbroadcast v2, $0x1;
	v27 =	vld [tilespmem:s22+$0xFFFFFF70];
	[tilespmem:s22+$0xFFFFFFD0] =	vst v8;
	v24 =	vmul.f32 v25, v24  }
0x4b: {  	v4 =	vmul.f32 v4, v14;
	v8 =	vmul.f32 v22, v14;
	[tilespmem:s22+$0xFFFFFFC0] =	vst v10;
	v10 =	vld [tilespmem:s22+$0xF0]  }
0x4c: {  	v22 =	vmul.f32 v26, v21;
	v14 =	vld [tilespmem:s22+$0xFFFFFF80];
	[tilespmem:s22+$0xFFFFFFA0] =	vst v7;
	v15 =	vmul.f32 v15, v20  }
0x4d: {  	v7 =	vld [tilespmem:s24+$0xFFFFFFA0];
	[tilespmem:s22+$0xFFFFFFF0] =	vst v4;
	v20 =	vmul.f32 v12, v20;
	v12 =	vmul.f32 v19, v21  }
0x4e: {  	v4 =	vmul.f32 v18, v17;
	v17 =	vmul.f32 v9, v17;
	[tilespmem:s22+$0x60] =	vst v11  }
0x4f: {  	v1 =	vmul.f32 v1, v13;
	v9 =	vmul.f32 v27, v13;
	[tilespmem:s22+$0xFFFFFFB0] =	vst v16  }
0x50: {  	v2 =	vbroadcast v2, $0x4;
	[tilespmem:s22+$0xFFFFFF20] =	vst v4;
	v4 =	vmul.f32 v10, v6  }
0x51: {  	[tilespmem:s22+$0xFFFFFF60] =	vst v1  }
0x52: {  	v6 =	vmul.f32 v14, v2;
	v1 =	vmul.f32 v3, v2;
	[tilespmem:s22+$0x40] =	vst v23  }
0x53: {  	[tilespmem:s22+$0xFFFFFFE0] =	vst v8  }
0x54: {  	[tilespmem:s22+$0xF0] =	vst v4  }
0x55: {  	[tilespmem:s22+$0xFFFFFF90] =	vst v1  }
0x56: {  	[tilespmem:s22+$0xFFFFFF70] =	vst v9  }
0x57: {  	v4 =	vld [tilespmem:s24+$0xFFFFFFF0];
	[tilespmem:s22+$0x20] =	vst v12  }
0x58: {  	v1 =	vld [tilespmem:s24+$0xFFFFFF60];
	[tilespmem:s22+$0x30] =	vst v22  }
0x59: {  	v8 =	vld [tilespmem:s24+$0xFFFFFFD0];
	[tilespmem:s22+$0xFFFFFF80] =	vst v6  }
0x5a: {  	v9 =	vld [tilespmem:s24+$0x80];
	[tilespmem:s22+$0x50] =	vst v24  }
0x5b: {  	v12 =	vld [tilespmem:s24+$0xFFFFFF10];
	[tilespmem:s22+$0x0] =	vst v15  }
0x5c: {  	v16 =	vld [tilespmem:s24+$0xE0];
	[tilespmem:s22+$0xFFFFFF30] =	vst v17  }
0x5d: {  	s25 =	sshra.s32 s25, $0x2;
	v11 =	vld [tilespmem:s24+$0xFFFFFF40];
	[tilespmem:s22+$0x10] =	vst v20;
	s22 =	smov.u32 s24  }
0x5e: {  	v2 =	vld.idx.msk [tilespmem:v5+s25+$0x0 ss:$0x1], $0xffff  }
0x5f: {  	v3 =	vld [tilespmem:s24+$0xFFFFFF90]  }
0x60: {  	v10 =	vld [tilespmem:s24+$0xFFFFFFC0]  }
0x61: {  	v13 =	vld [tilespmem:s24+$0xFFFFFF00]  }
0x62: {  	v14 =	vld [tilespmem:s24+$0xD0]  }
.Ltmp1:
0x63: {  	v23 =	vld [tilespmem:s24+$0xC0];
	(pc) =	sbr.rel @p0 .LBB2_5-.Ltmp1, $4  }
0x64: {  	v19 =	vbroadcast v2, $0x0;
	v6 =	vbroadcast v2, $0xF;
	v21 =	vld [tilespmem:s24+$0x90]  }
0x65: {  	v20 =	vbroadcast v2, $0x2;
	v18 =	vbroadcast v2, $0xE;
	v22 =	vld [tilespmem:s24+$0xFFFFFF50]  }
0x66: {  	v25 =	vmul.f32 v19, v13;
	v13 =	vbroadcast v2, $0xD;
	v17 =	vld [tilespmem:s24+$0xB0]  }
0x67: {  	v15 =	vbroadcast v2, $0xC;
	v24 =	vmul.f32 v11, v20;
	v11 =	vld [tilespmem:s24+$0x60]  }
0x68: {  	[tilespmem:s22+$0xFFFFFF00] =	vst v25;
	v5 =	vmul.f32 v16, v6  }
0x69: {  	v30 =	vmul.f32 v23, v18;
	[tilespmem:s22+$0xFFFFFF40] =	vst v24  }
0x6a: {  	v12 =	vmul.f32 v12, v19;
	[tilespmem:s22+$0xE0] =	vst v5  }
0x6b: {  	v35 =	vmul.f32 v14, v18;
	[tilespmem:s22+$0xC0] =	vst v30  }
0x6c: {  	v33 =	vmul.f32 v21, v15;
	[tilespmem:s22+$0xFFFFFF10] =	vst v12  }
0x6d: {  	v41 =	vbroadcast v2, $0x6;
	v9 =	vmul.f32 v9, v15;
	[tilespmem:s22+$0xD0] =	vst v35  }
0x6e: {  	v20 =	vmul.f32 v22, v20;
	[tilespmem:s22+$0x90] =	vst v33  }
0x6f: {  	v45 =	vbroadcast v2, $0x5;
	v8 =	vmul.f32 v8, v41;
	[tilespmem:s22+$0x80] =	vst v9  }
0x70: {  	v47 =	vbroadcast v2, $0x7;
	v10 =	vmul.f32 v10, v41;
	[tilespmem:s22+$0xFFFFFF50] =	vst v20  }
0x71: {  	v54 =	vbroadcast v2, $0x3;
	v7 =	vmul.f32 v7, v45;
	[tilespmem:s22+$0xFFFFFFD0] =	vst v8  }
0x72: {  	v31 =	vld [tilespmem:s22+$0xA0];
	v59 =	vbroadcast v2, $0x4;
	v4 =	vmul.f32 v4, v47;
	[tilespmem:s22+$0xFFFFFFC0] =	vst v10  }
0x73: {  	v32 =	vld [tilespmem:s22+$0x70];
	v1 =	vmul.f32 v1, v54;
	[tilespmem:s22+$0xFFFFFFA0] =	vst v7  }
0x74: {  	v34 =	vld [tilespmem:s22+$0xFFFFFFB0];
	v37 =	vbroadcast v2, $0xB;
	v3 =	vmul.f32 v3, v59;
	[tilespmem:s22+$0xFFFFFFF0] =	vst v4  }
0x75: {  	v36 =	vld [tilespmem:s22+$0xFFFFFF20];
	v43 =	vmul.f32 v17, v13;
	[tilespmem:s22+$0xFFFFFF60] =	vst v1  }
0x76: {  	v40 =	vld [tilespmem:s22+$0x40];
	v11 =	vmul.f32 v11, v37;
	[tilespmem:s22+$0xFFFFFF90] =	vst v3  }
0x77: {  	v38 =	vld [tilespmem:s22+$0xFFFFFFE0];
	v39 =	vmul.f32 v31, v13;
	[tilespmem:s22+$0xB0] =	vst v43  }
0x78: {  	v52 =	vbroadcast v2, $0x1;
	v55 =	vld [tilespmem:s22+$0xF0];
	v19 =	vmul.f32 v32, v37;
	[tilespmem:s22+$0x60] =	vst v11  }
0x79: {  	v49 =	vld [tilespmem:s22+$0xFFFFFF70];
	v56 =	vbroadcast v2, $0xA;
	v53 =	vmul.f32 v34, v45;
	[tilespmem:s22+$0xA0] =	vst v39  }
0x7a: {  	v46 =	vld [tilespmem:s22+$0x30];
	v14 =	vmul.f32 v36, v52;
	[tilespmem:s22+$0x70] =	vst v19  }
0x7b: {  	v50 =	vld [tilespmem:s22+$0xFFFFFF80];
	v58 =	vmul.f32 v40, v56;
	[tilespmem:s22+$0xFFFFFFB0] =	vst v53  }
0x7c: {  	v44 =	vld [tilespmem:s22+$0x20];
	v5 =	vmul.f32 v38, v47;
	[tilespmem:s22+$0xFFFFFF20] =	vst v14  }
0x7d: {  	v57 =	vld [tilespmem:s22+$0xFFFFFF30];
	v60 =	vbroadcast v2, $0x9;
	v1 =	vmul.f32 v55, v6;
	[tilespmem:s22+$0x40] =	vst v58  }
0x7e: {  	v42 =	vld [tilespmem:s22+$0x50];
	v61 =	vmul.f32 v49, v54;
	[tilespmem:s22+$0xFFFFFFE0] =	vst v5  }
0x7f: {  	v48 =	vld [tilespmem:s22+$0x0];
	v3 =	vmul.f32 v46, v60;
	[tilespmem:s22+$0xF0] =	vst v1  }
0x80: {  	v51 =	vld [tilespmem:s22+$0x10];
	v62 =	vmul.f32 v50, v59;
	[tilespmem:s22+$0xFFFFFF70] =	vst v61  }
0x81: {  	v1 =	vmul.f32 v44, v60;
	[tilespmem:s22+$0x30] =	vst v3  }
0x82: {  	v2 =	vbroadcast v2, $0x8;
	v63 =	vmul.f32 v57, v52;
	[tilespmem:s22+$0xFFFFFF80] =	vst v62  }
0x83: {  	[tilespmem:s22+$0x20] =	vst v1;
	v1 =	vmul.f32 v42, v56  }
0x84: {  	v3 =	vmul.f32 v48, v2;
	[tilespmem:s22+$0xFFFFFF30] =	vst v63  }
0x85: {  	s19 =	sadd.s32 $0x1, s19;
	[tilespmem:s22+$0x50] =	vst v1;
	v1 =	vmul.f32 v51, v2  }
0x86: {  	p0 =	sne.s32 s19, $0x50;
	[tilespmem:s22+$0x0] =	vst v3  }
.Ltmp2:
0x87: {  	s21 =	sadd.s32 $0x7800, s21;
	[tilespmem:s22+$0x10] =	vst v1;
	(pc) =	sbr.rel @p0 .LBB2_4-.Ltmp2, $4  }
0x88: {  	[spmem:s2] =	stream.indirect.scatter.add.f32 [tilespmem:s17], [sflag:$0x1], $0x20, s21, s16, $0xb8;
	[tilespmem:$0x12800] =	vst v63  }
0x89: {  	_ =	swait.ge [sflag:s12], $0x1000  }
0x8a: {  	[sflag:s12] =	ssyncset.done $0x0  }
0x8b: {  	s20 =	sadd.s32 $0x80, s20;
	[sflag:s12] =	ssyncadd.s32 $0xFFFFF000  }
0x8c: {  	s18 =	sadd.s32 $0x1, s18  }
0x8d: {  	s19 =	sshll.u32 s1, $0x6;
	[bflag:$0x0] =	sbarrier.arrive $0xFFFF;
	p0 =	sne.s32 s18, s10  }
.Ltmp3:
0x8e: {  	s20 =	sshrl.u32 s8, $0x3;
	s19 =	sor.u32 $0x1C01, s19;
	(pc) =	sbr.rel @p0 .LBB2_1-.Ltmp3, $4  }
0x8f: {  	[hbm:s9], [sflag:s19] =	dma.local [spmem:s20], $0xA00  }
0x90: {  	_ =	swait.ge [sflag:s12], $0xA00  }
0x91: {  	[sflag:s12] =	ssyncset.done $0x0  }
0x92: {  	[sflag:s12] =	ssyncadd.s32 $0xFFFFF600  }
0x93: {  	_ =	sfence.sel $0x180000  }
0x94: {  	[bflag:$0x0] =	sbarrier.arrive $0xFFFF  }
0x95: {  	p0 =	sne.s32 s1, $0x0;
	_ =	strace $0x9000004A  }
0x96: {  	s0 =	sadd.s32 @!p0 $0x100000, s0;
	[bflag:$0x2] =	sbarrier.arrive $0xFFFF  }
0x97: {  	[sflag:s0] =	ssyncadd.tile.s32 @!p0 $0x1;
	_ =	shalt  }
.Lfunc_end2:
_tile_overlayer_lowered:
.L_overlay_start_2:
0x98: {  	(tag) =	ssettag $0x2  }
0x99: {  	s0 =	rddreg [dreg:$0x0];
	s2 =	stileid.u32  }
0x9a: {  	s1 =	rddreg [dreg:$0x1];
	p0 =	sne.s32 s2, $0x0  }
0x9b: {  	s3 =	rddreg [dreg:$0x2];
	[bflag:$0x3] =	sbarrier.arrive $0xFFFF;
	s2 =	simm.s32 @!p0 $0x1C01  }
0x9c: {  	[timem:s3], [sflag:s2] =	dma.local @!p0 [hbm:s0], s1  }
0x9d: {  	s0 =	simm.s32 @!p0 $0x1  }
0x9e: {  	_ =	swait.ge @!p0 [sflag:s0], s1  }
0x9f: {  	s1 =	ssub.s32 @!p0 $0x0, s1;
	[sflag:s0] =	ssyncset.done @!p0 $0x0  }
0xa0: {  	[sflag:s0] =	ssyncadd.s32 @!p0 s1  }
0xa1: {  	[bflag:$0x3] =	sbarrier.arrive $0xFFFF  }
0xa2: {  	_ =	shalt  }

// kernel: kernel.16.cloned.1.call-start
scs
__scs_entry_jumppad:
0x0: {  	(pc) =	sbr.rel $0x88, $3  }
0x1: {  	(tag) =	ssettag $0x0;
	lr =	simm.s32 $0x1  }
0x2: {  	[smem:$0x3F8F] =	sst lr;
	_ =	strace $0xD0000000  }
0x3: {  	_ = 	snop  }
0x4: {  	_ = 	snop  }
0x5: {  	_ = 	snop  }
0x6: {  	_ = 	snop  }
0x7: {  	_ = 	snop  }
__scs_overlays_trampoline_lowered:
0x8: {  	[smem:$0x3F9E] =	sst s0  }
0x9: {  	[smem:$0x3F9F] =	sst s1  }
0xa: {  	[smem:$0x3FA0] =	sst s2  }
0xb: {  	[smem:$0x3FA1] =	sst s3  }
0xc: {  	[smem:$0x3FA2] =	sst s4  }
0xd: {  	[smem:$0x3FA3] =	sst s5  }
0xe: {  	[smem:$0x3FA4] =	sst s6  }
0xf: {  	[smem:$0x3FA5] =	sst s7  }
0x10: {  	[smem:$0x3FA6] =	sst s8  }
0x11: {  	[smem:$0x3FA7] =	sst s9;
	s0 =	simm.s32 @!p0 $0x0  }
0x12: {  	s1 =	sld [smem:$0x3F8D];
	s0 =	simm.s32 @p0 $0x1  }
0x13: {  	[smem:$0x3FA8] =	sst s0;
	s0 =	simm.s32 @!p1 $0x0  }
0x14: {  	s2 =	sld [smem:$0x3F8C];
	s0 =	simm.s32 @p1 $0x1  }
0x15: {  	[smem:$0x3FA9] =	sst s0;
	s0 =	simm.s32 @!p2 $0x0  }
0x16: {  	s3 =	sld [smem:$0x3FDB];
	s0 =	simm.s32 @p2 $0x1  }
0x17: {  	s4 =	simm.s32 $0x1BF5;
	[smem:$0x3FAB] =	sst s0  }
0x18: {  	s0 =	sld [smem:$0x3F8E];
	_ =	swait.ge [sflag:s4], $0x0  }
0x19: {  	s7 =	sld [smem:$0x3F8F]  }
0x1a: {  	s8 =	sadd.s32 $0xFFFFE003, lr  }
0x1b: {  	s9 =	sadd.s32 $0xFFFFFEF7, lr;
	s5 =	simm.s32 $0xFFFFFFFF;
	p2 =	slt.u32 s8, $0xFFFFF086  }
0x1c: {  	p1 =	slt.u32 s9, $0xF7A;
	s5 =	simm.s32 @!p2 $0x0  }
0x1d: {  	s5 =	simm.s32 @p1 $0x1;
	p0 =	seq.s32 s7, s2  }
0x1e: {  	s7 =	smul.u32 @!p0 $0xF7A, s2;
	p2 =	seq.s32 @!p0 s5, $0x0  }
0x1f: {  	s9 =	smul.u32 $0xF7A, s1;
	s8 =	simm.s32 @!p0 $0x1BF5;
	p2 =	por !p2, p0  }
0x20: {  	[sflag:s8] =	ssyncset.s32 @!p0 $0xFFFFF086;
	s6 =	sadd.s32 @!p0 s3, s7;
	s7 =	simm.s32 @!p0 $0x108  }
0x21: {  	s3 =	sadd.s32 s3, s9;
	s6 =	sadd.s32 @!p0 $0x88, s6;
	s7 =	simm.s32 @p2 $0x1082  }
0x22: {  	[simem:s7], [sflag:s8] =	dma.local @!p0 [hbm:s6], $0xF7A  }
0x23: {  	s9 =	sor.u32 $0xD0000000, s2;
	s6 =	simm.s32 $0x108;
	_ =	swait.ge @!p0 [sflag:s8], $0x0  }
0x24: {  	s3 =	sadd.s32 $0x88, s3;
	s6 =	simm.s32 @!p1 $0x1082;
	[sflag:s4] =	ssyncset.s32 $0xFFFFF086  }
0x25: {  	[simem:s6], [sflag:s4] =	dma.local [hbm:s3], $0xF7A  }
0x26: {  	[smem:$0x3F8F] =	sst s1;
	(tag) =	ssettag s2;
	_ =	strace s9  }
0x27: {  	s1 =	sld [smem:$0x3F9F]  }
0x28: {  	s2 =	sld [smem:$0x3FA0]  }
0x29: {  	s4 =	sld [smem:$0x3FA2]  }
0x2a: {  	p0 =	seq.s32 s5, $0x0;
	s5 =	sld [smem:$0x3FA3]  }
0x2b: {  	s6 =	sld [smem:$0x3FA4]  }
0x2c: {  	s7 =	sld [smem:$0x3FA5]  }
0x2d: {  	s3 =	simm.s32 $0x108;
	s8 =	sld [smem:$0x3FA6]  }
0x2e: {  	s3 =	simm.s32 @!p0 $0x1082;
	s9 =	sld [smem:$0x3FA7]  }
0x2f: {  	lr =	sadd.s32 s0, s3;
	s0 =	sld [smem:$0x3F9E]  }
0x30: {  	s3 =	sld [smem:$0x3FA1]  }
0x31: {  	[smem:$0x3FAA] =	sst s10  }
0x32: {  	s10 =	sld [smem:$0x3FA8];
	_ =	sdelay $0x3  }
0x33: {  	p0 =	seq.s32 s10, $0x1;
	s10 =	sld [smem:$0x3FAA];
	_ =	sdelay $0x3  }
0x34: {  	[smem:$0x3FAA] =	sst s10  }
0x35: {  	s10 =	sld [smem:$0x3FA9];
	_ =	sdelay $0x3  }
0x36: {  	p1 =	seq.s32 s10, $0x1;
	s10 =	sld [smem:$0x3FAA];
	_ =	sdelay $0x3  }
0x37: {  	[smem:$0x3FAA] =	sst s10  }
0x38: {  	s10 =	sld [smem:$0x3FAB]  }
0x39: {  	_ = 	snop;
	(pc) =	sbr.ind lr, $3  }
0x3a: {  	_ = 	snop  }
0x3b: {  	_ = 	snop  }
0x3c: {  	p2 =	seq.s32 s10, $0x1;
	s10 =	sld [smem:$0x3FAA]  }
0x3d: {  	_ =	shalt  }
0x3e: {  	_ =	shalt  }
0x3f: {  	_ =	shalt  }
0x40: {  	_ =	shalt  }
0x41: {  	_ =	shalt  }
0x42: {  	_ =	shalt  }
0x43: {  	_ =	shalt  }
0x44: {  	_ =	shalt  }
0x45: {  	_ =	shalt  }
0x46: {  	_ =	shalt  }
0x47: {  	_ =	shalt  }
0x48: {  	_ =	shalt  }
0x49: {  	_ =	shalt  }
0x4a: {  	_ =	shalt  }
0x4b: {  	_ =	shalt  }
0x4c: {  	_ =	shalt  }
0x4d: {  	_ =	shalt  }
0x4e: {  	_ =	shalt  }
0x4f: {  	_ =	shalt  }
0x50: {  	_ =	shalt  }
0x51: {  	_ =	shalt  }
0x52: {  	_ =	shalt  }
0x53: {  	_ =	shalt  }
0x54: {  	_ =	shalt  }
0x55: {  	_ =	shalt  }
0x56: {  	_ =	shalt  }
0x57: {  	_ =	shalt  }
0x58: {  	_ =	shalt  }
0x59: {  	_ =	shalt  }
0x5a: {  	_ =	shalt  }
0x5b: {  	_ =	shalt  }
0x5c: {  	_ =	shalt  }
0x5d: {  	_ =	shalt  }
0x5e: {  	_ =	shalt  }
0x5f: {  	_ =	shalt  }
0x60: {  	_ =	shalt  }
0x61: {  	_ =	shalt  }
0x62: {  	_ =	shalt  }
0x63: {  	_ =	shalt  }
0x64: {  	_ =	shalt  }
0x65: {  	_ =	shalt  }
0x66: {  	_ =	shalt  }
0x67: {  	_ =	shalt  }
0x68: {  	_ =	shalt  }
0x69: {  	_ =	shalt  }
0x6a: {  	_ =	shalt  }
0x6b: {  	_ =	shalt  }
0x6c: {  	_ =	shalt  }
0x6d: {  	_ =	shalt  }
0x6e: {  	_ =	shalt  }
0x6f: {  	_ =	shalt  }
0x70: {  	_ =	shalt  }
0x71: {  	_ =	shalt  }
0x72: {  	_ =	shalt  }
0x73: {  	_ =	shalt  }
0x74: {  	_ =	shalt  }
0x75: {  	_ =	shalt  }
0x76: {  	_ =	shalt  }
0x77: {  	_ =	shalt  }
0x78: {  	_ =	shalt  }
0x79: {  	_ =	shalt  }
0x7a: {  	_ =	shalt  }
0x7b: {  	_ =	shalt  }
0x7c: {  	_ =	shalt  }
0x7d: {  	_ =	shalt  }
0x7e: {  	_ =	shalt  }
0x7f: {  	_ =	shalt  }
0x80: {  	_ =	shalt  }
0x81: {  	_ =	shalt  }
0x82: {  	_ =	shalt  }
0x83: {  	_ =	shalt  }
0x84: {  	_ =	shalt  }
0x85: {  	_ =	shalt  }
0x86: {  	_ =	shalt  }
0x87: {  	_ =	shalt  }
.Lfunc_end0:
.L_simem_size_0:
called_computation.2_lowered:
.L_overlay_start_0:
0x88: {  	s2 =	sld [smem:$0x3FD9]  }
0x89: {  	s3 =	sld [smem:$0x3FFE];
	_ =	sdelay $0x1  }
0x8a: {  	s1 =	srdreg.scid  }
0x8b: {  	s0 =	sand.u32 $0x1, s1  }
0x8c: {  	s16 =	sshll.u32 s0, $0xA;
	s2 =	sadd.s32 s3, s2  }
0x8d: {  	s2 =	sadd.s32 s2, s16  }
0x8e: {  	[smem:$0x3FB6] =	sst s2  }
0x8f: {  	_ = 	snop  }
0x90: {  	(tm) =	ssettm $0x1  }
0x91: {  	s17 =	sld [smem:$0x3FFB];
	_ =	sdelay $0x3  }
0x92: {  	_ =	strace s17  }
0x93: {  	s2 =	sld [smem:$0x3FFC];
	_ =	sdelay $0x3  }
0x94: {  	_ =	strace s2  }
0x95: {  	s2 =	sld [smem:$0x3FFD];
	_ =	sdelay $0x3  }
0x96: {  	_ =	strace s2  }
0x97: {  	_ =	strace $0x8FFFFFFF  }
0x98: {  	s18 =	sld [smem:$0x3FDB];
	_ =	sdelay $0x1  }
0x99: {  	s19 =	simm.s32 $_scs_section_size  }
0x9a: {  	s4 =	simm.s32 $_size__tile_overlayer_lowered;
	s5 =	simm.s32 $_tile_overlayer_lowered  }
0x9b: {  	s22 =	simm.s32 $0x1BFF;
	s21 =	sshll.u32 s5, $0x1;
	s2 =	sadd.s32 s19, s18  }
0x9c: {  	s6 =	simm.s32 $0x0;
	s20 =	sshll.u32 s4, $0x1;
	s4 =	sadd.s32 s21, s2  }
0x9d: {  	[timem:s6], [sflag:s22] =	dma.local [hbm:s4], s20  }
0x9e: {  	_ =	swait.ge [sflag:s22], s20  }
0x9f: {  	s3 =	ssub.s32 $0x0, s20;
	[sflag:s22] =	ssyncset.done $0x0  }
0xa0: {  	[sflag:s22] =	ssyncadd.s32 s3;
	_ =	sdelay $0x1  }
0xa1: {  	s23 =	simm.s32 $0x1B8B  }
0xa2: {  	_ =	swait.ge [sflag:s23], $0x1  }
0xa3: {  	[sflag:s23] =	ssyncset.done $0x0  }
0xa4: {  	s25 =	simm.s32 $0x1B8E;
	s24 =	sld [smem:$0x3FFE];
	[sflag:s23] =	ssyncadd.s32 $0xFFFFFFFF  }
0xa5: {  	s26 =	simm.s32 $execute0_lowered;
	[smem:$0x3FD2] =	sst s25  }
0xa6: {  	s4 =	sshll.u32 s26, $0x1;
	_ =	strace $0x8000004C;
	[dreg:$0x1] =	wrdreg $0xFFFFFFFF  }
0xa7: {  	s28 =	simm.s32 $_size_execute0_lowered;
	s2 =	sadd.s32 s2, s4;
	[dreg:$0x0] =	wrdreg $0x0  }
0xa8: {  	s4 =	sshll.u32 s28, $0x1;
	[dreg:$0x2] =	wrdreg s2  }
0xa9: {  	[dreg:$0x3] =	wrdreg s4  }
0xaa: {  	[dreg:$0x4] =	wrdreg $0xC0  }
0xab: {  	_ =	task [dreg:s6], $0x5FFFF  }
0xac: {  	[dreg:$0x1] =	wrdreg $0xFFFFFFFF  }
0xad: {  	[dreg:$0x0] =	wrdreg $0x60  }
0xae: {  	[dreg:$0x2] =	wrdreg s24  }
0xaf: {  	[dreg:$0x3] =	wrdreg $0x0  }
0xb0: {  	[dreg:$0x4] =	wrdreg $0x9  }
0xb1: {  	_ =	task.clear_ibuf [dreg:s6], $0x5FFFF;
	_ =	strace $0x9000004C  }
0xb2: {  	s29 =	simm.s32 $0x9;
	_ =	strace $0x8000004E  }
0xb3: {  	_ =	swait.ge [sflag:s29], $0x1  }
0xb4: {  	[sflag:s29] =	ssyncadd.s32 $0xFFFFFFFF  }
0xb5: {  	_ =	strace $0x9000004E  }
0xb6: {  	_ =	sfence  }
0xb7: {  	s30 =	sld [smem:$0x0];
	_ =	sdelay $0x2  }
0xb8: {  	s31 =	sshll.u32 s1, $0xD;
	s1 =	sshrl.u32 s1, $0x2  }
0xb9: {  	s3 =	sand.u32 $0x4000, s31;
	s1 =	sadd.s32 s1, s30  }
0xba: {  	s0 =	sor.u32 s3, s0;
	s1 =	sshll.u32 s1, $0x11  }
0xbb: {  	s0 =	sor.u32 s1, s0  }
0xbc: {  	s0 =	sadd.s32 $0x8F2B, s0  }
0xbd: {  	[sflag:s0] =	ssyncadd.remote.s32 $0x1  }
0xbe: {  	_ =	sfence.sel $0xFFFF  }
0xbf: {  	[dreg:$0x0] =	wrdreg $0xFFFFFFFF;
	(pc) =	sbr.abs _section_cstart, $3  }
0xc0: {  	[dreg:$0x1] =	wrdreg $0xFFFFFFFF  }
0xc1: {  	_ =	task.clear_ibuf [dreg:s6], $0x2FFFF;
	_ =	strace $0x9FFFFFFF  }
0xc2: {  	(tm) =	ssettm $0x7FFFFFFF  }
0xc3: {  	_ =	shalt  }
tec
execute0_lowered:
.L_overlay_start_1:
0x0: {  	(tag) =	ssettag $0x1  }
0x1: {  	s5 =	rddreg [dreg:$0x0]  }
0x2: {  	s2 =	rddreg [dreg:$0x1];
	s3 =	srdreg.scid  }
0x3: {  	s1 =	stileid.u32;
	s0 =	rddreg [dreg:$0x2];
	s12 =	simm.s32 $0x1  }
0x4: {  	s13 =	simm.s32 $0x7800;
	s14 =	simm.s32 $0xA000;
	s15 =	simm.s32 $0xD800  }
0x5: {  	s16 =	simm.s32 $0x80;
	s17 =	simm.s32 $0xC800;
	s18 =	simm.s32 $0x0  }
0x6: {  	s6 =	sand.u32 $0x1, s3;
	s8 =	smul.u32 $0x5000, s1;
	s3 =	simm.s32 $0x0  }
0x7: {  	s4 =	sshll.u32 s1, $0x1;
	s7 =	smul.u32 $0x50000, s6;
	[smem:$0x7FF] =	sst s3  }
0x8: {  	s4 =	sor.u32 s6, s4;
	s6 =	ssub.s32 $0x2, s6;
	_ =	strace $0x8000004D  }
0x9: {  	s9 =	smul.u32 $0x500, s4;
	s31 =	sshrl.u32 s6, $0x1;
	s7 =	sadd.s32 s8, s7  }
0xa: {  	s4 =	sadd.s32 $0x21A00, s5;
	s11 =	ssub.s32 s6, s31;
	s7 =	sshrl.u32 s7, $0x3  }
0xb: {  	s8 =	sadd.s32 s8, s2;
	s9 =	sadd.s32 s9, s5;
	s10 =	sadd.s32 s7, s5  }
0xc: {  	s5 =	sadd.s32 $0x17A00, s9;
	s6 =	sadd.s32 $0x3000, s9;
	s7 =	sadd.s32 $0xD000, s9  }
0xd: {  	v0 =	vimm.f32 $0.0e+00;
	s9 =	sadd.s32 $0x2B800, s10;
	s10 =	smax.u32 s11, $0x1;
	s11 =	simm.s32 $0x5000  }
.LBB2_1:
0xe: {  	[tilespmem:s11], [sflag:$0x1] =	stream.linear.gather [hbm4b:s5+s3], $0x2800, $0x38;
	[tilespmem:$0x12800] =	vst v63  }
0xf: {  	_ =	swait.ge [sflag:s12], $0x2800  }
0x10: {  	[sflag:s12] =	ssyncset.done $0x0  }
0x11: {  	[sflag:s12] =	ssyncadd.s32 $0xFFFFD800  }
0x12: {  	[tilespmem:s13], [sflag:$0x1] =	stream.linear.gather [hbm4b:s6+s3], $0x2800, $0x38;
	[tilespmem:$0x12800] =	vst v63  }
0x13: {  	_ =	swait.ge [sflag:s12], $0x2800  }
0x14: {  	[sflag:s12] =	ssyncset.done $0x0  }
0x15: {  	[sflag:s12] =	ssyncadd.s32 $0xFFFFD800  }
0x16: {  	[tilespmem:s14], [sflag:$0x1] =	stream.linear.gather [hbm4b:s7+s3], $0x2800, $0x38;
	[tilespmem:$0x12800] =	vst v63  }
0x17: {  	_ =	swait.ge [sflag:s12], $0x2800  }
0x18: {  	[sflag:s12] =	ssyncset.done $0x0  }
0x19: {  	s19 =	simm.s32 $0x80;
	s20 =	simm.s32 $0x0;
	[sflag:s12] =	ssyncadd.s32 $0xFFFFD800  }
.LBB2_2:
0x1a: {  	p0 =	sne.s32 s19, $0x13F80;
	[tilespmem:s20+$0xD800] =	vst v0;
	s21 =	smov.u32 s19;
	s19 =	sadd.s32 $0x80, s19  }
.Ltmp0:
0x1b: {  	[tilespmem:s20+$0xD810] =	vst v0;
	(pc) =	sbr.rel @p0 .LBB2_2-.Ltmp0, $2  }
0x1c: {  	_ =	sdelay $0x2  }
0x1d: {  	s20 =	sshra.s32 s21, $0x2  }
0x1e: {  	[tilespmem:s20+$0xD800] =	vst v0  }
0x1f: {  	[tilespmem:s20+$0xD810] =	vst v0  }
0x20: {  	[spmem:s8] =	stream.linear.scatter [tilespmem:s15], [sflag:$0x1], $0x5000, $0x38;
	[tilespmem:$0x12800] =	vst v63  }
0x21: {  	_ =	swait.ge [sflag:s12], $0x5000  }
0x22: {  	[sflag:s12] =	ssyncset.done $0x0  }
0x23: {  	[sflag:s12] =	ssyncadd.s32 $0xFFFFB000  }
0x24: {  	s19 =	simm.s32 $0x0;
	s20 =	simm.s32 $0xA000;
	[bflag:$0x0] =	sbarrier.arrive $0xFFFF  }
.LBB2_4:
0x25: {  	s21 =	sshll.u32 s19, $0x7  }
0x26: {  	s22 =	sadd.s32 $0x5000, s21  }
0x27: {  	[tilespmem:s17], [sflag:$0x1] =	stream.indirect.gather [hbm4b:s4+s16], $0x20, s22, s16, $0xb8;
	[tilespmem:$0x12800] =	vst v63  }
0x28: {  	_ =	swait.ge [sflag:s12], $0x1000  }
0x29: {  	[sflag:s12] =	ssyncset.done $0x0  }
0x2a: {  	s22 =	simm.s32 $0xC900;
	[sflag:s12] =	ssyncadd.s32 $0xFFFFF000  }
0x2b: {  	v7 =	vld [tilespmem:s22+$0xFFFFFFA0]  }
0x2c: {  	v4 =	vld [tilespmem:s22+$0xFFFFFFF0]  }
0x2d: {  	v1 =	vld [tilespmem:s22+$0xFFFFFF60]  }
0x2e: {  	v5 =	vmov s20;
	v8 =	vld [tilespmem:s22+$0xFFFFFFD0]  }
0x2f: {  	v9 =	vld [tilespmem:s22+$0x80]  }
0x30: {  	v12 =	vld [tilespmem:s22+$0xFFFFFF10]  }
0x31: {  	v16 =	vld [tilespmem:s22+$0xE0]  }
0x32: {  	s23 =	simm.s32 $0x0;
	v11 =	vld [tilespmem:s22+$0xFFFFFF40]  }
0x33: {  	v2 =	vld.idx.msk [tilespmem:v5+s23+$0x0 ss:$0x1], $0xffff  }
0x34: {  	v3 =	vld [tilespmem:s22+$0xFFFFFF90]  }
0x35: {  	v10 =	vld [tilespmem:s22+$0xFFFFFFC0]  }
0x36: {  	v13 =	vld [tilespmem:s22+$0xFFFFFF00]  }
0x37: {  	v14 =	vld [tilespmem:s22+$0xD0]  }
0x38: {  	v23 =	vld [tilespmem:s22+$0xC0]  }
0x39: {  	v21 =	vld [tilespmem:s22+$0x90];
	v19 =	vbroadcast v2, $0x0;
	v6 =	vbroadcast v2, $0xF  }
0x3a: {  	v22 =	vld [tilespmem:s22+$0xFFFFFF50];
	v20 =	vbroadcast v2, $0x2;
	v18 =	vbroadcast v2, $0xE  }
0x3b: {  	v17 =	vld [tilespmem:s22+$0xB0];
	v15 =	vbroadcast v2, $0xC;
	v25 =	vmul.f32 v19, v13  }
0x3c: {  	s24 =	simm.s32 $0xC900;
	s23 =	simm.s32 $0x40;
	v13 =	vbroadcast v2, $0xD;
	v24 =	vmul.f32 v11, v20;
	v11 =	vld [tilespmem:s22+$0x60]  }
.LBB2_5:
0x3d: {  	p0 =	sne.s32 s23, $0x1C0  }
0x3e: {  	[tilespmem:s22+$0xFFFFFF00] =	vst v25;
	v25 =	vld [tilespmem:s22+$0xFFFFFFB0];
	v23 =	vmul.f32 v23, v18;
	v16 =	vmul.f32 v16, v6;
	s24 =	sadd.s32 $0x200, s24;
	s25 =	smov.u32 s23;
	s23 =	sadd.s32 $0x40, s23  }
0x3f: {  	[tilespmem:s22+$0xFFFFFF40] =	vst v24;
	v24 =	vbroadcast v2, $0xA;
	v21 =	vmul.f32 v21, v15;
	v26 =	vld [tilespmem:s22+$0xA0]  }
0x40: {  	v12 =	vmul.f32 v12, v19;
	v19 =	vmul.f32 v22, v20;
	v20 =	vld [tilespmem:s22+$0x70];
	[tilespmem:s22+$0xE0] =	vst v16  }
0x41: {  	v16 =	vbroadcast v2, $0x5;
	v22 =	vld [tilespmem:s22+$0xFFFFFFE0];
	v17 =	vmul.f32 v17, v13;
	[tilespmem:s22+$0xC0] =	vst v23  }
0x42: {  	v14 =	vmul.f32 v14, v18;
	[tilespmem:s22+$0xFFFFFF10] =	vst v12;
	v12 =	vbroadcast v2, $0x6;
	v23 =	vld [tilespmem:s22+$0x40]  }
0x43: {  	v27 =	vbroadcast v2, $0xB;
	v7 =	vmul.f32 v7, v16;
	v18 =	vld [tilespmem:s22+$0xFFFFFF20];
	[tilespmem:s22+$0x90] =	vst v21  }
0x44: {  	v21 =	vbroadcast v2, $0x9;
	[tilespmem:s22+$0xFFFFFF50] =	vst v19;
	v19 =	vld [tilespmem:s22+$0x20];
	v13 =	vmul.f32 v26, v13  }
0x45: {  	v16 =	vmul.f32 v25, v16;
	v25 =	vld [tilespmem:s22+$0x50];
	v20 =	vmul.f32 v20, v27;
	[tilespmem:s22+$0xD0] =	vst v14  }
0x46: {  	v9 =	vmul.f32 v9, v15;
	v14 =	vbroadcast v2, $0x7;
	v26 =	vld [tilespmem:s22+$0x30];
	[tilespmem:s22+$0xA0] =	vst v13  }
0x47: {  	v10 =	vmul.f32 v10, v12;
	v13 =	vbroadcast v2, $0x3;
	v15 =	vld [tilespmem:s22+$0x0];
	[tilespmem:s22+$0x70] =	vst v20  }
0x48: {  	v11 =	vmul.f32 v11, v27;
	v8 =	vmul.f32 v8, v12;
	v12 =	vld [tilespmem:s22+$0x10];
	[tilespmem:s22+$0x80] =	vst v9  }
0x49: {  	v20 =	vbroadcast v2, $0x8;
	v23 =	vmul.f32 v23, v24;
	v9 =	vld [tilespmem:s22+$0xFFFFFF30];
	[tilespmem:s22+$0xB0] =	vst v17  }
0x4a: {  	v17 =	vbroadcast v2, $0x1;
	v27 =	vld [tilespmem:s22+$0xFFFFFF70];
	[tilespmem:s22+$0xFFFFFFD0] =	vst v8;
	v24 =	vmul.f32 v25, v24  }
0x4b: {  	v4 =	vmul.f32 v4, v14;
	v8 =	vmul.f32 v22, v14;
	[tilespmem:s22+$0xFFFFFFC0] =	vst v10;
	v10 =	vld [tilespmem:s22+$0xF0]  }
0x4c: {  	v22 =	vmul.f32 v26, v21;
	v14 =	vld [tilespmem:s22+$0xFFFFFF80];
	[tilespmem:s22+$0xFFFFFFA0] =	vst v7;
	v15 =	vmul.f32 v15, v20  }
0x4d: {  	v7 =	vld [tilespmem:s24+$0xFFFFFFA0];
	[tilespmem:s22+$0xFFFFFFF0] =	vst v4;
	v20 =	vmul.f32 v12, v20;
	v12 =	vmul.f32 v19, v21  }
0x4e: {  	v4 =	vmul.f32 v18, v17;
	v17 =	vmul.f32 v9, v17;
	[tilespmem:s22+$0x60] =	vst v11  }
0x4f: {  	v1 =	vmul.f32 v1, v13;
	v9 =	vmul.f32 v27, v13;
	[tilespmem:s22+$0xFFFFFFB0] =	vst v16  }
0x50: {  	v2 =	vbroadcast v2, $0x4;
	[tilespmem:s22+$0xFFFFFF20] =	vst v4;
	v4 =	vmul.f32 v10, v6  }
0x51: {  	[tilespmem:s22+$0xFFFFFF60] =	vst v1  }
0x52: {  	v6 =	vmul.f32 v14, v2;
	v1 =	vmul.f32 v3, v2;
	[tilespmem:s22+$0x40] =	vst v23  }
0x53: {  	[tilespmem:s22+$0xFFFFFFE0] =	vst v8  }
0x54: {  	[tilespmem:s22+$0xF0] =	vst v4  }
0x55: {  	[tilespmem:s22+$0xFFFFFF90] =	vst v1  }
0x56: {  	[tilespmem:s22+$0xFFFFFF70] =	vst v9  }
0x57: {  	v4 =	vld [tilespmem:s24+$0xFFFFFFF0];
	[tilespmem:s22+$0x20] =	vst v12  }
0x58: {  	v1 =	vld [tilespmem:s24+$0xFFFFFF60];
	[tilespmem:s22+$0x30] =	vst v22  }
0x59: {  	v8 =	vld [tilespmem:s24+$0xFFFFFFD0];
	[tilespmem:s22+$0xFFFFFF80] =	vst v6  }
0x5a: {  	v9 =	vld [tilespmem:s24+$0x80];
	[tilespmem:s22+$0x50] =	vst v24  }
0x5b: {  	v12 =	vld [tilespmem:s24+$0xFFFFFF10];
	[tilespmem:s22+$0x0] =	vst v15  }
0x5c: {  	v16 =	vld [tilespmem:s24+$0xE0];
	[tilespmem:s22+$0xFFFFFF30] =	vst v17  }
0x5d: {  	s25 =	sshra.s32 s25, $0x2;
	v11 =	vld [tilespmem:s24+$0xFFFFFF40];
	[tilespmem:s22+$0x10] =	vst v20;
	s22 =	smov.u32 s24  }
0x5e: {  	v2 =	vld.idx.msk [tilespmem:v5+s25+$0x0 ss:$0x1], $0xffff  }
0x5f: {  	v3 =	vld [tilespmem:s24+$0xFFFFFF90]  }
0x60: {  	v10 =	vld [tilespmem:s24+$0xFFFFFFC0]  }
0x61: {  	v13 =	vld [tilespmem:s24+$0xFFFFFF00]  }
0x62: {  	v14 =	vld [tilespmem:s24+$0xD0]  }
.Ltmp1:
0x63: {  	v23 =	vld [tilespmem:s24+$0xC0];
	(pc) =	sbr.rel @p0 .LBB2_5-.Ltmp1, $4  }
0x64: {  	v19 =	vbroadcast v2, $0x0;
	v6 =	vbroadcast v2, $0xF;
	v21 =	vld [tilespmem:s24+$0x90]  }
0x65: {  	v20 =	vbroadcast v2, $0x2;
	v18 =	vbroadcast v2, $0xE;
	v22 =	vld [tilespmem:s24+$0xFFFFFF50]  }
0x66: {  	v25 =	vmul.f32 v19, v13;
	v13 =	vbroadcast v2, $0xD;
	v17 =	vld [tilespmem:s24+$0xB0]  }
0x67: {  	v15 =	vbroadcast v2, $0xC;
	v24 =	vmul.f32 v11, v20;
	v11 =	vld [tilespmem:s24+$0x60]  }
0x68: {  	[tilespmem:s22+$0xFFFFFF00] =	vst v25;
	v5 =	vmul.f32 v16, v6  }
0x69: {  	v30 =	vmul.f32 v23, v18;
	[tilespmem:s22+$0xFFFFFF40] =	vst v24  }
0x6a: {  	v12 =	vmul.f32 v12, v19;
	[tilespmem:s22+$0xE0] =	vst v5  }
0x6b: {  	v35 =	vmul.f32 v14, v18;
	[tilespmem:s22+$0xC0] =	vst v30  }
0x6c: {  	v33 =	vmul.f32 v21, v15;
	[tilespmem:s22+$0xFFFFFF10] =	vst v12  }
0x6d: {  	v41 =	vbroadcast v2, $0x6;
	v9 =	vmul.f32 v9, v15;
	[tilespmem:s22+$0xD0] =	vst v35  }
0x6e: {  	v20 =	vmul.f32 v22, v20;
	[tilespmem:s22+$0x90] =	vst v33  }
0x6f: {  	v45 =	vbroadcast v2, $0x5;
	v8 =	vmul.f32 v8, v41;
	[tilespmem:s22+$0x80] =	vst v9  }
0x70: {  	v47 =	vbroadcast v2, $0x7;
	v10 =	vmul.f32 v10, v41;
	[tilespmem:s22+$0xFFFFFF50] =	vst v20  }
0x71: {  	v54 =	vbroadcast v2, $0x3;
	v7 =	vmul.f32 v7, v45;
	[tilespmem:s22+$0xFFFFFFD0] =	vst v8  }
0x72: {  	v31 =	vld [tilespmem:s22+$0xA0];
	v59 =	vbroadcast v2, $0x4;
	v4 =	vmul.f32 v4, v47;
	[tilespmem:s22+$0xFFFFFFC0] =	vst v10  }
0x73: {  	v32 =	vld [tilespmem:s22+$0x70];
	v1 =	vmul.f32 v1, v54;
	[tilespmem:s22+$0xFFFFFFA0] =	vst v7  }
0x74: {  	v34 =	vld [tilespmem:s22+$0xFFFFFFB0];
	v37 =	vbroadcast v2, $0xB;
	v3 =	vmul.f32 v3, v59;
	[tilespmem:s22+$0xFFFFFFF0] =	vst v4  }
0x75: {  	v36 =	vld [tilespmem:s22+$0xFFFFFF20];
	v43 =	vmul.f32 v17, v13;
	[tilespmem:s22+$0xFFFFFF60] =	vst v1  }
0x76: {  	v40 =	vld [tilespmem:s22+$0x40];
	v11 =	vmul.f32 v11, v37;
	[tilespmem:s22+$0xFFFFFF90] =	vst v3  }
0x77: {  	v38 =	vld [tilespmem:s22+$0xFFFFFFE0];
	v39 =	vmul.f32 v31, v13;
	[tilespmem:s22+$0xB0] =	vst v43  }
0x78: {  	v52 =	vbroadcast v2, $0x1;
	v55 =	vld [tilespmem:s22+$0xF0];
	v19 =	vmul.f32 v32, v37;
	[tilespmem:s22+$0x60] =	vst v11  }
0x79: {  	v49 =	vld [tilespmem:s22+$0xFFFFFF70];
	v56 =	vbroadcast v2, $0xA;
	v53 =	vmul.f32 v34, v45;
	[tilespmem:s22+$0xA0] =	vst v39  }
0x7a: {  	v46 =	vld [tilespmem:s22+$0x30];
	v14 =	vmul.f32 v36, v52;
	[tilespmem:s22+$0x70] =	vst v19  }
0x7b: {  	v50 =	vld [tilespmem:s22+$0xFFFFFF80];
	v58 =	vmul.f32 v40, v56;
	[tilespmem:s22+$0xFFFFFFB0] =	vst v53  }
0x7c: {  	v44 =	vld [tilespmem:s22+$0x20];
	v5 =	vmul.f32 v38, v47;
	[tilespmem:s22+$0xFFFFFF20] =	vst v14  }
0x7d: {  	v57 =	vld [tilespmem:s22+$0xFFFFFF30];
	v60 =	vbroadcast v2, $0x9;
	v1 =	vmul.f32 v55, v6;
	[tilespmem:s22+$0x40] =	vst v58  }
0x7e: {  	v42 =	vld [tilespmem:s22+$0x50];
	v61 =	vmul.f32 v49, v54;
	[tilespmem:s22+$0xFFFFFFE0] =	vst v5  }
0x7f: {  	v48 =	vld [tilespmem:s22+$0x0];
	v3 =	vmul.f32 v46, v60;
	[tilespmem:s22+$0xF0] =	vst v1  }
0x80: {  	v51 =	vld [tilespmem:s22+$0x10];
	v62 =	vmul.f32 v50, v59;
	[tilespmem:s22+$0xFFFFFF70] =	vst v61  }
0x81: {  	v1 =	vmul.f32 v44, v60;
	[tilespmem:s22+$0x30] =	vst v3  }
0x82: {  	v2 =	vbroadcast v2, $0x8;
	v63 =	vmul.f32 v57, v52;
	[tilespmem:s22+$0xFFFFFF80] =	vst v62  }
0x83: {  	[tilespmem:s22+$0x20] =	vst v1;
	v1 =	vmul.f32 v42, v56  }
0x84: {  	v3 =	vmul.f32 v48, v2;
	[tilespmem:s22+$0xFFFFFF30] =	vst v63  }
0x85: {  	s19 =	sadd.s32 $0x1, s19;
	[tilespmem:s22+$0x50] =	vst v1;
	v1 =	vmul.f32 v51, v2  }
0x86: {  	p0 =	sne.s32 s19, $0x50;
	[tilespmem:s22+$0x0] =	vst v3  }
.Ltmp2:
0x87: {  	s21 =	sadd.s32 $0x7800, s21;
	[tilespmem:s22+$0x10] =	vst v1;
	(pc) =	sbr.rel @p0 .LBB2_4-.Ltmp2, $4  }
0x88: {  	[spmem:s2] =	stream.indirect.scatter.add.f32 [tilespmem:s17], [sflag:$0x1], $0x20, s21, s16, $0xb8;
	[tilespmem:$0x12800] =	vst v63  }
0x89: {  	_ =	swait.ge [sflag:s12], $0x1000  }
0x8a: {  	[sflag:s12] =	ssyncset.done $0x0  }
0x8b: {  	s20 =	sadd.s32 $0x80, s20;
	[sflag:s12] =	ssyncadd.s32 $0xFFFFF000  }
0x8c: {  	s18 =	sadd.s32 $0x1, s18  }
0x8d: {  	s19 =	sshll.u32 s1, $0x6;
	[bflag:$0x0] =	sbarrier.arrive $0xFFFF;
	p0 =	sne.s32 s18, s10  }
.Ltmp3:
0x8e: {  	s20 =	sshrl.u32 s8, $0x3;
	s19 =	sor.u32 $0x1C01, s19;
	(pc) =	sbr.rel @p0 .LBB2_1-.Ltmp3, $4  }
0x8f: {  	[hbm:s9], [sflag:s19] =	dma.local [spmem:s20], $0xA00  }
0x90: {  	_ =	swait.ge [sflag:s12], $0xA00  }
0x91: {  	[sflag:s12] =	ssyncset.done $0x0  }
0x92: {  	[sflag:s12] =	ssyncadd.s32 $0xFFFFF600  }
0x93: {  	_ =	sfence.sel $0x180000  }
0x94: {  	[bflag:$0x0] =	sbarrier.arrive $0xFFFF  }
0x95: {  	p0 =	sne.s32 s1, $0x0;
	_ =	strace $0x9000004D  }
0x96: {  	s0 =	sadd.s32 @!p0 $0x100000, s0;
	[bflag:$0x2] =	sbarrier.arrive $0xFFFF  }
0x97: {  	[sflag:s0] =	ssyncadd.tile.s32 @!p0 $0x1;
	_ =	shalt  }
.Lfunc_end2:
_tile_overlayer_lowered:
.L_overlay_start_2:
0x98: {  	(tag) =	ssettag $0x2  }
0x99: {  	s0 =	rddreg [dreg:$0x0];
	s2 =	stileid.u32  }
0x9a: {  	s1 =	rddreg [dreg:$0x1];
	p0 =	sne.s32 s2, $0x0  }
0x9b: {  	s3 =	rddreg [dreg:$0x2];
	[bflag:$0x3] =	sbarrier.arrive $0xFFFF;
	s2 =	simm.s32 @!p0 $0x1C01  }
0x9c: {  	[timem:s3], [sflag:s2] =	dma.local @!p0 [hbm:s0], s1  }
0x9d: {  	s0 =	simm.s32 @!p0 $0x1  }
0x9e: {  	_ =	swait.ge @!p0 [sflag:s0], s1  }
0x9f: {  	s1 =	ssub.s32 @!p0 $0x0, s1;
	[sflag:s0] =	ssyncset.done @!p0 $0x0  }
0xa0: {  	[sflag:s0] =	ssyncadd.s32 @!p0 s1  }
0xa1: {  	[bflag:$0x3] =	sbarrier.arrive $0xFFFF  }
0xa2: {  	_ =	shalt  }

// kernel: kernel.19.cloned.1.call-start
scs
__scs_entry_jumppad:
0x0: {  	(pc) =	sbr.rel $0x88, $3  }
0x1: {  	(tag) =	ssettag $0x0;
	lr =	simm.s32 $0x1  }
0x2: {  	[smem:$0x3F8F] =	sst lr;
	_ =	strace $0xD0000000  }
0x3: {  	_ = 	snop  }
0x4: {  	_ = 	snop  }
0x5: {  	_ = 	snop  }
0x6: {  	_ = 	snop  }
0x7: {  	_ = 	snop  }
__scs_overlays_trampoline_lowered:
0x8: {  	[smem:$0x3F9E] =	sst s0  }
0x9: {  	[smem:$0x3F9F] =	sst s1  }
0xa: {  	[smem:$0x3FA0] =	sst s2  }
0xb: {  	[smem:$0x3FA1] =	sst s3  }
0xc: {  	[smem:$0x3FA2] =	sst s4  }
0xd: {  	[smem:$0x3FA3] =	sst s5  }
0xe: {  	[smem:$0x3FA4] =	sst s6  }
0xf: {  	[smem:$0x3FA5] =	sst s7  }
0x10: {  	[smem:$0x3FA6] =	sst s8  }
0x11: {  	[smem:$0x3FA7] =	sst s9;
	s0 =	simm.s32 @!p0 $0x0  }
0x12: {  	s1 =	sld [smem:$0x3F8D];
	s0 =	simm.s32 @p0 $0x1  }
0x13: {  	[smem:$0x3FA8] =	sst s0;
	s0 =	simm.s32 @!p1 $0x0  }
0x14: {  	s2 =	sld [smem:$0x3F8C];
	s0 =	simm.s32 @p1 $0x1  }
0x15: {  	[smem:$0x3FA9] =	sst s0;
	s0 =	simm.s32 @!p2 $0x0  }
0x16: {  	s3 =	sld [smem:$0x3FDB];
	s0 =	simm.s32 @p2 $0x1  }
0x17: {  	s4 =	simm.s32 $0x1BF5;
	[smem:$0x3FAB] =	sst s0  }
0x18: {  	s0 =	sld [smem:$0x3F8E];
	_ =	swait.ge [sflag:s4], $0x0  }
0x19: {  	s7 =	sld [smem:$0x3F8F]  }
0x1a: {  	s8 =	sadd.s32 $0xFFFFE003, lr  }
0x1b: {  	s9 =	sadd.s32 $0xFFFFFEF7, lr;
	s5 =	simm.s32 $0xFFFFFFFF;
	p2 =	slt.u32 s8, $0xFFFFF086  }
0x1c: {  	p1 =	slt.u32 s9, $0xF7A;
	s5 =	simm.s32 @!p2 $0x0  }
0x1d: {  	s5 =	simm.s32 @p1 $0x1;
	p0 =	seq.s32 s7, s2  }
0x1e: {  	s7 =	smul.u32 @!p0 $0xF7A, s2;
	p2 =	seq.s32 @!p0 s5, $0x0  }
0x1f: {  	s9 =	smul.u32 $0xF7A, s1;
	s8 =	simm.s32 @!p0 $0x1BF5;
	p2 =	por !p2, p0  }
0x20: {  	[sflag:s8] =	ssyncset.s32 @!p0 $0xFFFFF086;
	s6 =	sadd.s32 @!p0 s3, s7;
	s7 =	simm.s32 @!p0 $0x108  }
0x21: {  	s3 =	sadd.s32 s3, s9;
	s6 =	sadd.s32 @!p0 $0x88, s6;
	s7 =	simm.s32 @p2 $0x1082  }
0x22: {  	[simem:s7], [sflag:s8] =	dma.local @!p0 [hbm:s6], $0xF7A  }
0x23: {  	s9 =	sor.u32 $0xD0000000, s2;
	s6 =	simm.s32 $0x108;
	_ =	swait.ge @!p0 [sflag:s8], $0x0  }
0x24: {  	s3 =	sadd.s32 $0x88, s3;
	s6 =	simm.s32 @!p1 $0x1082;
	[sflag:s4] =	ssyncset.s32 $0xFFFFF086  }
0x25: {  	[simem:s6], [sflag:s4] =	dma.local [hbm:s3], $0xF7A  }
0x26: {  	[smem:$0x3F8F] =	sst s1;
	(tag) =	ssettag s2;
	_ =	strace s9  }
0x27: {  	s1 =	sld [smem:$0x3F9F]  }
0x28: {  	s2 =	sld [smem:$0x3FA0]  }
0x29: {  	s4 =	sld [smem:$0x3FA2]  }
0x2a: {  	p0 =	seq.s32 s5, $0x0;
	s5 =	sld [smem:$0x3FA3]  }
0x2b: {  	s6 =	sld [smem:$0x3FA4]  }
0x2c: {  	s7 =	sld [smem:$0x3FA5]  }
0x2d: {  	s3 =	simm.s32 $0x108;
	s8 =	sld [smem:$0x3FA6]  }
0x2e: {  	s3 =	simm.s32 @!p0 $0x1082;
	s9 =	sld [smem:$0x3FA7]  }
0x2f: {  	lr =	sadd.s32 s0, s3;
	s0 =	sld [smem:$0x3F9E]  }
0x30: {  	s3 =	sld [smem:$0x3FA1]  }
0x31: {  	[smem:$0x3FAA] =	sst s10  }
0x32: {  	s10 =	sld [smem:$0x3FA8];
	_ =	sdelay $0x3  }
0x33: {  	p0 =	seq.s32 s10, $0x1;
	s10 =	sld [smem:$0x3FAA];
	_ =	sdelay $0x3  }
0x34: {  	[smem:$0x3FAA] =	sst s10  }
0x35: {  	s10 =	sld [smem:$0x3FA9];
	_ =	sdelay $0x3  }
0x36: {  	p1 =	seq.s32 s10, $0x1;
	s10 =	sld [smem:$0x3FAA];
	_ =	sdelay $0x3  }
0x37: {  	[smem:$0x3FAA] =	sst s10  }
0x38: {  	s10 =	sld [smem:$0x3FAB]  }
0x39: {  	_ = 	snop;
	(pc) =	sbr.ind lr, $3  }
0x3a: {  	_ = 	snop  }
0x3b: {  	_ = 	snop  }
0x3c: {  	p2 =	seq.s32 s10, $0x1;
	s10 =	sld [smem:$0x3FAA]  }
0x3d: {  	_ =	shalt  }
0x3e: {  	_ =	shalt  }
0x3f: {  	_ =	shalt  }
0x40: {  	_ =	shalt  }
0x41: {  	_ =	shalt  }
0x42: {  	_ =	shalt  }
0x43: {  	_ =	shalt  }
0x44: {  	_ =	shalt  }
0x45: {  	_ =	shalt  }
0x46: {  	_ =	shalt  }
0x47: {  	_ =	shalt  }
0x48: {  	_ =	shalt  }
0x49: {  	_ =	shalt  }
0x4a: {  	_ =	shalt  }
0x4b: {  	_ =	shalt  }
0x4c: {  	_ =	shalt  }
0x4d: {  	_ =	shalt  }
0x4e: {  	_ =	shalt  }
0x4f: {  	_ =	shalt  }
0x50: {  	_ =	shalt  }
0x51: {  	_ =	shalt  }
0x52: {  	_ =	shalt  }
0x53: {  	_ =	shalt  }
0x54: {  	_ =	shalt  }
0x55: {  	_ =	shalt  }
0x56: {  	_ =	shalt  }
0x57: {  	_ =	shalt  }
0x58: {  	_ =	shalt  }
0x59: {  	_ =	shalt  }
0x5a: {  	_ =	shalt  }
0x5b: {  	_ =	shalt  }
0x5c: {  	_ =	shalt  }
0x5d: {  	_ =	shalt  }
0x5e: {  	_ =	shalt  }
0x5f: {  	_ =	shalt  }
0x60: {  	_ =	shalt  }
0x61: {  	_ =	shalt  }
0x62: {  	_ =	shalt  }
0x63: {  	_ =	shalt  }
0x64: {  	_ =	shalt  }
0x65: {  	_ =	shalt  }
0x66: {  	_ =	shalt  }
0x67: {  	_ =	shalt  }
0x68: {  	_ =	shalt  }
0x69: {  	_ =	shalt  }
0x6a: {  	_ =	shalt  }
0x6b: {  	_ =	shalt  }
0x6c: {  	_ =	shalt  }
0x6d: {  	_ =	shalt  }
0x6e: {  	_ =	shalt  }
0x6f: {  	_ =	shalt  }
0x70: {  	_ =	shalt  }
0x71: {  	_ =	shalt  }
0x72: {  	_ =	shalt  }
0x73: {  	_ =	shalt  }
0x74: {  	_ =	shalt  }
0x75: {  	_ =	shalt  }
0x76: {  	_ =	shalt  }
0x77: {  	_ =	shalt  }
0x78: {  	_ =	shalt  }
0x79: {  	_ =	shalt  }
0x7a: {  	_ =	shalt  }
0x7b: {  	_ =	shalt  }
0x7c: {  	_ =	shalt  }
0x7d: {  	_ =	shalt  }
0x7e: {  	_ =	shalt  }
0x7f: {  	_ =	shalt  }
0x80: {  	_ =	shalt  }
0x81: {  	_ =	shalt  }
0x82: {  	_ =	shalt  }
0x83: {  	_ =	shalt  }
0x84: {  	_ =	shalt  }
0x85: {  	_ =	shalt  }
0x86: {  	_ =	shalt  }
0x87: {  	_ =	shalt  }
.Lfunc_end0:
.L_simem_size_0:
called_computation.3_lowered:
.L_overlay_start_0:
0x88: {  	s2 =	sld [smem:$0x3FD9]  }
0x89: {  	s3 =	sld [smem:$0x3FFE];
	_ =	sdelay $0x1  }
0x8a: {  	s1 =	srdreg.scid  }
0x8b: {  	s0 =	sand.u32 $0x1, s1  }
0x8c: {  	s16 =	sshll.u32 s0, $0xA;
	s2 =	sadd.s32 s3, s2  }
0x8d: {  	s2 =	sadd.s32 s2, s16  }
0x8e: {  	[smem:$0x3FB6] =	sst s2  }
0x8f: {  	_ = 	snop  }
0x90: {  	(tm) =	ssettm $0x1  }
0x91: {  	s17 =	sld [smem:$0x3FFB];
	_ =	sdelay $0x3  }
0x92: {  	_ =	strace s17  }
0x93: {  	s2 =	sld [smem:$0x3FFC];
	_ =	sdelay $0x3  }
0x94: {  	_ =	strace s2  }
0x95: {  	s2 =	sld [smem:$0x3FFD];
	_ =	sdelay $0x3  }
0x96: {  	_ =	strace s2  }
0x97: {  	_ =	strace $0x8FFFFFFF  }
0x98: {  	s18 =	sld [smem:$0x3FDB];
	_ =	sdelay $0x1  }
0x99: {  	s19 =	simm.s32 $_scs_section_size  }
0x9a: {  	s4 =	simm.s32 $_size__tile_overlayer_lowered;
	s5 =	simm.s32 $_tile_overlayer_lowered  }
0x9b: {  	s22 =	simm.s32 $0x1BFF;
	s21 =	sshll.u32 s5, $0x1;
	s2 =	sadd.s32 s19, s18  }
0x9c: {  	s6 =	simm.s32 $0x0;
	s20 =	sshll.u32 s4, $0x1;
	s4 =	sadd.s32 s21, s2  }
0x9d: {  	[timem:s6], [sflag:s22] =	dma.local [hbm:s4], s20  }
0x9e: {  	_ =	swait.ge [sflag:s22], s20  }
0x9f: {  	s3 =	ssub.s32 $0x0, s20;
	[sflag:s22] =	ssyncset.done $0x0  }
0xa0: {  	[sflag:s22] =	ssyncadd.s32 s3;
	_ =	sdelay $0x1  }
0xa1: {  	s23 =	simm.s32 $0x1B8B  }
0xa2: {  	_ =	swait.ge [sflag:s23], $0x1  }
0xa3: {  	[sflag:s23] =	ssyncset.done $0x0  }
0xa4: {  	s25 =	simm.s32 $0x1B8E;
	s24 =	sld [smem:$0x3FFE];
	[sflag:s23] =	ssyncadd.s32 $0xFFFFFFFF  }
0xa5: {  	s26 =	simm.s32 $execute0_lowered;
	[smem:$0x3FD2] =	sst s25  }
0xa6: {  	s4 =	sshll.u32 s26, $0x1;
	_ =	strace $0x8000004F;
	[dreg:$0x1] =	wrdreg $0xFFFFFFFF  }
0xa7: {  	s28 =	simm.s32 $_size_execute0_lowered;
	s2 =	sadd.s32 s2, s4;
	[dreg:$0x0] =	wrdreg $0x0  }
0xa8: {  	s4 =	sshll.u32 s28, $0x1;
	[dreg:$0x2] =	wrdreg s2  }
0xa9: {  	[dreg:$0x3] =	wrdreg s4  }
0xaa: {  	[dreg:$0x4] =	wrdreg $0xC0  }
0xab: {  	_ =	task [dreg:s6], $0x5FFFF  }
0xac: {  	[dreg:$0x1] =	wrdreg $0xFFFFFFFF  }
0xad: {  	[dreg:$0x0] =	wrdreg $0x60  }
0xae: {  	[dreg:$0x2] =	wrdreg s24  }
0xaf: {  	[dreg:$0x3] =	wrdreg $0x0  }
0xb0: {  	[dreg:$0x4] =	wrdreg $0x9  }
0xb1: {  	_ =	task.clear_ibuf [dreg:s6], $0x5FFFF;
	_ =	strace $0x9000004F  }
0xb2: {  	s29 =	simm.s32 $0x9;
	_ =	strace $0x80000051  }
0xb3: {  	_ =	swait.ge [sflag:s29], $0x1  }
0xb4: {  	[sflag:s29] =	ssyncadd.s32 $0xFFFFFFFF  }
0xb5: {  	_ =	strace $0x90000051  }
0xb6: {  	_ =	sfence  }
0xb7: {  	s30 =	sld [smem:$0x0];
	_ =	sdelay $0x2  }
0xb8: {  	s31 =	sshll.u32 s1, $0xD;
	s1 =	sshrl.u32 s1, $0x2  }
0xb9: {  	s3 =	sand.u32 $0x4000, s31;
	s1 =	sadd.s32 s1, s30  }
0xba: {  	s0 =	sor.u32 s3, s0;
	s1 =	sshll.u32 s1, $0x11  }
0xbb: {  	s0 =	sor.u32 s1, s0  }
0xbc: {  	s0 =	sadd.s32 $0x8F2B, s0  }
0xbd: {  	[sflag:s0] =	ssyncadd.remote.s32 $0x1  }
0xbe: {  	_ =	sfence.sel $0xFFFF  }
0xbf: {  	[dreg:$0x0] =	wrdreg $0xFFFFFFFF;
	(pc) =	sbr.abs _section_cstart, $3  }
0xc0: {  	[dreg:$0x1] =	wrdreg $0xFFFFFFFF  }
0xc1: {  	_ =	task.clear_ibuf [dreg:s6], $0x2FFFF;
	_ =	strace $0x9FFFFFFF  }
0xc2: {  	(tm) =	ssettm $0x7FFFFFFF  }
0xc3: {  	_ =	shalt  }
tec
execute0_lowered:
.L_overlay_start_1:
0x0: {  	(tag) =	ssettag $0x1  }
0x1: {  	s5 =	rddreg [dreg:$0x0]  }
0x2: {  	s2 =	rddreg [dreg:$0x1];
	s3 =	srdreg.scid  }
0x3: {  	s1 =	stileid.u32;
	s0 =	rddreg [dreg:$0x2];
	s12 =	simm.s32 $0x1  }
0x4: {  	s13 =	simm.s32 $0x7800;
	s14 =	simm.s32 $0xA000;
	s15 =	simm.s32 $0xD800  }
0x5: {  	s16 =	simm.s32 $0x80;
	s17 =	simm.s32 $0xC800;
	s18 =	simm.s32 $0x0  }
0x6: {  	s6 =	sand.u32 $0x1, s3;
	s8 =	smul.u32 $0x5000, s1;
	s3 =	simm.s32 $0x0  }
0x7: {  	s4 =	sshll.u32 s1, $0x1;
	s7 =	smul.u32 $0x50000, s6;
	[smem:$0x7FF] =	sst s3  }
0x8: {  	s4 =	sor.u32 s6, s4;
	s6 =	ssub.s32 $0x2, s6;
	_ =	strace $0x80000050  }
0x9: {  	s9 =	smul.u32 $0x500, s4;
	s31 =	sshrl.u32 s6, $0x1;
	s7 =	sadd.s32 s8, s7  }
0xa: {  	s4 =	sadd.s32 $0x21A00, s5;
	s11 =	ssub.s32 s6, s31;
	s7 =	sshrl.u32 s7, $0x3  }
0xb: {  	s8 =	sadd.s32 s8, s2;
	s9 =	sadd.s32 s9, s5;
	s10 =	sadd.s32 s7, s5  }
0xc: {  	s5 =	sadd.s32 $0x17A00, s9;
	s6 =	sadd.s32 $0x3000, s9;
	s7 =	sadd.s32 $0xD000, s9  }
0xd: {  	v0 =	vimm.f32 $0.0e+00;
	s9 =	sadd.s32 $0x2B800, s10;
	s10 =	smax.u32 s11, $0x1;
	s11 =	simm.s32 $0x5000  }
.LBB2_1:
0xe: {  	[tilespmem:s11], [sflag:$0x1] =	stream.linear.gather [hbm4b:s5+s3], $0x2800, $0x38;
	[tilespmem:$0x12800] =	vst v63  }
0xf: {  	_ =	swait.ge [sflag:s12], $0x2800  }
0x10: {  	[sflag:s12] =	ssyncset.done $0x0  }
0x11: {  	[sflag:s12] =	ssyncadd.s32 $0xFFFFD800  }
0x12: {  	[tilespmem:s13], [sflag:$0x1] =	stream.linear.gather [hbm4b:s6+s3], $0x2800, $0x38;
	[tilespmem:$0x12800] =	vst v63  }
0x13: {  	_ =	swait.ge [sflag:s12], $0x2800  }
0x14: {  	[sflag:s12] =	ssyncset.done $0x0  }
0x15: {  	[sflag:s12] =	ssyncadd.s32 $0xFFFFD800  }
0x16: {  	[tilespmem:s14], [sflag:$0x1] =	stream.linear.gather [hbm4b:s7+s3], $0x2800, $0x38;
	[tilespmem:$0x12800] =	vst v63  }
0x17: {  	_ =	swait.ge [sflag:s12], $0x2800  }
0x18: {  	[sflag:s12] =	ssyncset.done $0x0  }
0x19: {  	s19 =	simm.s32 $0x80;
	s20 =	simm.s32 $0x0;
	[sflag:s12] =	ssyncadd.s32 $0xFFFFD800  }
.LBB2_2:
0x1a: {  	p0 =	sne.s32 s19, $0x13F80;
	[tilespmem:s20+$0xD800] =	vst v0;
	s21 =	smov.u32 s19;
	s19 =	sadd.s32 $0x80, s19  }
.Ltmp0:
0x1b: {  	[tilespmem:s20+$0xD810] =	vst v0;
	(pc) =	sbr.rel @p0 .LBB2_2-.Ltmp0, $2  }
0x1c: {  	_ =	sdelay $0x2  }
0x1d: {  	s20 =	sshra.s32 s21, $0x2  }
0x1e: {  	[tilespmem:s20+$0xD800] =	vst v0  }
0x1f: {  	[tilespmem:s20+$0xD810] =	vst v0  }
0x20: {  	[spmem:s8] =	stream.linear.scatter [tilespmem:s15], [sflag:$0x1], $0x5000, $0x38;
	[tilespmem:$0x12800] =	vst v63  }
0x21: {  	_ =	swait.ge [sflag:s12], $0x5000  }
0x22: {  	[sflag:s12] =	ssyncset.done $0x0  }
0x23: {  	[sflag:s12] =	ssyncadd.s32 $0xFFFFB000  }
0x24: {  	s19 =	simm.s32 $0x0;
	s20 =	simm.s32 $0xA000;
	[bflag:$0x0] =	sbarrier.arrive $0xFFFF  }
.LBB2_4:
0x25: {  	s21 =	sshll.u32 s19, $0x7  }
0x26: {  	s22 =	sadd.s32 $0x5000, s21  }
0x27: {  	[tilespmem:s17], [sflag:$0x1] =	stream.indirect.gather [hbm4b:s4+s16], $0x20, s22, s16, $0xb8;
	[tilespmem:$0x12800] =	vst v63  }
0x28: {  	_ =	swait.ge [sflag:s12], $0x1000  }
0x29: {  	[sflag:s12] =	ssyncset.done $0x0  }
0x2a: {  	s22 =	simm.s32 $0xC900;
	[sflag:s12] =	ssyncadd.s32 $0xFFFFF000  }
0x2b: {  	v7 =	vld [tilespmem:s22+$0xFFFFFFA0]  }
0x2c: {  	v4 =	vld [tilespmem:s22+$0xFFFFFFF0]  }
0x2d: {  	v1 =	vld [tilespmem:s22+$0xFFFFFF60]  }
0x2e: {  	v5 =	vmov s20;
	v8 =	vld [tilespmem:s22+$0xFFFFFFD0]  }
0x2f: {  	v9 =	vld [tilespmem:s22+$0x80]  }
0x30: {  	v12 =	vld [tilespmem:s22+$0xFFFFFF10]  }
0x31: {  	v16 =	vld [tilespmem:s22+$0xE0]  }
0x32: {  	s23 =	simm.s32 $0x0;
	v11 =	vld [tilespmem:s22+$0xFFFFFF40]  }
0x33: {  	v2 =	vld.idx.msk [tilespmem:v5+s23+$0x0 ss:$0x1], $0xffff  }
0x34: {  	v3 =	vld [tilespmem:s22+$0xFFFFFF90]  }
0x35: {  	v10 =	vld [tilespmem:s22+$0xFFFFFFC0]  }
0x36: {  	v13 =	vld [tilespmem:s22+$0xFFFFFF00]  }
0x37: {  	v14 =	vld [tilespmem:s22+$0xD0]  }
0x38: {  	v23 =	vld [tilespmem:s22+$0xC0]  }
0x39: {  	v21 =	vld [tilespmem:s22+$0x90];
	v19 =	vbroadcast v2, $0x0;
	v6 =	vbroadcast v2, $0xF  }
0x3a: {  	v22 =	vld [tilespmem:s22+$0xFFFFFF50];
	v20 =	vbroadcast v2, $0x2;
	v18 =	vbroadcast v2, $0xE  }
0x3b: {  	v17 =	vld [tilespmem:s22+$0xB0];
	v15 =	vbroadcast v2, $0xC;
	v25 =	vmul.f32 v19, v13  }
0x3c: {  	s24 =	simm.s32 $0xC900;
	s23 =	simm.s32 $0x40;
	v13 =	vbroadcast v2, $0xD;
	v24 =	vmul.f32 v11, v20;
	v11 =	vld [tilespmem:s22+$0x60]  }
.LBB2_5:
0x3d: {  	p0 =	sne.s32 s23, $0x1C0  }
0x3e: {  	[tilespmem:s22+$0xFFFFFF00] =	vst v25;
	v25 =	vld [tilespmem:s22+$0xFFFFFFB0];
	v23 =	vmul.f32 v23, v18;
	v16 =	vmul.f32 v16, v6;
	s24 =	sadd.s32 $0x200, s24;
	s25 =	smov.u32 s23;
	s23 =	sadd.s32 $0x40, s23  }
0x3f: {  	[tilespmem:s22+$0xFFFFFF40] =	vst v24;
	v24 =	vbroadcast v2, $0xA;
	v21 =	vmul.f32 v21, v15;
	v26 =	vld [tilespmem:s22+$0xA0]  }
0x40: {  	v12 =	vmul.f32 v12, v19;
	v19 =	vmul.f32 v22, v20;
	v20 =	vld [tilespmem:s22+$0x70];
	[tilespmem:s22+$0xE0] =	vst v16  }
0x41: {  	v16 =	vbroadcast v2, $0x5;
	v22 =	vld [tilespmem:s22+$0xFFFFFFE0];
	v17 =	vmul.f32 v17, v13;
	[tilespmem:s22+$0xC0] =	vst v23  }
0x42: {  	v14 =	vmul.f32 v14, v18;
	[tilespmem:s22+$0xFFFFFF10] =	vst v12;
	v12 =	vbroadcast v2, $0x6;
	v23 =	vld [tilespmem:s22+$0x40]  }
0x43: {  	v27 =	vbroadcast v2, $0xB;
	v7 =	vmul.f32 v7, v16;
	v18 =	vld [tilespmem:s22+$0xFFFFFF20];
	[tilespmem:s22+$0x90] =	vst v21  }
0x44: {  	v21 =	vbroadcast v2, $0x9;
	[tilespmem:s22+$0xFFFFFF50] =	vst v19;
	v19 =	vld [tilespmem:s22+$0x20];
	v13 =	vmul.f32 v26, v13  }
0x45: {  	v16 =	vmul.f32 v25, v16;
	v25 =	vld [tilespmem:s22+$0x50];
	v20 =	vmul.f32 v20, v27;
	[tilespmem:s22+$0xD0] =	vst v14  }
0x46: {  	v9 =	vmul.f32 v9, v15;
	v14 =	vbroadcast v2, $0x7;
	v26 =	vld [tilespmem:s22+$0x30];
	[tilespmem:s22+$0xA0] =	vst v13  }
0x47: {  	v10 =	vmul.f32 v10, v12;
	v13 =	vbroadcast v2, $0x3;
	v15 =	vld [tilespmem:s22+$0x0];
	[tilespmem:s22+$0x70] =	vst v20  }
0x48: {  	v11 =	vmul.f32 v11, v27;
	v8 =	vmul.f32 v8, v12;
	v12 =	vld [tilespmem:s22+$0x10];
	[tilespmem:s22+$0x80] =	vst v9  }
0x49: {  	v20 =	vbroadcast v2, $0x8;
	v23 =	vmul.f32 v23, v24;
	v9 =	vld [tilespmem:s22+$0xFFFFFF30];
	[tilespmem:s22+$0xB0] =	vst v17  }
0x4a: {  	v17 =	vbroadcast v2, $0x1;
	v27 =	vld [tilespmem:s22+$0xFFFFFF70];
	[tilespmem:s22+$0xFFFFFFD0] =	vst v8;
	v24 =	vmul.f32 v25, v24  }
0x4b: {  	v4 =	vmul.f32 v4, v14;
	v8 =	vmul.f32 v22, v14;
	[tilespmem:s22+$0xFFFFFFC0] =	vst v10;
	v10 =	vld [tilespmem:s22+$0xF0]  }
0x4c: {  	v22 =	vmul.f32 v26, v21;
	v14 =	vld [tilespmem:s22+$0xFFFFFF80];
	[tilespmem:s22+$0xFFFFFFA0] =	vst v7;
	v15 =	vmul.f32 v15, v20  }
0x4d: {  	v7 =	vld [tilespmem:s24+$0xFFFFFFA0];
	[tilespmem:s22+$0xFFFFFFF0] =	vst v4;
	v20 =	vmul.f32 v12, v20;
	v12 =	vmul.f32 v19, v21  }
0x4e: {  	v4 =	vmul.f32 v18, v17;
	v17 =	vmul.f32 v9, v17;
	[tilespmem:s22+$0x60] =	vst v11  }
0x4f: {  	v1 =	vmul.f32 v1, v13;
	v9 =	vmul.f32 v27, v13;
	[tilespmem:s22+$0xFFFFFFB0] =	vst v16  }
0x50: {  	v2 =	vbroadcast v2, $0x4;
	[tilespmem:s22+$0xFFFFFF20] =	vst v4;
	v4 =	vmul.f32 v10, v6  }
0x51: {  	[tilespmem:s22+$0xFFFFFF60] =	vst v1  }
0x52: {  	v6 =	vmul.f32 v14, v2;
	v1 =	vmul.f32 v3, v2;
	[tilespmem:s22+$0x40] =	vst v23  }
0x53: {  	[tilespmem:s22+$0xFFFFFFE0] =	vst v8  }
0x54: {  	[tilespmem:s22+$0xF0] =	vst v4  }
0x55: {  	[tilespmem:s22+$0xFFFFFF90] =	vst v1  }
0x56: {  	[tilespmem:s22+$0xFFFFFF70] =	vst v9  }
0x57: {  	v4 =	vld [tilespmem:s24+$0xFFFFFFF0];
	[tilespmem:s22+$0x20] =	vst v12  }
0x58: {  	v1 =	vld [tilespmem:s24+$0xFFFFFF60];
	[tilespmem:s22+$0x30] =	vst v22  }
0x59: {  	v8 =	vld [tilespmem:s24+$0xFFFFFFD0];
	[tilespmem:s22+$0xFFFFFF80] =	vst v6  }
0x5a: {  	v9 =	vld [tilespmem:s24+$0x80];
	[tilespmem:s22+$0x50] =	vst v24  }
0x5b: {  	v12 =	vld [tilespmem:s24+$0xFFFFFF10];
	[tilespmem:s22+$0x0] =	vst v15  }
0x5c: {  	v16 =	vld [tilespmem:s24+$0xE0];
	[tilespmem:s22+$0xFFFFFF30] =	vst v17  }
0x5d: {  	s25 =	sshra.s32 s25, $0x2;
	v11 =	vld [tilespmem:s24+$0xFFFFFF40];
	[tilespmem:s22+$0x10] =	vst v20;
	s22 =	smov.u32 s24  }
0x5e: {  	v2 =	vld.idx.msk [tilespmem:v5+s25+$0x0 ss:$0x1], $0xffff  }
0x5f: {  	v3 =	vld [tilespmem:s24+$0xFFFFFF90]  }
0x60: {  	v10 =	vld [tilespmem:s24+$0xFFFFFFC0]  }
0x61: {  	v13 =	vld [tilespmem:s24+$0xFFFFFF00]  }
0x62: {  	v14 =	vld [tilespmem:s24+$0xD0]  }
.Ltmp1:
0x63: {  	v23 =	vld [tilespmem:s24+$0xC0];
	(pc) =	sbr.rel @p0 .LBB2_5-.Ltmp1, $4  }
0x64: {  	v19 =	vbroadcast v2, $0x0;
	v6 =	vbroadcast v2, $0xF;
	v21 =	vld [tilespmem:s24+$0x90]  }
0x65: {  	v20 =	vbroadcast v2, $0x2;
	v18 =	vbroadcast v2, $0xE;
	v22 =	vld [tilespmem:s24+$0xFFFFFF50]  }
0x66: {  	v25 =	vmul.f32 v19, v13;
	v13 =	vbroadcast v2, $0xD;
	v17 =	vld [tilespmem:s24+$0xB0]  }
0x67: {  	v15 =	vbroadcast v2, $0xC;
	v24 =	vmul.f32 v11, v20;
	v11 =	vld [tilespmem:s24+$0x60]  }
0x68: {  	[tilespmem:s22+$0xFFFFFF00] =	vst v25;
	v5 =	vmul.f32 v16, v6  }
0x69: {  	v30 =	vmul.f32 v23, v18;
	[tilespmem:s22+$0xFFFFFF40] =	vst v24  }
0x6a: {  	v12 =	vmul.f32 v12, v19;
	[tilespmem:s22+$0xE0] =	vst v5  }
0x6b: {  	v35 =	vmul.f32 v14, v18;
	[tilespmem:s22+$0xC0] =	vst v30  }
0x6c: {  	v33 =	vmul.f32 v21, v15;
	[tilespmem:s22+$0xFFFFFF10] =	vst v12  }
0x6d: {  	v41 =	vbroadcast v2, $0x6;
	v9 =	vmul.f32 v9, v15;
	[tilespmem:s22+$0xD0] =	vst v35  }
0x6e: {  	v20 =	vmul.f32 v22, v20;
	[tilespmem:s22+$0x90] =	vst v33  }
0x6f: {  	v45 =	vbroadcast v2, $0x5;
	v8 =	vmul.f32 v8, v41;
	[tilespmem:s22+$0x80] =	vst v9  }
0x70: {  	v47 =	vbroadcast v2, $0x7;
	v10 =	vmul.f32 v10, v41;
	[tilespmem:s22+$0xFFFFFF50] =	vst v20  }
0x71: {  	v54 =	vbroadcast v2, $0x3;
	v7 =	vmul.f32 v7, v45;
	[tilespmem:s22+$0xFFFFFFD0] =	vst v8  }
0x72: {  	v31 =	vld [tilespmem:s22+$0xA0];
	v59 =	vbroadcast v2, $0x4;
	v4 =	vmul.f32 v4, v47;
	[tilespmem:s22+$0xFFFFFFC0] =	vst v10  }
0x73: {  	v32 =	vld [tilespmem:s22+$0x70];
	v1 =	vmul.f32 v1, v54;
	[tilespmem:s22+$0xFFFFFFA0] =	vst v7  }
0x74: {  	v34 =	vld [tilespmem:s22+$0xFFFFFFB0];
	v37 =	vbroadcast v2, $0xB;
	v3 =	vmul.f32 v3, v59;
	[tilespmem:s22+$0xFFFFFFF0] =	vst v4  }
0x75: {  	v36 =	vld [tilespmem:s22+$0xFFFFFF20];
	v43 =	vmul.f32 v17, v13;
	[tilespmem:s22+$0xFFFFFF60] =	vst v1  }
0x76: {  	v40 =	vld [tilespmem:s22+$0x40];
	v11 =	vmul.f32 v11, v37;
	[tilespmem:s22+$0xFFFFFF90] =	vst v3  }
0x77: {  	v38 =	vld [tilespmem:s22+$0xFFFFFFE0];
	v39 =	vmul.f32 v31, v13;
	[tilespmem:s22+$0xB0] =	vst v43  }
0x78: {  	v52 =	vbroadcast v2, $0x1;
	v55 =	vld [tilespmem:s22+$0xF0];
	v19 =	vmul.f32 v32, v37;
	[tilespmem:s22+$0x60] =	vst v11  }
0x79: {  	v49 =	vld [tilespmem:s22+$0xFFFFFF70];
	v56 =	vbroadcast v2, $0xA;
	v53 =	vmul.f32 v34, v45;
	[tilespmem:s22+$0xA0] =	vst v39  }
0x7a: {  	v46 =	vld [tilespmem:s22+$0x30];
	v14 =	vmul.f32 v36, v52;
	[tilespmem:s22+$0x70] =	vst v19  }
0x7b: {  	v50 =	vld [tilespmem:s22+$0xFFFFFF80];
	v58 =	vmul.f32 v40, v56;
	[tilespmem:s22+$0xFFFFFFB0] =	vst v53  }
0x7c: {  	v44 =	vld [tilespmem:s22+$0x20];
	v5 =	vmul.f32 v38, v47;
	[tilespmem:s22+$0xFFFFFF20] =	vst v14  }
0x7d: {  	v57 =	vld [tilespmem:s22+$0xFFFFFF30];
	v60 =	vbroadcast v2, $0x9;
	v1 =	vmul.f32 v55, v6;
	[tilespmem:s22+$0x40] =	vst v58  }
0x7e: {  	v42 =	vld [tilespmem:s22+$0x50];
	v61 =	vmul.f32 v49, v54;
	[tilespmem:s22+$0xFFFFFFE0] =	vst v5  }
0x7f: {  	v48 =	vld [tilespmem:s22+$0x0];
	v3 =	vmul.f32 v46, v60;
	[tilespmem:s22+$0xF0] =	vst v1  }
0x80: {  	v51 =	vld [tilespmem:s22+$0x10];
	v62 =	vmul.f32 v50, v59;
	[tilespmem:s22+$0xFFFFFF70] =	vst v61  }
0x81: {  	v1 =	vmul.f32 v44, v60;
	[tilespmem:s22+$0x30] =	vst v3  }
0x82: {  	v2 =	vbroadcast v2, $0x8;
	v63 =	vmul.f32 v57, v52;
	[tilespmem:s22+$0xFFFFFF80] =	vst v62  }
0x83: {  	[tilespmem:s22+$0x20] =	vst v1;
	v1 =	vmul.f32 v42, v56  }
0x84: {  	v3 =	vmul.f32 v48, v2;
	[tilespmem:s22+$0xFFFFFF30] =	vst v63  }
0x85: {  	s19 =	sadd.s32 $0x1, s19;
	[tilespmem:s22+$0x50] =	vst v1;
	v1 =	vmul.f32 v51, v2  }
0x86: {  	p0 =	sne.s32 s19, $0x50;
	[tilespmem:s22+$0x0] =	vst v3  }
.Ltmp2:
0x87: {  	s21 =	sadd.s32 $0x7800, s21;
	[tilespmem:s22+$0x10] =	vst v1;
	(pc) =	sbr.rel @p0 .LBB2_4-.Ltmp2, $4  }
0x88: {  	[spmem:s2] =	stream.indirect.scatter.add.f32 [tilespmem:s17], [sflag:$0x1], $0x20, s21, s16, $0xb8;
	[tilespmem:$0x12800] =	vst v63  }
0x89: {  	_ =	swait.ge [sflag:s12], $0x1000  }
0x8a: {  	[sflag:s12] =	ssyncset.done $0x0  }
0x8b: {  	s20 =	sadd.s32 $0x80, s20;
	[sflag:s12] =	ssyncadd.s32 $0xFFFFF000  }
0x8c: {  	s18 =	sadd.s32 $0x1, s18  }
0x8d: {  	s19 =	sshll.u32 s1, $0x6;
	[bflag:$0x0] =	sbarrier.arrive $0xFFFF;
	p0 =	sne.s32 s18, s10  }
.Ltmp3:
0x8e: {  	s20 =	sshrl.u32 s8, $0x3;
	s19 =	sor.u32 $0x1C01, s19;
	(pc) =	sbr.rel @p0 .LBB2_1-.Ltmp3, $4  }
0x8f: {  	[hbm:s9], [sflag:s19] =	dma.local [spmem:s20], $0xA00  }
0x90: {  	_ =	swait.ge [sflag:s12], $0xA00  }
0x91: {  	[sflag:s12] =	ssyncset.done $0x0  }
0x92: {  	[sflag:s12] =	ssyncadd.s32 $0xFFFFF600  }
0x93: {  	_ =	sfence.sel $0x180000  }
0x94: {  	[bflag:$0x0] =	sbarrier.arrive $0xFFFF  }
0x95: {  	p0 =	sne.s32 s1, $0x0;
	_ =	strace $0x90000050  }
0x96: {  	s0 =	sadd.s32 @!p0 $0x100000, s0;
	[bflag:$0x2] =	sbarrier.arrive $0xFFFF  }
0x97: {  	[sflag:s0] =	ssyncadd.tile.s32 @!p0 $0x1;
	_ =	shalt  }
.Lfunc_end2:
_tile_overlayer_lowered:
.L_overlay_start_2:
0x98: {  	(tag) =	ssettag $0x2  }
0x99: {  	s0 =	rddreg [dreg:$0x0];
	s2 =	stileid.u32  }
0x9a: {  	s1 =	rddreg [dreg:$0x1];
	p0 =	sne.s32 s2, $0x0  }
0x9b: {  	s3 =	rddreg [dreg:$0x2];
	[bflag:$0x3] =	sbarrier.arrive $0xFFFF;
	s2 =	simm.s32 @!p0 $0x1C01  }
0x9c: {  	[timem:s3], [sflag:s2] =	dma.local @!p0 [hbm:s0], s1  }
0x9d: {  	s0 =	simm.s32 @!p0 $0x1  }
0x9e: {  	_ =	swait.ge @!p0 [sflag:s0], s1  }
0x9f: {  	s1 =	ssub.s32 @!p0 $0x0, s1;
	[sflag:s0] =	ssyncset.done @!p0 $0x0  }
0xa0: {  	[sflag:s0] =	ssyncadd.s32 @!p0 s1  }
0xa1: {  	[bflag:$0x3] =	sbarrier.arrive $0xFFFF  }
0xa2: {  	_ =	shalt  }

</sc_bundles>
